<compile_context>
chip_gen: v7x
topology: tpu7x:2x2x1
jax: 0.10.2.dev20260603
libtpu: 0.0.44.dev20260713+nightly
codegen_flags: <defaults>
</compile_context>

<pallas_src>
import functools

import jax
import jax.numpy as jnp
from jax import lax
from jax.experimental import pallas as pl
from jax.experimental.pallas import tpu as pltpu
from jax.experimental.pallas import tpu_sc as plsc

B = 1024
S = 1024
D = 64
NC, NS = 2, 16
NW = NC * NS
BPW = B // NW
SCH = 128
NST = S // SCH
NCHUNK = BPW * NST
NBUF = 4

_mesh = plsc.VectorSubcoreMesh(
    core_axis_name="c", subcore_axis_name="s", num_cores=NC, num_subcores=NS
)


@functools.partial(
    pl.kernel,
    out_type=jax.ShapeDtypeStruct((B, D // 8, S // 128, 8, 128), jnp.float32),
    mesh=_mesh,
    scratch_types=(
        [pltpu.VMEM((SCH,), jnp.int32) for _ in range(NBUF)]
        + [pltpu.VMEM((SCH, D), jnp.float32) for _ in range(NBUF)]
        + [pltpu.VMEM((D // 8, 8, SCH + 1), jnp.float32) for _ in range(NBUF)]
        + [pltpu.SemaphoreType.DMA for _ in range(3 * NBUF)]
    ),
    compiler_params=pltpu.CompilerParams(
        use_tc_tiling_on_sc=False,
        needs_layout_passes=False,
        disable_bounds_checks=True,
    ),
)
def _embed(tv_hbm, table_hbm, pos_hbm, out_hbm, *scratch):
    idx = scratch[:NBUF]
    src = scratch[NBUF:2 * NBUF]
    obuf = scratch[2 * NBUF:3 * NBUF]
    sip = scratch[3 * NBUF:4 * NBUF]
    sg = scratch[4 * NBUF:5 * NBUF]
    so = scratch[5 * NBUF:6 * NBUF]
    wid = lax.axis_index("s") * NC + lax.axis_index("c")
    b0 = wid * BPW

    iota = lax.iota(jnp.int32, 16)
    dr = lax.rem(iota, 8)
    dt = [lax.div(iota, 8) + 2 * j for j in range(D // 16)]

    def start(g, b):
        bidx = b0 + g // NST
        s0 = lax.rem(g, NST) * SCH
        pltpu.async_copy(tv_hbm.at[bidx, pl.ds(s0, SCH)], idx[b], sip[b])
        pltpu.async_copy(pos_hbm.at[pl.ds(s0, SCH)], src[b], sip[b])

    def wait_ip(b):
        pltpu.make_async_copy(tv_hbm.at[0, pl.ds(0, SCH)], idx[b], sip[b]).wait()
        pltpu.make_async_copy(pos_hbm.at[pl.ds(0, SCH)], src[b], sip[b]).wait()

    def fire_gather(b):
        pltpu.async_copy(table_hbm.at[idx[b]], src[b], sg[b], add=True)

    def wait_g(b):
        pltpu.make_async_copy(pos_hbm.at[pl.ds(0, SCH)], src[b], sg[b]).wait()

    def transform(b):
        @pl.loop(0, SCH, unroll=4)
        def _row(i):
            ivec = jnp.full((16,), i, dtype=jnp.int32)
            for j in range(D // 16):
                v = src[b][i, pl.ds(16 * j, 16)]
                plsc.store_scatter(obuf[b], [dt[j], dr, ivec], v)

    def fire_out(g, b):
        bidx = b0 + g // NST
        st = lax.rem(g, NST)
        pltpu.async_copy(
            obuf[b].at[:, :, pl.ds(0, SCH)], out_hbm.at[bidx, :, st, :, :], so[b]
        )

    def wait_out(b):
        pltpu.make_async_copy(
            obuf[b].at[:, :, pl.ds(0, SCH)], out_hbm.at[0, :, 0, :, :], so[b]
        ).wait()

    for b in range(NBUF):
        start(b, b)
    for b in range(NBUF):
        wait_ip(b)
        fire_gather(b)

    @pl.loop(0, NCHUNK, step=NBUF)
    def _go(go):
        for b in range(NBUF):
            g = go + b
            wait_g(b)

            @pl.when(g >= NBUF)
            def _(b=b):
                wait_out(b)

            transform(b)
            fire_out(g, b)

            @pl.when(g + NBUF < NCHUNK)
            def _(g=g, b=b):
                start(g + NBUF, b)

        for b in range(NBUF):

            @pl.when(go + NBUF + b < NCHUNK)
            def _(b=b):
                wait_ip(b)
                fire_gather(b)

    for b in range(NBUF):
        wait_out(b)


def kernel(tile_values, value_table, pos_table):
    out = _embed(tile_values.astype(jnp.int32), value_table, pos_table)
    return out.transpose(0, 2, 4, 1, 3).reshape(B, S, D)

# --- scband reference (transcript-rebuilt; emitter-appended) ---
"""Pipeline reference for scband-embedder-25400436588934 (READ-ONLY COPY).

The authoritative reference and input builder live on the scoring server;
editing this copy changes nothing except your own understanding.
"""

import jax, jax.numpy as jnp
import numpy as np

BATCH = 1024
GRID = 32 * 32
EMBED_DIM = 64
NUM_TILE_TYPES = 100000

def setup_inputs(seed: int = 0) -> dict:
    key = jax.random.key(seed)
    k1, k2, k3 = jax.random.split(key, 3)
    tile_values = jax.random.randint(k1, (BATCH, GRID), 0, NUM_TILE_TYPES, dtype=jnp.int64 if jax.config.jax_enable_x64 else jnp.int32)
    value_table = jax.random.normal(k2, (NUM_TILE_TYPES, EMBED_DIM), dtype=jnp.float32) * 0.02
    pos_table = jax.random.normal(k3, (GRID, EMBED_DIM), dtype=jnp.float32) * 0.02
    return {"tile_values": tile_values, "value_table": value_table, "pos_table": pos_table}

def reference(tile_values, value_table, pos_table):
    batch, size = tile_values.shape
    pos_ids = jnp.arange(size)
    val_emb = jnp.take(value_table, tile_values, axis=0)           # [B, S, D] gather
    pos_emb = jnp.take(pos_table, pos_ids, axis=0)                 # [S, D] gather
    pos_emb = jnp.broadcast_to(pos_emb[None, :, :], (batch, size, pos_emb.shape[-1]))
    return val_emb + pos_emb

if __name__ == "__main__":
    import jax
    _d = setup_inputs()
    print(jax.jit(kernel)(*tuple(_d.values())))

</pallas_src>

<mosaic_0001>
#map = affine_map<(d0, d1) -> (0, 0)>
#map1 = affine_map<(d0, d1) -> (0, 0, 0, 0, 0)>
module attributes {stable_mosaic.version = 14 : i64} {
  func.func @_embed(%arg0: i32, %arg1: i32, %arg2: memref<1024x1024xi32, #tpu.memory_space<hbm>>, %arg3: memref<100000x64xf32, #tpu.memory_space<hbm>>, %arg4: memref<1024x64xf32, #tpu.memory_space<hbm>>, %arg5: memref<1024x8x8x8x128xf32, #tpu.memory_space<hbm>>, %arg6: memref<128xi32, #tpu.memory_space<vmem>>, %arg7: memref<128xi32, #tpu.memory_space<vmem>>, %arg8: memref<128xi32, #tpu.memory_space<vmem>>, %arg9: memref<128xi32, #tpu.memory_space<vmem>>, %arg10: memref<128x64xf32, #tpu.memory_space<vmem>>, %arg11: memref<128x64xf32, #tpu.memory_space<vmem>>, %arg12: memref<128x64xf32, #tpu.memory_space<vmem>>, %arg13: memref<128x64xf32, #tpu.memory_space<vmem>>, %arg14: memref<8x8x129xf32, #tpu.memory_space<vmem>>, %arg15: memref<8x8x129xf32, #tpu.memory_space<vmem>>, %arg16: memref<8x8x129xf32, #tpu.memory_space<vmem>>, %arg17: memref<8x8x129xf32, #tpu.memory_space<vmem>>, %arg18: memref<!tpu.dma_semaphore, #tpu.memory_space<semaphore_mem>>, %arg19: memref<!tpu.dma_semaphore, #tpu.memory_space<semaphore_mem>>, %arg20: memref<!tpu.dma_semaphore, #tpu.memory_space<semaphore_mem>>, %arg21: memref<!tpu.dma_semaphore, #tpu.memory_space<semaphore_mem>>, %arg22: memref<!tpu.dma_semaphore, #tpu.memory_space<semaphore_mem>>, %arg23: memref<!tpu.dma_semaphore, #tpu.memory_space<semaphore_mem>>, %arg24: memref<!tpu.dma_semaphore, #tpu.memory_space<semaphore_mem>>, %arg25: memref<!tpu.dma_semaphore, #tpu.memory_space<semaphore_mem>>, %arg26: memref<!tpu.dma_semaphore, #tpu.memory_space<semaphore_mem>>, %arg27: memref<!tpu.dma_semaphore, #tpu.memory_space<semaphore_mem>>, %arg28: memref<!tpu.dma_semaphore, #tpu.memory_space<semaphore_mem>>, %arg29: memref<!tpu.dma_semaphore, #tpu.memory_space<semaphore_mem>>) attributes {dimension_semantics = [#tpu.dimension_semantics<core_parallel>, #tpu.dimension_semantics<subcore_parallel>], iteration_bounds = array<i64: 2, 16>, scalar_prefetch = 0 : i64, scratch_operands = 24 : i64, tpu.core_type = #tpu.core_type<sc_vector_subcore>, window_params = [{transform_indices = #map}, {transform_indices = #map}, {transform_indices = #map}, {transform_indices = #map1}]} {
    %mul3A = arith.constant 2 : i32
    %mul3A_0 = arith.muli %arg1, %mul3A : i32
    %add3A = arith.addi %mul3A_0, %arg0 : i32
    %mul3A_1 = arith.constant 32 : i32
    %mul3A_2 = arith.muli %add3A, %mul3A_1 : i32
    %iota3A = tpu.iota {dimensions = array<i32: 0>} : vector<16xi32>
    %rem3A = arith.constant 8 : i32
    %rem3A_3 = vector.broadcast %rem3A : i32 to vector<16xi32>
    %rem3A_4 = arith.remsi %iota3A, %rem3A_3 : vector<16xi32>
    %div3A = arith.constant 8 : i32
    %div3A_5 = vector.broadcast %div3A : i32 to vector<16xi32>
    %div3A_6 = arith.divsi %iota3A, %div3A_5 : vector<16xi32>
    %add3A_7 = arith.constant 0 : i32
    %add3A_8 = vector.broadcast %add3A_7 : i32 to vector<16xi32>
    %add3A_9 = arith.addi %div3A_6, %add3A_8 : vector<16xi32>
    %div3A_10 = arith.constant 8 : i32
    %div3A_11 = vector.broadcast %div3A_10 : i32 to vector<16xi32>
    %div3A_12 = arith.divsi %iota3A, %div3A_11 : vector<16xi32>
    %add3A_13 = arith.constant 2 : i32
    %add3A_14 = vector.broadcast %add3A_13 : i32 to vector<16xi32>
    %add3A_15 = arith.addi %div3A_12, %add3A_14 : vector<16xi32>
    %div3A_16 = arith.constant 8 : i32
    %div3A_17 = vector.broadcast %div3A_16 : i32 to vector<16xi32>
    %div3A_18 = arith.divsi %iota3A, %div3A_17 : vector<16xi32>
    %add3A_19 = arith.constant 4 : i32
    %add3A_20 = vector.broadcast %add3A_19 : i32 to vector<16xi32>
    %add3A_21 = arith.addi %div3A_18, %add3A_20 : vector<16xi32>
    %div3A_22 = arith.constant 8 : i32
    %div3A_23 = vector.broadcast %div3A_22 : i32 to vector<16xi32>
    %div3A_24 = arith.divsi %iota3A, %div3A_23 : vector<16xi32>
    %add3A_25 = arith.constant 6 : i32
    %add3A_26 = vector.broadcast %add3A_25 : i32 to vector<16xi32>
    %add3A_27 = arith.addi %div3A_24, %add3A_26 : vector<16xi32>
    %add3A_28 = arith.constant 0 : i32
    %add3A_29 = arith.addi %mul3A_2, %add3A_28 : i32
    %rem3A_30 = arith.constant 0 : i32
    %rem3A_31 = arith.constant 8 : i32
    %rem3A_32 = arith.remsi %rem3A_30, %rem3A_31 : i32
    %mul3A_33 = arith.constant 128 : i32
    %mul3A_34 = arith.muli %rem3A_32, %mul3A_33 : i32
    %dma_start3A = tpu.memref_slice %arg2[%add3A_29, %mul3A_34] : memref<1024x1024xi32, #tpu.memory_space<hbm>> -> memref<1x128xi32, #tpu.memory_space<hbm>>
    %dma_start3A_35 = tpu.memref_squeeze %dma_start3A : memref<1x128xi32, #tpu.memory_space<hbm>> -> memref<128xi32, #tpu.memory_space<hbm>>
    %dma_start3A_36 = tpu.memref_slice %arg2[%add3A_29, %mul3A_34] : memref<1024x1024xi32, #tpu.memory_space<hbm>> -> memref<1x128xi32, #tpu.memory_space<hbm>>
    %dma_start3A_37 = tpu.memref_squeeze %dma_start3A_36 : memref<1x128xi32, #tpu.memory_space<hbm>> -> memref<128xi32, #tpu.memory_space<hbm>>
    tpu.enqueue_dma source(%dma_start3A_37 : memref<128xi32, #tpu.memory_space<hbm>>) target(%arg6 : memref<128xi32, #tpu.memory_space<vmem>>) target_semaphore(%arg18 : memref<!tpu.dma_semaphore, #tpu.memory_space<semaphore_mem>>)
    %dma_start3A_38 = arith.constant 0 : i32
    %dma_start3A_39 = tpu.memref_slice %arg4[%mul3A_34, %dma_start3A_38] : memref<1024x64xf32, #tpu.memory_space<hbm>> -> memref<128x64xf32, #tpu.memory_space<hbm>>
    %dma_start3A_40 = arith.constant 0 : i32
    %dma_start3A_41 = tpu.memref_slice %arg4[%mul3A_34, %dma_start3A_40] : memref<1024x64xf32, #tpu.memory_space<hbm>> -> memref<128x64xf32, #tpu.memory_space<hbm>>
    tpu.enqueue_dma source(%dma_start3A_41 : memref<128x64xf32, #tpu.memory_space<hbm>>) target(%arg10 : memref<128x64xf32, #tpu.memory_space<vmem>>) target_semaphore(%arg18 : memref<!tpu.dma_semaphore, #tpu.memory_space<semaphore_mem>>)
    %add3A_42 = arith.constant 0 : i32
    %add3A_43 = arith.addi %mul3A_2, %add3A_42 : i32
    %rem3A_44 = arith.constant 1 : i32
    %rem3A_45 = arith.constant 8 : i32
    %rem3A_46 = arith.remsi %rem3A_44, %rem3A_45 : i32
    %mul3A_47 = arith.constant 128 : i32
    %mul3A_48 = arith.muli %rem3A_46, %mul3A_47 : i32
    %dma_start3A_49 = tpu.memref_slice %arg2[%add3A_43, %mul3A_48] : memref<1024x1024xi32, #tpu.memory_space<hbm>> -> memref<1x128xi32, #tpu.memory_space<hbm>>
    %dma_start3A_50 = tpu.memref_squeeze %dma_start3A_49 : memref<1x128xi32, #tpu.memory_space<hbm>> -> memref<128xi32, #tpu.memory_space<hbm>>
    %dma_start3A_51 = tpu.memref_slice %arg2[%add3A_43, %mul3A_48] : memref<1024x1024xi32, #tpu.memory_space<hbm>> -> memref<1x128xi32, #tpu.memory_space<hbm>>
    %dma_start3A_52 = tpu.memref_squeeze %dma_start3A_51 : memref<1x128xi32, #tpu.memory_space<hbm>> -> memref<128xi32, #tpu.memory_space<hbm>>
    tpu.enqueue_dma source(%dma_start3A_52 : memref<128xi32, #tpu.memory_space<hbm>>) target(%arg7 : memref<128xi32, #tpu.memory_space<vmem>>) target_semaphore(%arg19 : memref<!tpu.dma_semaphore, #tpu.memory_space<semaphore_mem>>)
    %dma_start3A_53 = arith.constant 0 : i32
    %dma_start3A_54 = tpu.memref_slice %arg4[%mul3A_48, %dma_start3A_53] : memref<1024x64xf32, #tpu.memory_space<hbm>> -> memref<128x64xf32, #tpu.memory_space<hbm>>
    %dma_start3A_55 = arith.constant 0 : i32
    %dma_start3A_56 = tpu.memref_slice %arg4[%mul3A_48, %dma_start3A_55] : memref<1024x64xf32, #tpu.memory_space<hbm>> -> memref<128x64xf32, #tpu.memory_space<hbm>>
    tpu.enqueue_dma source(%dma_start3A_56 : memref<128x64xf32, #tpu.memory_space<hbm>>) target(%arg11 : memref<128x64xf32, #tpu.memory_space<vmem>>) target_semaphore(%arg19 : memref<!tpu.dma_semaphore, #tpu.memory_space<semaphore_mem>>)
    %add3A_57 = arith.constant 0 : i32
    %add3A_58 = arith.addi %mul3A_2, %add3A_57 : i32
    %rem3A_59 = arith.constant 2 : i32
    %rem3A_60 = arith.constant 8 : i32
    %rem3A_61 = arith.remsi %rem3A_59, %rem3A_60 : i32
    %mul3A_62 = arith.constant 128 : i32
    %mul3A_63 = arith.muli %rem3A_61, %mul3A_62 : i32
    %dma_start3A_64 = tpu.memref_slice %arg2[%add3A_58, %mul3A_63] : memref<1024x1024xi32, #tpu.memory_space<hbm>> -> memref<1x128xi32, #tpu.memory_space<hbm>>
    %dma_start3A_65 = tpu.memref_squeeze %dma_start3A_64 : memref<1x128xi32, #tpu.memory_space<hbm>> -> memref<128xi32, #tpu.memory_space<hbm>>
    %dma_start3A_66 = tpu.memref_slice %arg2[%add3A_58, %mul3A_63] : memref<1024x1024xi32, #tpu.memory_space<hbm>> -> memref<1x128xi32, #tpu.memory_space<hbm>>
    %dma_start3A_67 = tpu.memref_squeeze %dma_start3A_66 : memref<1x128xi32, #tpu.memory_space<hbm>> -> memref<128xi32, #tpu.memory_space<hbm>>
    tpu.enqueue_dma source(%dma_start3A_67 : memref<128xi32, #tpu.memory_space<hbm>>) target(%arg8 : memref<128xi32, #tpu.memory_space<vmem>>) target_semaphore(%arg20 : memref<!tpu.dma_semaphore, #tpu.memory_space<semaphore_mem>>)
    %dma_start3A_68 = arith.constant 0 : i32
    %dma_start3A_69 = tpu.memref_slice %arg4[%mul3A_63, %dma_start3A_68] : memref<1024x64xf32, #tpu.memory_space<hbm>> -> memref<128x64xf32, #tpu.memory_space<hbm>>
    %dma_start3A_70 = arith.constant 0 : i32
    %dma_start3A_71 = tpu.memref_slice %arg4[%mul3A_63, %dma_start3A_70] : memref<1024x64xf32, #tpu.memory_space<hbm>> -> memref<128x64xf32, #tpu.memory_space<hbm>>
    tpu.enqueue_dma source(%dma_start3A_71 : memref<128x64xf32, #tpu.memory_space<hbm>>) target(%arg12 : memref<128x64xf32, #tpu.memory_space<vmem>>) target_semaphore(%arg20 : memref<!tpu.dma_semaphore, #tpu.memory_space<semaphore_mem>>)
    %add3A_72 = arith.constant 0 : i32
    %add3A_73 = arith.addi %mul3A_2, %add3A_72 : i32
    %rem3A_74 = arith.constant 3 : i32
    %rem3A_75 = arith.constant 8 : i32
    %rem3A_76 = arith.remsi %rem3A_74, %rem3A_75 : i32
    %mul3A_77 = arith.constant 128 : i32
    %mul3A_78 = arith.muli %rem3A_76, %mul3A_77 : i32
    %dma_start3A_79 = tpu.memref_slice %arg2[%add3A_73, %mul3A_78] : memref<1024x1024xi32, #tpu.memory_space<hbm>> -> memref<1x128xi32, #tpu.memory_space<hbm>>
    %dma_start3A_80 = tpu.memref_squeeze %dma_start3A_79 : memref<1x128xi32, #tpu.memory_space<hbm>> -> memref<128xi32, #tpu.memory_space<hbm>>
    %dma_start3A_81 = tpu.memref_slice %arg2[%add3A_73, %mul3A_78] : memref<1024x1024xi32, #tpu.memory_space<hbm>> -> memref<1x128xi32, #tpu.memory_space<hbm>>
    %dma_start3A_82 = tpu.memref_squeeze %dma_start3A_81 : memref<1x128xi32, #tpu.memory_space<hbm>> -> memref<128xi32, #tpu.memory_space<hbm>>
    tpu.enqueue_dma source(%dma_start3A_82 : memref<128xi32, #tpu.memory_space<hbm>>) target(%arg9 : memref<128xi32, #tpu.memory_space<vmem>>) target_semaphore(%arg21 : memref<!tpu.dma_semaphore, #tpu.memory_space<semaphore_mem>>)
    %dma_start3A_83 = arith.constant 0 : i32
    %dma_start3A_84 = tpu.memref_slice %arg4[%mul3A_78, %dma_start3A_83] : memref<1024x64xf32, #tpu.memory_space<hbm>> -> memref<128x64xf32, #tpu.memory_space<hbm>>
    %dma_start3A_85 = arith.constant 0 : i32
    %dma_start3A_86 = tpu.memref_slice %arg4[%mul3A_78, %dma_start3A_85] : memref<1024x64xf32, #tpu.memory_space<hbm>> -> memref<128x64xf32, #tpu.memory_space<hbm>>
    tpu.enqueue_dma source(%dma_start3A_86 : memref<128x64xf32, #tpu.memory_space<hbm>>) target(%arg13 : memref<128x64xf32, #tpu.memory_space<vmem>>) target_semaphore(%arg21 : memref<!tpu.dma_semaphore, #tpu.memory_space<semaphore_mem>>)
    %dma_wait3A = arith.constant 0 : i32
    %dma_wait3A_87 = arith.constant 0 : i32
    %dma_wait3A_88 = tpu.memref_slice %arg2[%dma_wait3A, %dma_wait3A_87] : memref<1024x1024xi32, #tpu.memory_space<hbm>> -> memref<1x128xi32, #tpu.memory_space<hbm>>
    %dma_wait3A_89 = tpu.memref_squeeze %dma_wait3A_88 : memref<1x128xi32, #tpu.memory_space<hbm>> -> memref<128xi32, #tpu.memory_space<hbm>>
    %dma_wait3A_90 = arith.constant 0 : i32
    %dma_wait3A_91 = tpu.memref_slice %arg2[%dma_wait3A, %dma_wait3A_90] : memref<1024x1024xi32, #tpu.memory_space<hbm>> -> memref<1x128xi32, #tpu.memory_space<hbm>>
    %dma_wait3A_92 = tpu.memref_squeeze %dma_wait3A_91 : memref<1x128xi32, #tpu.memory_space<hbm>> -> memref<128xi32, #tpu.memory_space<hbm>>
    tpu.wait_dma2 semaphore(%arg18 : memref<!tpu.dma_semaphore, #tpu.memory_space<semaphore_mem>>) src(%dma_wait3A_92 : memref<128xi32, #tpu.memory_space<hbm>>) dst(%arg6 : memref<128xi32, #tpu.memory_space<vmem>>)
    %dma_wait3A_93 = arith.constant 0 : i32
    %dma_wait3A_94 = arith.constant 0 : i32
    %dma_wait3A_95 = tpu.memref_slice %arg4[%dma_wait3A_93, %dma_wait3A_94] : memref<1024x64xf32, #tpu.memory_space<hbm>> -> memref<128x64xf32, #tpu.memory_space<hbm>>
    %dma_wait3A_96 = arith.constant 0 : i32
    %dma_wait3A_97 = arith.constant 0 : i32
    %dma_wait3A_98 = tpu.memref_slice %arg4[%dma_wait3A_96, %dma_wait3A_97] : memref<1024x64xf32, #tpu.memory_space<hbm>> -> memref<128x64xf32, #tpu.memory_space<hbm>>
    tpu.wait_dma2 semaphore(%arg18 : memref<!tpu.dma_semaphore, #tpu.memory_space<semaphore_mem>>) src(%dma_wait3A_98 : memref<128x64xf32, #tpu.memory_space<hbm>>) dst(%arg10 : memref<128x64xf32, #tpu.memory_space<vmem>>)
    %dma_start3A_99 = arith.constant 0 : i32
    %dma_start3A_100 = arith.constant 0 : i32
    %dma_start3A_101 = tpu.memref_slice %arg3[%dma_start3A_99, %dma_start3A_100] : memref<100000x64xf32, #tpu.memory_space<hbm>> -> memref<100000x64xf32, #tpu.memory_space<hbm>>
    tpu.enqueue_indirect_dma source(%dma_start3A_101 : memref<100000x64xf32, #tpu.memory_space<hbm>>) target(%arg10 : memref<128x64xf32, #tpu.memory_space<vmem>>) offsets(%arg6 : memref<128xi32, #tpu.memory_space<vmem>>) semaphore(%arg22 : memref<!tpu.dma_semaphore, #tpu.memory_space<semaphore_mem>>) {add = true}
    %dma_wait3A_102 = arith.constant 0 : i32
    %dma_wait3A_103 = arith.constant 0 : i32
    %dma_wait3A_104 = tpu.memref_slice %arg2[%dma_wait3A_102, %dma_wait3A_103] : memref<1024x1024xi32, #tpu.memory_space<hbm>> -> memref<1x128xi32, #tpu.memory_space<hbm>>
    %dma_wait3A_105 = tpu.memref_squeeze %dma_wait3A_104 : memref<1x128xi32, #tpu.memory_space<hbm>> -> memref<128xi32, #tpu.memory_space<hbm>>
    %dma_wait3A_106 = arith.constant 0 : i32
    %dma_wait3A_107 = tpu.memref_slice %arg2[%dma_wait3A_102, %dma_wait3A_106] : memref<1024x1024xi32, #tpu.memory_space<hbm>> -> memref<1x128xi32, #tpu.memory_space<hbm>>
    %dma_wait3A_108 = tpu.memref_squeeze %dma_wait3A_107 : memref<1x128xi32, #tpu.memory_space<hbm>> -> memref<128xi32, #tpu.memory_space<hbm>>
    tpu.wait_dma2 semaphore(%arg19 : memref<!tpu.dma_semaphore, #tpu.memory_space<semaphore_mem>>) src(%dma_wait3A_108 : memref<128xi32, #tpu.memory_space<hbm>>) dst(%arg7 : memref<128xi32, #tpu.memory_space<vmem>>)
    %dma_wait3A_109 = arith.constant 0 : i32
    %dma_wait3A_110 = arith.constant 0 : i32
    %dma_wait3A_111 = tpu.memref_slice %arg4[%dma_wait3A_109, %dma_wait3A_110] : memref<1024x64xf32, #tpu.memory_space<hbm>> -> memref<128x64xf32, #tpu.memory_space<hbm>>
    %dma_wait3A_112 = arith.constant 0 : i32
    %dma_wait3A_113 = arith.constant 0 : i32
    %dma_wait3A_114 = tpu.memref_slice %arg4[%dma_wait3A_112, %dma_wait3A_113] : memref<1024x64xf32, #tpu.memory_space<hbm>> -> memref<128x64xf32, #tpu.memory_space<hbm>>
    tpu.wait_dma2 semaphore(%arg19 : memref<!tpu.dma_semaphore, #tpu.memory_space<semaphore_mem>>) src(%dma_wait3A_114 : memref<128x64xf32, #tpu.memory_space<hbm>>) dst(%arg11 : memref<128x64xf32, #tpu.memory_space<vmem>>)
    %dma_start3A_115 = arith.constant 0 : i32
    %dma_start3A_116 = arith.constant 0 : i32
    %dma_start3A_117 = tpu.memref_slice %arg3[%dma_start3A_115, %dma_start3A_116] : memref<100000x64xf32, #tpu.memory_space<hbm>> -> memref<100000x64xf32, #tpu.memory_space<hbm>>
    tpu.enqueue_indirect_dma source(%dma_start3A_117 : memref<100000x64xf32, #tpu.memory_space<hbm>>) target(%arg11 : memref<128x64xf32, #tpu.memory_space<vmem>>) offsets(%arg7 : memref<128xi32, #tpu.memory_space<vmem>>) semaphore(%arg23 : memref<!tpu.dma_semaphore, #tpu.memory_space<semaphore_mem>>) {add = true}
    %dma_wait3A_118 = arith.constant 0 : i32
    %dma_wait3A_119 = arith.constant 0 : i32
    %dma_wait3A_120 = tpu.memref_slice %arg2[%dma_wait3A_118, %dma_wait3A_119] : memref<1024x1024xi32, #tpu.memory_space<hbm>> -> memref<1x128xi32, #tpu.memory_space<hbm>>
    %dma_wait3A_121 = tpu.memref_squeeze %dma_wait3A_120 : memref<1x128xi32, #tpu.memory_space<hbm>> -> memref<128xi32, #tpu.memory_space<hbm>>
    %dma_wait3A_122 = arith.constant 0 : i32
    %dma_wait3A_123 = tpu.memref_slice %arg2[%dma_wait3A_118, %dma_wait3A_122] : memref<1024x1024xi32, #tpu.memory_space<hbm>> -> memref<1x128xi32, #tpu.memory_space<hbm>>
    %dma_wait3A_124 = tpu.memref_squeeze %dma_wait3A_123 : memref<1x128xi32, #tpu.memory_space<hbm>> -> memref<128xi32, #tpu.memory_space<hbm>>
    tpu.wait_dma2 semaphore(%arg20 : memref<!tpu.dma_semaphore, #tpu.memory_space<semaphore_mem>>) src(%dma_wait3A_124 : memref<128xi32, #tpu.memory_space<hbm>>) dst(%arg8 : memref<128xi32, #tpu.memory_space<vmem>>)
    %dma_wait3A_125 = arith.constant 0 : i32
    %dma_wait3A_126 = arith.constant 0 : i32
    %dma_wait3A_127 = tpu.memref_slice %arg4[%dma_wait3A_125, %dma_wait3A_126] : memref<1024x64xf32, #tpu.memory_space<hbm>> -> memref<128x64xf32, #tpu.memory_space<hbm>>
    %dma_wait3A_128 = arith.constant 0 : i32
    %dma_wait3A_129 = arith.constant 0 : i32
    %dma_wait3A_130 = tpu.memref_slice %arg4[%dma_wait3A_128, %dma_wait3A_129] : memref<1024x64xf32, #tpu.memory_space<hbm>> -> memref<128x64xf32, #tpu.memory_space<hbm>>
    tpu.wait_dma2 semaphore(%arg20 : memref<!tpu.dma_semaphore, #tpu.memory_space<semaphore_mem>>) src(%dma_wait3A_130 : memref<128x64xf32, #tpu.memory_space<hbm>>) dst(%arg12 : memref<128x64xf32, #tpu.memory_space<vmem>>)
    %dma_start3A_131 = arith.constant 0 : i32
    %dma_start3A_132 = arith.constant 0 : i32
    %dma_start3A_133 = tpu.memref_slice %arg3[%dma_start3A_131, %dma_start3A_132] : memref<100000x64xf32, #tpu.memory_space<hbm>> -> memref<100000x64xf32, #tpu.memory_space<hbm>>
    tpu.enqueue_indirect_dma source(%dma_start3A_133 : memref<100000x64xf32, #tpu.memory_space<hbm>>) target(%arg12 : memref<128x64xf32, #tpu.memory_space<vmem>>) offsets(%arg8 : memref<128xi32, #tpu.memory_space<vmem>>) semaphore(%arg24 : memref<!tpu.dma_semaphore, #tpu.memory_space<semaphore_mem>>) {add = true}
    %dma_wait3A_134 = arith.constant 0 : i32
    %dma_wait3A_135 = arith.constant 0 : i32
    %dma_wait3A_136 = tpu.memref_slice %arg2[%dma_wait3A_134, %dma_wait3A_135] : memref<1024x1024xi32, #tpu.memory_space<hbm>> -> memref<1x128xi32, #tpu.memory_space<hbm>>
    %dma_wait3A_137 = tpu.memref_squeeze %dma_wait3A_136 : memref<1x128xi32, #tpu.memory_space<hbm>> -> memref<128xi32, #tpu.memory_space<hbm>>
    %dma_wait3A_138 = arith.constant 0 : i32
    %dma_wait3A_139 = tpu.memref_slice %arg2[%dma_wait3A_134, %dma_wait3A_138] : memref<1024x1024xi32, #tpu.memory_space<hbm>> -> memref<1x128xi32, #tpu.memory_space<hbm>>
    %dma_wait3A_140 = tpu.memref_squeeze %dma_wait3A_139 : memref<1x128xi32, #tpu.memory_space<hbm>> -> memref<128xi32, #tpu.memory_space<hbm>>
    tpu.wait_dma2 semaphore(%arg21 : memref<!tpu.dma_semaphore, #tpu.memory_space<semaphore_mem>>) src(%dma_wait3A_140 : memref<128xi32, #tpu.memory_space<hbm>>) dst(%arg9 : memref<128xi32, #tpu.memory_space<vmem>>)
    %dma_wait3A_141 = arith.constant 0 : i32
    %dma_wait3A_142 = arith.constant 0 : i32
    %dma_wait3A_143 = tpu.memref_slice %arg4[%dma_wait3A_141, %dma_wait3A_142] : memref<1024x64xf32, #tpu.memory_space<hbm>> -> memref<128x64xf32, #tpu.memory_space<hbm>>
    %dma_wait3A_144 = arith.constant 0 : i32
    %dma_wait3A_145 = arith.constant 0 : i32
    %dma_wait3A_146 = tpu.memref_slice %arg4[%dma_wait3A_144, %dma_wait3A_145] : memref<1024x64xf32, #tpu.memory_space<hbm>> -> memref<128x64xf32, #tpu.memory_space<hbm>>
    tpu.wait_dma2 semaphore(%arg21 : memref<!tpu.dma_semaphore, #tpu.memory_space<semaphore_mem>>) src(%dma_wait3A_146 : memref<128x64xf32, #tpu.memory_space<hbm>>) dst(%arg13 : memref<128x64xf32, #tpu.memory_space<vmem>>)
    %dma_start3A_147 = arith.constant 0 : i32
    %dma_start3A_148 = arith.constant 0 : i32
    %dma_start3A_149 = tpu.memref_slice %arg3[%dma_start3A_147, %dma_start3A_148] : memref<100000x64xf32, #tpu.memory_space<hbm>> -> memref<100000x64xf32, #tpu.memory_space<hbm>>
    tpu.enqueue_indirect_dma source(%dma_start3A_149 : memref<100000x64xf32, #tpu.memory_space<hbm>>) target(%arg13 : memref<128x64xf32, #tpu.memory_space<vmem>>) offsets(%arg9 : memref<128xi32, #tpu.memory_space<vmem>>) semaphore(%arg25 : memref<!tpu.dma_semaphore, #tpu.memory_space<semaphore_mem>>) {add = true}
    %scan3A = arith.constant 0 : i32
    %scan3A_150 = arith.constant 64 : i32
    %scan3A_151 = arith.addi %scan3A, %scan3A_150 : i32
    %scan3A_152 = arith.constant 1 : i32
    scf.for %scan3A_234 = %scan3A to %scan3A_151 step %scan3A_152  : i32 {
      %mul3A_235 = arith.constant 4 : i32
      %mul3A_236 = arith.muli %scan3A_234, %mul3A_235 : i32
      %add3A_237 = arith.constant 0 : i32
      %add3A_238 = arith.addi %add3A_237, %mul3A_236 : i32
      %add3A_239 = arith.constant 0 : i32
      %add3A_240 = arith.addi %add3A_238, %add3A_239 : i32
      %dma_wait3A_241 = arith.constant 0 : i32
      %dma_wait3A_242 = arith.constant 0 : i32
      %dma_wait3A_243 = tpu.memref_slice %arg4[%dma_wait3A_241, %dma_wait3A_242] : memref<1024x64xf32, #tpu.memory_space<hbm>> -> memref<128x64xf32, #tpu.memory_space<hbm>>
      %dma_wait3A_244 = arith.constant 0 : i32
      %dma_wait3A_245 = arith.constant 0 : i32
      %dma_wait3A_246 = tpu.memref_slice %arg4[%dma_wait3A_244, %dma_wait3A_245] : memref<1024x64xf32, #tpu.memory_space<hbm>> -> memref<128x64xf32, #tpu.memory_space<hbm>>
      tpu.wait_dma2 semaphore(%arg22 : memref<!tpu.dma_semaphore, #tpu.memory_space<semaphore_mem>>) src(%dma_wait3A_246 : memref<128x64xf32, #tpu.memory_space<hbm>>) dst(%arg10 : memref<128x64xf32, #tpu.memory_space<vmem>>)
      %ge3A = arith.constant 4 : i32
      %ge3A_247 = arith.cmpi sge, %add3A_240, %ge3A : i32
      %convert_element_type3A = arith.extui %ge3A_247 : i1 to i32
      %cond3A = arith.constant 0 : i32
      %cond3A_248 = arith.cmpi ne, %convert_element_type3A, %cond3A : i32
      scf.if %cond3A_248 {
        %dma_wait3A_545 = arith.constant 0 : i32
        %dma_wait3A_546 = arith.constant 0 : i32
        %dma_wait3A_547 = arith.constant 0 : i32
        %dma_wait3A_548 = arith.constant 0 : i32
        %dma_wait3A_549 = arith.constant 0 : i32
        %dma_wait3A_550 = tpu.memref_slice %arg14[%dma_wait3A_547, %dma_wait3A_548, %dma_wait3A_549] : memref<8x8x129xf32, #tpu.memory_space<vmem>> -> memref<8x8x128xf32, #tpu.memory_space<vmem>>
        %dma_wait3A_551 = arith.constant 0 : i32
        %dma_wait3A_552 = arith.constant 0 : i32
        %dma_wait3A_553 = arith.constant 0 : i32
        %dma_wait3A_554 = tpu.memref_slice %arg5[%dma_wait3A_545, %dma_wait3A_551, %dma_wait3A_546, %dma_wait3A_552, %dma_wait3A_553] : memref<1024x8x8x8x128xf32, #tpu.memory_space<hbm>> -> memref<1x8x1x8x128xf32, #tpu.memory_space<hbm>>
        %dma_wait3A_555 = tpu.memref_squeeze %dma_wait3A_554 : memref<1x8x1x8x128xf32, #tpu.memory_space<hbm>> -> memref<8x8x128xf32, #tpu.memory_space<hbm>>
        %dma_wait3A_556 = arith.constant 0 : i32
        %dma_wait3A_557 = arith.constant 0 : i32
        %dma_wait3A_558 = arith.constant 0 : i32
        %dma_wait3A_559 = tpu.memref_slice %arg5[%dma_wait3A_545, %dma_wait3A_556, %dma_wait3A_546, %dma_wait3A_557, %dma_wait3A_558] : memref<1024x8x8x8x128xf32, #tpu.memory_space<hbm>> -> memref<1x8x1x8x128xf32, #tpu.memory_space<hbm>>
        %dma_wait3A_560 = tpu.memref_squeeze %dma_wait3A_559 : memref<1x8x1x8x128xf32, #tpu.memory_space<hbm>> -> memref<8x8x128xf32, #tpu.memory_space<hbm>>
        %dma_wait3A_561 = arith.constant 0 : i32
        %dma_wait3A_562 = arith.constant 0 : i32
        %dma_wait3A_563 = arith.constant 0 : i32
        %dma_wait3A_564 = tpu.memref_slice %arg14[%dma_wait3A_561, %dma_wait3A_562, %dma_wait3A_563] : memref<8x8x129xf32, #tpu.memory_space<vmem>> -> memref<8x8x128xf32, #tpu.memory_space<vmem>>
        tpu.wait_dma2 semaphore(%arg26 : memref<!tpu.dma_semaphore, #tpu.memory_space<semaphore_mem>>) src(%dma_wait3A_564 : memref<8x8x128xf32, #tpu.memory_space<vmem>>) dst(%dma_wait3A_560 : memref<8x8x128xf32, #tpu.memory_space<hbm>>)
      } else {
      }
      %scan3A_249 = arith.constant 0 : i32
      %scan3A_250 = arith.constant 128 : i32
      %scan3A_251 = arith.addi %scan3A_249, %scan3A_250 : i32
      %scan3A_252 = arith.constant 4 : i32
      scf.for %scan3A_545 = %scan3A_249 to %scan3A_251 step %scan3A_252  : i32 {
        %mul3A_546 = arith.constant 1 : i32
        %mul3A_547 = arith.muli %scan3A_545, %mul3A_546 : i32
        %add3A_548 = arith.constant 0 : i32
        %add3A_549 = arith.addi %add3A_548, %mul3A_547 : i32
        %broadcast_in_dim3A = vector.broadcast %add3A_549 : i32 to vector<16xi32>
        %get3A = arith.index_cast %add3A_549 : i32 to index
        %get3A_550 = arith.constant 0 : index
        %get3A_551 = tpu.vector_load %arg10[%get3A, %get3A_550] {strides = array<i32>} : memref<128x64xf32, #tpu.memory_space<vmem>>, vector<16xf32>,
        tpu.vector_store_idx %arg14[%add3A_9, %rem3A_4, %broadcast_in_dim3A], %get3A_551 : memref<8x8x129xf32, #tpu.memory_space<vmem>>[vector<16xi32>, vector<16xi32>, vector<16xi32>], vector<16xf32>,
        %get3A_552 = arith.index_cast %add3A_549 : i32 to index
        %get3A_553 = arith.constant 16 : index
        %get3A_554 = tpu.vector_load %arg10[%get3A_552, %get3A_553] {strides = array<i32>} : memref<128x64xf32, #tpu.memory_space<vmem>>, vector<16xf32>,
        tpu.vector_store_idx %arg14[%add3A_15, %rem3A_4, %broadcast_in_dim3A], %get3A_554 : memref<8x8x129xf32, #tpu.memory_space<vmem>>[vector<16xi32>, vector<16xi32>, vector<16xi32>], vector<16xf32>,
        %get3A_555 = arith.index_cast %add3A_549 : i32 to index
        %get3A_556 = arith.constant 32 : index
        %get3A_557 = tpu.vector_load %arg10[%get3A_555, %get3A_556] {strides = array<i32>} : memref<128x64xf32, #tpu.memory_space<vmem>>, vector<16xf32>,
        tpu.vector_store_idx %arg14[%add3A_21, %rem3A_4, %broadcast_in_dim3A], %get3A_557 : memref<8x8x129xf32, #tpu.memory_space<vmem>>[vector<16xi32>, vector<16xi32>, vector<16xi32>], vector<16xf32>,
        %get3A_558 = arith.index_cast %add3A_549 : i32 to index
        %get3A_559 = arith.constant 48 : index
        %get3A_560 = tpu.vector_load %arg10[%get3A_558, %get3A_559] {strides = array<i32>} : memref<128x64xf32, #tpu.memory_space<vmem>>, vector<16xf32>,
        tpu.vector_store_idx %arg14[%add3A_27, %rem3A_4, %broadcast_in_dim3A], %get3A_560 : memref<8x8x129xf32, #tpu.memory_space<vmem>>[vector<16xi32>, vector<16xi32>, vector<16xi32>], vector<16xf32>,
        %scan3A_561 = arith.constant 1 : i32
        %scan3A_562 = arith.addi %scan3A_545, %scan3A_561 : i32
        %mul3A_563 = arith.constant 1 : i32
        %mul3A_564 = arith.muli %scan3A_562, %mul3A_563 : i32
        %add3A_565 = arith.constant 0 : i32
        %add3A_566 = arith.addi %add3A_565, %mul3A_564 : i32
        %broadcast_in_dim3A_567 = vector.broadcast %add3A_566 : i32 to vector<16xi32>
        %get3A_568 = arith.index_cast %add3A_566 : i32 to index
        %get3A_569 = arith.constant 0 : index
        %get3A_570 = tpu.vector_load %arg10[%get3A_568, %get3A_569] {strides = array<i32>} : memref<128x64xf32, #tpu.memory_space<vmem>>, vector<16xf32>,
        tpu.vector_store_idx %arg14[%add3A_9, %rem3A_4, %broadcast_in_dim3A_567], %get3A_570 : memref<8x8x129xf32, #tpu.memory_space<vmem>>[vector<16xi32>, vector<16xi32>, vector<16xi32>], vector<16xf32>,
        %get3A_571 = arith.index_cast %add3A_566 : i32 to index
        %get3A_572 = arith.constant 16 : index
        %get3A_573 = tpu.vector_load %arg10[%get3A_571, %get3A_572] {strides = array<i32>} : memref<128x64xf32, #tpu.memory_space<vmem>>, vector<16xf32>,
        tpu.vector_store_idx %arg14[%add3A_15, %rem3A_4, %broadcast_in_dim3A_567], %get3A_573 : memref<8x8x129xf32, #tpu.memory_space<vmem>>[vector<16xi32>, vector<16xi32>, vector<16xi32>], vector<16xf32>,
        %get3A_574 = arith.index_cast %add3A_566 : i32 to index
        %get3A_575 = arith.constant 32 : index
        %get3A_576 = tpu.vector_load %arg10[%get3A_574, %get3A_575] {strides = array<i32>} : memref<128x64xf32, #tpu.memory_space<vmem>>, vector<16xf32>,
        tpu.vector_store_idx %arg14[%add3A_21, %rem3A_4, %broadcast_in_dim3A_567], %get3A_576 : memref<8x8x129xf32, #tpu.memory_space<vmem>>[vector<16xi32>, vector<16xi32>, vector<16xi32>], vector<16xf32>,
        %get3A_577 = arith.index_cast %add3A_566 : i32 to index
        %get3A_578 = arith.constant 48 : index
        %get3A_579 = tpu.vector_load %arg10[%get3A_577, %get3A_578] {strides = array<i32>} : memref<128x64xf32, #tpu.memory_space<vmem>>, vector<16xf32>,
        tpu.vector_store_idx %arg14[%add3A_27, %rem3A_4, %broadcast_in_dim3A_567], %get3A_579 : memref<8x8x129xf32, #tpu.memory_space<vmem>>[vector<16xi32>, vector<16xi32>, vector<16xi32>], vector<16xf32>,
        %scan3A_580 = arith.constant 2 : i32
        %scan3A_581 = arith.addi %scan3A_545, %scan3A_580 : i32
        %mul3A_582 = arith.constant 1 : i32
        %mul3A_583 = arith.muli %scan3A_581, %mul3A_582 : i32
        %add3A_584 = arith.constant 0 : i32
        %add3A_585 = arith.addi %add3A_584, %mul3A_583 : i32
        %broadcast_in_dim3A_586 = vector.broadcast %add3A_585 : i32 to vector<16xi32>
        %get3A_587 = arith.index_cast %add3A_585 : i32 to index
        %get3A_588 = arith.constant 0 : index
        %get3A_589 = tpu.vector_load %arg10[%get3A_587, %get3A_588] {strides = array<i32>} : memref<128x64xf32, #tpu.memory_space<vmem>>, vector<16xf32>,
        tpu.vector_store_idx %arg14[%add3A_9, %rem3A_4, %broadcast_in_dim3A_586], %get3A_589 : memref<8x8x129xf32, #tpu.memory_space<vmem>>[vector<16xi32>, vector<16xi32>, vector<16xi32>], vector<16xf32>,
        %get3A_590 = arith.index_cast %add3A_585 : i32 to index
        %get3A_591 = arith.constant 16 : index
        %get3A_592 = tpu.vector_load %arg10[%get3A_590, %get3A_591] {strides = array<i32>} : memref<128x64xf32, #tpu.memory_space<vmem>>, vector<16xf32>,
        tpu.vector_store_idx %arg14[%add3A_15, %rem3A_4, %broadcast_in_dim3A_586], %get3A_592 : memref<8x8x129xf32, #tpu.memory_space<vmem>>[vector<16xi32>, vector<16xi32>, vector<16xi32>], vector<16xf32>,
        %get3A_593 = arith.index_cast %add3A_585 : i32 to index
        %get3A_594 = arith.constant 32 : index
        %get3A_595 = tpu.vector_load %arg10[%get3A_593, %get3A_594] {strides = array<i32>} : memref<128x64xf32, #tpu.memory_space<vmem>>, vector<16xf32>,
        tpu.vector_store_idx %arg14[%add3A_21, %rem3A_4, %broadcast_in_dim3A_586], %get3A_595 : memref<8x8x129xf32, #tpu.memory_space<vmem>>[vector<16xi32>, vector<16xi32>, vector<16xi32>], vector<16xf32>,
        %get3A_596 = arith.index_cast %add3A_585 : i32 to index
        %get3A_597 = arith.constant 48 : index
        %get3A_598 = tpu.vector_load %arg10[%get3A_596, %get3A_597] {strides = array<i32>} : memref<128x64xf32, #tpu.memory_space<vmem>>, vector<16xf32>,
        tpu.vector_store_idx %arg14[%add3A_27, %rem3A_4, %broadcast_in_dim3A_586], %get3A_598 : memref<8x8x129xf32, #tpu.memory_space<vmem>>[vector<16xi32>, vector<16xi32>, vector<16xi32>], vector<16xf32>,
        %scan3A_599 = arith.constant 3 : i32
        %scan3A_600 = arith.addi %scan3A_545, %scan3A_599 : i32
        %mul3A_601 = arith.constant 1 : i32
        %mul3A_602 = arith.muli %scan3A_600, %mul3A_601 : i32
        %add3A_603 = arith.constant 0 : i32
        %add3A_604 = arith.addi %add3A_603, %mul3A_602 : i32
        %broadcast_in_dim3A_605 = vector.broadcast %add3A_604 : i32 to vector<16xi32>
        %get3A_606 = arith.index_cast %add3A_604 : i32 to index
        %get3A_607 = arith.constant 0 : index
        %get3A_608 = tpu.vector_load %arg10[%get3A_606, %get3A_607] {strides = array<i32>} : memref<128x64xf32, #tpu.memory_space<vmem>>, vector<16xf32>,
        tpu.vector_store_idx %arg14[%add3A_9, %rem3A_4, %broadcast_in_dim3A_605], %get3A_608 : memref<8x8x129xf32, #tpu.memory_space<vmem>>[vector<16xi32>, vector<16xi32>, vector<16xi32>], vector<16xf32>,
        %get3A_609 = arith.index_cast %add3A_604 : i32 to index
        %get3A_610 = arith.constant 16 : index
        %get3A_611 = tpu.vector_load %arg10[%get3A_609, %get3A_610] {strides = array<i32>} : memref<128x64xf32, #tpu.memory_space<vmem>>, vector<16xf32>,
        tpu.vector_store_idx %arg14[%add3A_15, %rem3A_4, %broadcast_in_dim3A_605], %get3A_611 : memref<8x8x129xf32, #tpu.memory_space<vmem>>[vector<16xi32>, vector<16xi32>, vector<16xi32>], vector<16xf32>,
        %get3A_612 = arith.index_cast %add3A_604 : i32 to index
        %get3A_613 = arith.constant 32 : index
        %get3A_614 = tpu.vector_load %arg10[%get3A_612, %get3A_613] {strides = array<i32>} : memref<128x64xf32, #tpu.memory_space<vmem>>, vector<16xf32>,
        tpu.vector_store_idx %arg14[%add3A_21, %rem3A_4, %broadcast_in_dim3A_605], %get3A_614 : memref<8x8x129xf32, #tpu.memory_space<vmem>>[vector<16xi32>, vector<16xi32>, vector<16xi32>], vector<16xf32>,
        %get3A_615 = arith.index_cast %add3A_604 : i32 to index
        %get3A_616 = arith.constant 48 : index
        %get3A_617 = tpu.vector_load %arg10[%get3A_615, %get3A_616] {strides = array<i32>} : memref<128x64xf32, #tpu.memory_space<vmem>>, vector<16xf32>,
        tpu.vector_store_idx %arg14[%add3A_27, %rem3A_4, %broadcast_in_dim3A_605], %get3A_617 : memref<8x8x129xf32, #tpu.memory_space<vmem>>[vector<16xi32>, vector<16xi32>, vector<16xi32>], vector<16xf32>,
      }
      %scan3A_253 = arith.constant 128 : i32
      %jit3A = arith.constant 8 : i32
      %div3A_254 = arith.divsi %add3A_240, %jit3A : i32
      %sign3A = arith.constant 0 : i32
      %sign3A_255 = arith.cmpi sgt, %add3A_240, %sign3A : i32
      %sign3A_256 = arith.extui %sign3A_255 : i1 to i32
      %sign3A_257 = arith.constant 0 : i32
      %sign3A_258 = arith.cmpi slt, %add3A_240, %sign3A_257 : i32
      %sign3A_259 = arith.extui %sign3A_258 : i1 to i32
      %sign3A_260 = arith.subi %sign3A_256, %sign3A_259 : i32
      %sign3A_261 = arith.constant 0 : i32
      %sign3A_262 = arith.cmpi sgt, %jit3A, %sign3A_261 : i32
      %sign3A_263 = arith.extui %sign3A_262 : i1 to i32
      %sign3A_264 = arith.constant 0 : i32
      %sign3A_265 = arith.cmpi slt, %jit3A, %sign3A_264 : i32
      %sign3A_266 = arith.extui %sign3A_265 : i1 to i32
      %sign3A_267 = arith.subi %sign3A_263, %sign3A_266 : i32
      %ne3A = arith.cmpi ne, %sign3A_260, %sign3A_267 : i32
      %rem3A_268 = arith.remsi %add3A_240, %jit3A : i32
      %ne3A_269 = arith.constant 0 : i32
      %ne3A_270 = arith.cmpi ne, %rem3A_268, %ne3A_269 : i32
      %and3A = arith.andi %ne3A, %ne3A_270 : i1
      %sub3A = arith.constant 1 : i32
      %sub3A_271 = arith.subi %div3A_254, %sub3A : i32
      %select_n3A = arith.select %and3A, %sub3A_271, %div3A_254 : i32
      %add3A_272 = arith.addi %mul3A_2, %select_n3A : i32
      %rem3A_273 = arith.constant 8 : i32
      %rem3A_274 = arith.remsi %add3A_240, %rem3A_273 : i32
      %dma_start3A_275 = arith.constant 0 : i32
      %dma_start3A_276 = arith.constant 0 : i32
      %dma_start3A_277 = arith.constant 0 : i32
      %dma_start3A_278 = tpu.memref_slice %arg14[%dma_start3A_275, %dma_start3A_276, %dma_start3A_277] : memref<8x8x129xf32, #tpu.memory_space<vmem>> -> memref<8x8x128xf32, #tpu.memory_space<vmem>>
      %dma_start3A_279 = arith.constant 0 : i32
      %dma_start3A_280 = arith.constant 0 : i32
      %dma_start3A_281 = arith.constant 0 : i32
      %dma_start3A_282 = tpu.memref_slice %arg5[%add3A_272, %dma_start3A_279, %rem3A_274, %dma_start3A_280, %dma_start3A_281] : memref<1024x8x8x8x128xf32, #tpu.memory_space<hbm>> -> memref<1x8x1x8x128xf32, #tpu.memory_space<hbm>>
      %dma_start3A_283 = tpu.memref_squeeze %dma_start3A_282 : memref<1x8x1x8x128xf32, #tpu.memory_space<hbm>> -> memref<8x8x128xf32, #tpu.memory_space<hbm>>
      %dma_start3A_284 = arith.constant 0 : i32
      %dma_start3A_285 = arith.constant 0 : i32
      %dma_start3A_286 = arith.constant 0 : i32
      %dma_start3A_287 = tpu.memref_slice %arg5[%add3A_272, %dma_start3A_284, %rem3A_274, %dma_start3A_285, %dma_start3A_286] : memref<1024x8x8x8x128xf32, #tpu.memory_space<hbm>> -> memref<1x8x1x8x128xf32, #tpu.memory_space<hbm>>
      %dma_start3A_288 = tpu.memref_squeeze %dma_start3A_287 : memref<1x8x1x8x128xf32, #tpu.memory_space<hbm>> -> memref<8x8x128xf32, #tpu.memory_space<hbm>>
      %dma_start3A_289 = arith.constant 0 : i32
      %dma_start3A_290 = arith.constant 0 : i32
      %dma_start3A_291 = arith.constant 0 : i32
      %dma_start3A_292 = tpu.memref_slice %arg14[%dma_start3A_289, %dma_start3A_290, %dma_start3A_291] : memref<8x8x129xf32, #tpu.memory_space<vmem>> -> memref<8x8x128xf32, #tpu.memory_space<vmem>>
      tpu.enqueue_dma source(%dma_start3A_292 : memref<8x8x128xf32, #tpu.memory_space<vmem>>) target(%dma_start3A_288 : memref<8x8x128xf32, #tpu.memory_space<hbm>>) target_semaphore(%arg26 : memref<!tpu.dma_semaphore, #tpu.memory_space<semaphore_mem>>)
      %add3A_293 = arith.constant 4 : i32
      %add3A_294 = arith.addi %add3A_240, %add3A_293 : i32
      %lt3A = arith.constant 256 : i32
      %lt3A_295 = arith.cmpi slt, %add3A_294, %lt3A : i32
      %convert_element_type3A_296 = arith.extui %lt3A_295 : i1 to i32
      %cond3A_297 = arith.constant 0 : i32
      %cond3A_298 = arith.cmpi ne, %convert_element_type3A_296, %cond3A_297 : i32
      scf.if %cond3A_298 {
        %add3A_545 = arith.constant 4 : i32
        %add3A_546 = arith.addi %add3A_240, %add3A_545 : i32
        %jit3A_547 = arith.constant 8 : i32
        %div3A_548 = arith.divsi %add3A_546, %jit3A_547 : i32
        %sign3A_549 = arith.constant 0 : i32
        %sign3A_550 = arith.cmpi sgt, %add3A_546, %sign3A_549 : i32
        %sign3A_551 = arith.extui %sign3A_550 : i1 to i32
        %sign3A_552 = arith.constant 0 : i32
        %sign3A_553 = arith.cmpi slt, %add3A_546, %sign3A_552 : i32
        %sign3A_554 = arith.extui %sign3A_553 : i1 to i32
        %sign3A_555 = arith.subi %sign3A_551, %sign3A_554 : i32
        %sign3A_556 = arith.constant 0 : i32
        %sign3A_557 = arith.cmpi sgt, %jit3A_547, %sign3A_556 : i32
        %sign3A_558 = arith.extui %sign3A_557 : i1 to i32
        %sign3A_559 = arith.constant 0 : i32
        %sign3A_560 = arith.cmpi slt, %jit3A_547, %sign3A_559 : i32
        %sign3A_561 = arith.extui %sign3A_560 : i1 to i32
        %sign3A_562 = arith.subi %sign3A_558, %sign3A_561 : i32
        %ne3A_563 = arith.cmpi ne, %sign3A_555, %sign3A_562 : i32
        %rem3A_564 = arith.remsi %add3A_546, %jit3A_547 : i32
        %ne3A_565 = arith.constant 0 : i32
        %ne3A_566 = arith.cmpi ne, %rem3A_564, %ne3A_565 : i32
        %and3A_567 = arith.andi %ne3A_563, %ne3A_566 : i1
        %sub3A_568 = arith.constant 1 : i32
        %sub3A_569 = arith.subi %div3A_548, %sub3A_568 : i32
        %select_n3A_570 = arith.select %and3A_567, %sub3A_569, %div3A_548 : i32
        %add3A_571 = arith.addi %mul3A_2, %select_n3A_570 : i32
        %rem3A_572 = arith.constant 8 : i32
        %rem3A_573 = arith.remsi %add3A_546, %rem3A_572 : i32
        %mul3A_574 = arith.constant 128 : i32
        %mul3A_575 = arith.muli %rem3A_573, %mul3A_574 : i32
        %dma_start3A_576 = tpu.memref_slice %arg2[%add3A_571, %mul3A_575] : memref<1024x1024xi32, #tpu.memory_space<hbm>> -> memref<1x128xi32, #tpu.memory_space<hbm>>
        %dma_start3A_577 = tpu.memref_squeeze %dma_start3A_576 : memref<1x128xi32, #tpu.memory_space<hbm>> -> memref<128xi32, #tpu.memory_space<hbm>>
        %dma_start3A_578 = tpu.memref_slice %arg2[%add3A_571, %mul3A_575] : memref<1024x1024xi32, #tpu.memory_space<hbm>> -> memref<1x128xi32, #tpu.memory_space<hbm>>
        %dma_start3A_579 = tpu.memref_squeeze %dma_start3A_578 : memref<1x128xi32, #tpu.memory_space<hbm>> -> memref<128xi32, #tpu.memory_space<hbm>>
        tpu.enqueue_dma source(%dma_start3A_579 : memref<128xi32, #tpu.memory_space<hbm>>) target(%arg6 : memref<128xi32, #tpu.memory_space<vmem>>) target_semaphore(%arg18 : memref<!tpu.dma_semaphore, #tpu.memory_space<semaphore_mem>>)
        %dma_start3A_580 = arith.constant 0 : i32
        %dma_start3A_581 = tpu.memref_slice %arg4[%mul3A_575, %dma_start3A_580] : memref<1024x64xf32, #tpu.memory_space<hbm>> -> memref<128x64xf32, #tpu.memory_space<hbm>>
        %dma_start3A_582 = arith.constant 0 : i32
        %dma_start3A_583 = tpu.memref_slice %arg4[%mul3A_575, %dma_start3A_582] : memref<1024x64xf32, #tpu.memory_space<hbm>> -> memref<128x64xf32, #tpu.memory_space<hbm>>
        tpu.enqueue_dma source(%dma_start3A_583 : memref<128x64xf32, #tpu.memory_space<hbm>>) target(%arg10 : memref<128x64xf32, #tpu.memory_space<vmem>>) target_semaphore(%arg18 : memref<!tpu.dma_semaphore, #tpu.memory_space<semaphore_mem>>)
      } else {
      }
      %add3A_299 = arith.constant 1 : i32
      %add3A_300 = arith.addi %add3A_238, %add3A_299 : i32
      %dma_wait3A_301 = arith.constant 0 : i32
      %dma_wait3A_302 = arith.constant 0 : i32
      %dma_wait3A_303 = tpu.memref_slice %arg4[%dma_wait3A_301, %dma_wait3A_302] : memref<1024x64xf32, #tpu.memory_space<hbm>> -> memref<128x64xf32, #tpu.memory_space<hbm>>
      %dma_wait3A_304 = arith.constant 0 : i32
      %dma_wait3A_305 = arith.constant 0 : i32
      %dma_wait3A_306 = tpu.memref_slice %arg4[%dma_wait3A_304, %dma_wait3A_305] : memref<1024x64xf32, #tpu.memory_space<hbm>> -> memref<128x64xf32, #tpu.memory_space<hbm>>
      tpu.wait_dma2 semaphore(%arg23 : memref<!tpu.dma_semaphore, #tpu.memory_space<semaphore_mem>>) src(%dma_wait3A_306 : memref<128x64xf32, #tpu.memory_space<hbm>>) dst(%arg11 : memref<128x64xf32, #tpu.memory_space<vmem>>)
      %ge3A_307 = arith.constant 4 : i32
      %ge3A_308 = arith.cmpi sge, %add3A_300, %ge3A_307 : i32
      %convert_element_type3A_309 = arith.extui %ge3A_308 : i1 to i32
      %cond3A_310 = arith.constant 0 : i32
      %cond3A_311 = arith.cmpi ne, %convert_element_type3A_309, %cond3A_310 : i32
      scf.if %cond3A_311 {
        %dma_wait3A_545 = arith.constant 0 : i32
        %dma_wait3A_546 = arith.constant 0 : i32
        %dma_wait3A_547 = arith.constant 0 : i32
        %dma_wait3A_548 = arith.constant 0 : i32
        %dma_wait3A_549 = arith.constant 0 : i32
        %dma_wait3A_550 = tpu.memref_slice %arg15[%dma_wait3A_547, %dma_wait3A_548, %dma_wait3A_549] : memref<8x8x129xf32, #tpu.memory_space<vmem>> -> memref<8x8x128xf32, #tpu.memory_space<vmem>>
        %dma_wait3A_551 = arith.constant 0 : i32
        %dma_wait3A_552 = arith.constant 0 : i32
        %dma_wait3A_553 = arith.constant 0 : i32
        %dma_wait3A_554 = tpu.memref_slice %arg5[%dma_wait3A_545, %dma_wait3A_551, %dma_wait3A_546, %dma_wait3A_552, %dma_wait3A_553] : memref<1024x8x8x8x128xf32, #tpu.memory_space<hbm>> -> memref<1x8x1x8x128xf32, #tpu.memory_space<hbm>>
        %dma_wait3A_555 = tpu.memref_squeeze %dma_wait3A_554 : memref<1x8x1x8x128xf32, #tpu.memory_space<hbm>> -> memref<8x8x128xf32, #tpu.memory_space<hbm>>
        %dma_wait3A_556 = arith.constant 0 : i32
        %dma_wait3A_557 = arith.constant 0 : i32
        %dma_wait3A_558 = arith.constant 0 : i32
        %dma_wait3A_559 = tpu.memref_slice %arg5[%dma_wait3A_545, %dma_wait3A_556, %dma_wait3A_546, %dma_wait3A_557, %dma_wait3A_558] : memref<1024x8x8x8x128xf32, #tpu.memory_space<hbm>> -> memref<1x8x1x8x128xf32, #tpu.memory_space<hbm>>
        %dma_wait3A_560 = tpu.memref_squeeze %dma_wait3A_559 : memref<1x8x1x8x128xf32, #tpu.memory_space<hbm>> -> memref<8x8x128xf32, #tpu.memory_space<hbm>>
        %dma_wait3A_561 = arith.constant 0 : i32
        %dma_wait3A_562 = arith.constant 0 : i32
        %dma_wait3A_563 = arith.constant 0 : i32
        %dma_wait3A_564 = tpu.memref_slice %arg15[%dma_wait3A_561, %dma_wait3A_562, %dma_wait3A_563] : memref<8x8x129xf32, #tpu.memory_space<vmem>> -> memref<8x8x128xf32, #tpu.memory_space<vmem>>
        tpu.wait_dma2 semaphore(%arg27 : memref<!tpu.dma_semaphore, #tpu.memory_space<semaphore_mem>>) src(%dma_wait3A_564 : memref<8x8x128xf32, #tpu.memory_space<vmem>>) dst(%dma_wait3A_560 : memref<8x8x128xf32, #tpu.memory_space<hbm>>)
      } else {
      }
      %scan3A_312 = arith.constant 0 : i32
      %scan3A_313 = arith.constant 128 : i32
      %scan3A_314 = arith.addi %scan3A_312, %scan3A_313 : i32
      %scan3A_315 = arith.constant 4 : i32
      scf.for %scan3A_545 = %scan3A_312 to %scan3A_314 step %scan3A_315  : i32 {
        %mul3A_546 = arith.constant 1 : i32
        %mul3A_547 = arith.muli %scan3A_545, %mul3A_546 : i32
        %add3A_548 = arith.constant 0 : i32
        %add3A_549 = arith.addi %add3A_548, %mul3A_547 : i32
        %broadcast_in_dim3A = vector.broadcast %add3A_549 : i32 to vector<16xi32>
        %get3A = arith.index_cast %add3A_549 : i32 to index
        %get3A_550 = arith.constant 0 : index
        %get3A_551 = tpu.vector_load %arg11[%get3A, %get3A_550] {strides = array<i32>} : memref<128x64xf32, #tpu.memory_space<vmem>>, vector<16xf32>,
        tpu.vector_store_idx %arg15[%add3A_9, %rem3A_4, %broadcast_in_dim3A], %get3A_551 : memref<8x8x129xf32, #tpu.memory_space<vmem>>[vector<16xi32>, vector<16xi32>, vector<16xi32>], vector<16xf32>,
        %get3A_552 = arith.index_cast %add3A_549 : i32 to index
        %get3A_553 = arith.constant 16 : index
        %get3A_554 = tpu.vector_load %arg11[%get3A_552, %get3A_553] {strides = array<i32>} : memref<128x64xf32, #tpu.memory_space<vmem>>, vector<16xf32>,
        tpu.vector_store_idx %arg15[%add3A_15, %rem3A_4, %broadcast_in_dim3A], %get3A_554 : memref<8x8x129xf32, #tpu.memory_space<vmem>>[vector<16xi32>, vector<16xi32>, vector<16xi32>], vector<16xf32>,
        %get3A_555 = arith.index_cast %add3A_549 : i32 to index
        %get3A_556 = arith.constant 32 : index
        %get3A_557 = tpu.vector_load %arg11[%get3A_555, %get3A_556] {strides = array<i32>} : memref<128x64xf32, #tpu.memory_space<vmem>>, vector<16xf32>,
        tpu.vector_store_idx %arg15[%add3A_21, %rem3A_4, %broadcast_in_dim3A], %get3A_557 : memref<8x8x129xf32, #tpu.memory_space<vmem>>[vector<16xi32>, vector<16xi32>, vector<16xi32>], vector<16xf32>,
        %get3A_558 = arith.index_cast %add3A_549 : i32 to index
        %get3A_559 = arith.constant 48 : index
        %get3A_560 = tpu.vector_load %arg11[%get3A_558, %get3A_559] {strides = array<i32>} : memref<128x64xf32, #tpu.memory_space<vmem>>, vector<16xf32>,
        tpu.vector_store_idx %arg15[%add3A_27, %rem3A_4, %broadcast_in_dim3A], %get3A_560 : memref<8x8x129xf32, #tpu.memory_space<vmem>>[vector<16xi32>, vector<16xi32>, vector<16xi32>], vector<16xf32>,
        %scan3A_561 = arith.constant 1 : i32
        %scan3A_562 = arith.addi %scan3A_545, %scan3A_561 : i32
        %mul3A_563 = arith.constant 1 : i32
        %mul3A_564 = arith.muli %scan3A_562, %mul3A_563 : i32
        %add3A_565 = arith.constant 0 : i32
        %add3A_566 = arith.addi %add3A_565, %mul3A_564 : i32
        %broadcast_in_dim3A_567 = vector.broadcast %add3A_566 : i32 to vector<16xi32>
        %get3A_568 = arith.index_cast %add3A_566 : i32 to index
        %get3A_569 = arith.constant 0 : index
        %get3A_570 = tpu.vector_load %arg11[%get3A_568, %get3A_569] {strides = array<i32>} : memref<128x64xf32, #tpu.memory_space<vmem>>, vector<16xf32>,
        tpu.vector_store_idx %arg15[%add3A_9, %rem3A_4, %broadcast_in_dim3A_567], %get3A_570 : memref<8x8x129xf32, #tpu.memory_space<vmem>>[vector<16xi32>, vector<16xi32>, vector<16xi32>], vector<16xf32>,
        %get3A_571 = arith.index_cast %add3A_566 : i32 to index
        %get3A_572 = arith.constant 16 : index
        %get3A_573 = tpu.vector_load %arg11[%get3A_571, %get3A_572] {strides = array<i32>} : memref<128x64xf32, #tpu.memory_space<vmem>>, vector<16xf32>,
        tpu.vector_store_idx %arg15[%add3A_15, %rem3A_4, %broadcast_in_dim3A_567], %get3A_573 : memref<8x8x129xf32, #tpu.memory_space<vmem>>[vector<16xi32>, vector<16xi32>, vector<16xi32>], vector<16xf32>,
        %get3A_574 = arith.index_cast %add3A_566 : i32 to index
        %get3A_575 = arith.constant 32 : index
        %get3A_576 = tpu.vector_load %arg11[%get3A_574, %get3A_575] {strides = array<i32>} : memref<128x64xf32, #tpu.memory_space<vmem>>, vector<16xf32>,
        tpu.vector_store_idx %arg15[%add3A_21, %rem3A_4, %broadcast_in_dim3A_567], %get3A_576 : memref<8x8x129xf32, #tpu.memory_space<vmem>>[vector<16xi32>, vector<16xi32>, vector<16xi32>], vector<16xf32>,
        %get3A_577 = arith.index_cast %add3A_566 : i32 to index
        %get3A_578 = arith.constant 48 : index
        %get3A_579 = tpu.vector_load %arg11[%get3A_577, %get3A_578] {strides = array<i32>} : memref<128x64xf32, #tpu.memory_space<vmem>>, vector<16xf32>,
        tpu.vector_store_idx %arg15[%add3A_27, %rem3A_4, %broadcast_in_dim3A_567], %get3A_579 : memref<8x8x129xf32, #tpu.memory_space<vmem>>[vector<16xi32>, vector<16xi32>, vector<16xi32>], vector<16xf32>,
        %scan3A_580 = arith.constant 2 : i32
        %scan3A_581 = arith.addi %scan3A_545, %scan3A_580 : i32
        %mul3A_582 = arith.constant 1 : i32
        %mul3A_583 = arith.muli %scan3A_581, %mul3A_582 : i32
        %add3A_584 = arith.constant 0 : i32
        %add3A_585 = arith.addi %add3A_584, %mul3A_583 : i32
        %broadcast_in_dim3A_586 = vector.broadcast %add3A_585 : i32 to vector<16xi32>
        %get3A_587 = arith.index_cast %add3A_585 : i32 to index
        %get3A_588 = arith.constant 0 : index
        %get3A_589 = tpu.vector_load %arg11[%get3A_587, %get3A_588] {strides = array<i32>} : memref<128x64xf32, #tpu.memory_space<vmem>>, vector<16xf32>,
        tpu.vector_store_idx %arg15[%add3A_9, %rem3A_4, %broadcast_in_dim3A_586], %get3A_589 : memref<8x8x129xf32, #tpu.memory_space<vmem>>[vector<16xi32>, vector<16xi32>, vector<16xi32>], vector<16xf32>,
        %get3A_590 = arith.index_cast %add3A_585 : i32 to index
        %get3A_591 = arith.constant 16 : index
        %get3A_592 = tpu.vector_load %arg11[%get3A_590, %get3A_591] {strides = array<i32>} : memref<128x64xf32, #tpu.memory_space<vmem>>, vector<16xf32>,
        tpu.vector_store_idx %arg15[%add3A_15, %rem3A_4, %broadcast_in_dim3A_586], %get3A_592 : memref<8x8x129xf32, #tpu.memory_space<vmem>>[vector<16xi32>, vector<16xi32>, vector<16xi32>], vector<16xf32>,
        %get3A_593 = arith.index_cast %add3A_585 : i32 to index
        %get3A_594 = arith.constant 32 : index
        %get3A_595 = tpu.vector_load %arg11[%get3A_593, %get3A_594] {strides = array<i32>} : memref<128x64xf32, #tpu.memory_space<vmem>>, vector<16xf32>,
        tpu.vector_store_idx %arg15[%add3A_21, %rem3A_4, %broadcast_in_dim3A_586], %get3A_595 : memref<8x8x129xf32, #tpu.memory_space<vmem>>[vector<16xi32>, vector<16xi32>, vector<16xi32>], vector<16xf32>,
        %get3A_596 = arith.index_cast %add3A_585 : i32 to index
        %get3A_597 = arith.constant 48 : index
        %get3A_598 = tpu.vector_load %arg11[%get3A_596, %get3A_597] {strides = array<i32>} : memref<128x64xf32, #tpu.memory_space<vmem>>, vector<16xf32>,
        tpu.vector_store_idx %arg15[%add3A_27, %rem3A_4, %broadcast_in_dim3A_586], %get3A_598 : memref<8x8x129xf32, #tpu.memory_space<vmem>>[vector<16xi32>, vector<16xi32>, vector<16xi32>], vector<16xf32>,
        %scan3A_599 = arith.constant 3 : i32
        %scan3A_600 = arith.addi %scan3A_545, %scan3A_599 : i32
        %mul3A_601 = arith.constant 1 : i32
        %mul3A_602 = arith.muli %scan3A_600, %mul3A_601 : i32
        %add3A_603 = arith.constant 0 : i32
        %add3A_604 = arith.addi %add3A_603, %mul3A_602 : i32
        %broadcast_in_dim3A_605 = vector.broadcast %add3A_604 : i32 to vector<16xi32>
        %get3A_606 = arith.index_cast %add3A_604 : i32 to index
        %get3A_607 = arith.constant 0 : index
        %get3A_608 = tpu.vector_load %arg11[%get3A_606, %get3A_607] {strides = array<i32>} : memref<128x64xf32, #tpu.memory_space<vmem>>, vector<16xf32>,
        tpu.vector_store_idx %arg15[%add3A_9, %rem3A_4, %broadcast_in_dim3A_605], %get3A_608 : memref<8x8x129xf32, #tpu.memory_space<vmem>>[vector<16xi32>, vector<16xi32>, vector<16xi32>], vector<16xf32>,
        %get3A_609 = arith.index_cast %add3A_604 : i32 to index
        %get3A_610 = arith.constant 16 : index
        %get3A_611 = tpu.vector_load %arg11[%get3A_609, %get3A_610] {strides = array<i32>} : memref<128x64xf32, #tpu.memory_space<vmem>>, vector<16xf32>,
        tpu.vector_store_idx %arg15[%add3A_15, %rem3A_4, %broadcast_in_dim3A_605], %get3A_611 : memref<8x8x129xf32, #tpu.memory_space<vmem>>[vector<16xi32>, vector<16xi32>, vector<16xi32>], vector<16xf32>,
        %get3A_612 = arith.index_cast %add3A_604 : i32 to index
        %get3A_613 = arith.constant 32 : index
        %get3A_614 = tpu.vector_load %arg11[%get3A_612, %get3A_613] {strides = array<i32>} : memref<128x64xf32, #tpu.memory_space<vmem>>, vector<16xf32>,
        tpu.vector_store_idx %arg15[%add3A_21, %rem3A_4, %broadcast_in_dim3A_605], %get3A_614 : memref<8x8x129xf32, #tpu.memory_space<vmem>>[vector<16xi32>, vector<16xi32>, vector<16xi32>], vector<16xf32>,
        %get3A_615 = arith.index_cast %add3A_604 : i32 to index
        %get3A_616 = arith.constant 48 : index
        %get3A_617 = tpu.vector_load %arg11[%get3A_615, %get3A_616] {strides = array<i32>} : memref<128x64xf32, #tpu.memory_space<vmem>>, vector<16xf32>,
        tpu.vector_store_idx %arg15[%add3A_27, %rem3A_4, %broadcast_in_dim3A_605], %get3A_617 : memref<8x8x129xf32, #tpu.memory_space<vmem>>[vector<16xi32>, vector<16xi32>, vector<16xi32>], vector<16xf32>,
      }
      %scan3A_316 = arith.constant 128 : i32
      %jit3A_317 = arith.constant 8 : i32
      %div3A_318 = arith.divsi %add3A_300, %jit3A_317 : i32
      %sign3A_319 = arith.constant 0 : i32
      %sign3A_320 = arith.cmpi sgt, %add3A_300, %sign3A_319 : i32
      %sign3A_321 = arith.extui %sign3A_320 : i1 to i32
      %sign3A_322 = arith.constant 0 : i32
      %sign3A_323 = arith.cmpi slt, %add3A_300, %sign3A_322 : i32
      %sign3A_324 = arith.extui %sign3A_323 : i1 to i32
      %sign3A_325 = arith.subi %sign3A_321, %sign3A_324 : i32
      %sign3A_326 = arith.constant 0 : i32
      %sign3A_327 = arith.cmpi sgt, %jit3A_317, %sign3A_326 : i32
      %sign3A_328 = arith.extui %sign3A_327 : i1 to i32
      %sign3A_329 = arith.constant 0 : i32
      %sign3A_330 = arith.cmpi slt, %jit3A_317, %sign3A_329 : i32
      %sign3A_331 = arith.extui %sign3A_330 : i1 to i32
      %sign3A_332 = arith.subi %sign3A_328, %sign3A_331 : i32
      %ne3A_333 = arith.cmpi ne, %sign3A_325, %sign3A_332 : i32
      %rem3A_334 = arith.remsi %add3A_300, %jit3A_317 : i32
      %ne3A_335 = arith.constant 0 : i32
      %ne3A_336 = arith.cmpi ne, %rem3A_334, %ne3A_335 : i32
      %and3A_337 = arith.andi %ne3A_333, %ne3A_336 : i1
      %sub3A_338 = arith.constant 1 : i32
      %sub3A_339 = arith.subi %div3A_318, %sub3A_338 : i32
      %select_n3A_340 = arith.select %and3A_337, %sub3A_339, %div3A_318 : i32
      %add3A_341 = arith.addi %mul3A_2, %select_n3A_340 : i32
      %rem3A_342 = arith.constant 8 : i32
      %rem3A_343 = arith.remsi %add3A_300, %rem3A_342 : i32
      %dma_start3A_344 = arith.constant 0 : i32
      %dma_start3A_345 = arith.constant 0 : i32
      %dma_start3A_346 = arith.constant 0 : i32
      %dma_start3A_347 = tpu.memref_slice %arg15[%dma_start3A_344, %dma_start3A_345, %dma_start3A_346] : memref<8x8x129xf32, #tpu.memory_space<vmem>> -> memref<8x8x128xf32, #tpu.memory_space<vmem>>
      %dma_start3A_348 = arith.constant 0 : i32
      %dma_start3A_349 = arith.constant 0 : i32
      %dma_start3A_350 = arith.constant 0 : i32
      %dma_start3A_351 = tpu.memref_slice %arg5[%add3A_341, %dma_start3A_348, %rem3A_343, %dma_start3A_349, %dma_start3A_350] : memref<1024x8x8x8x128xf32, #tpu.memory_space<hbm>> -> memref<1x8x1x8x128xf32, #tpu.memory_space<hbm>>
      %dma_start3A_352 = tpu.memref_squeeze %dma_start3A_351 : memref<1x8x1x8x128xf32, #tpu.memory_space<hbm>> -> memref<8x8x128xf32, #tpu.memory_space<hbm>>
      %dma_start3A_353 = arith.constant 0 : i32
      %dma_start3A_354 = arith.constant 0 : i32
      %dma_start3A_355 = arith.constant 0 : i32
      %dma_start3A_356 = tpu.memref_slice %arg5[%add3A_341, %dma_start3A_353, %rem3A_343, %dma_start3A_354, %dma_start3A_355] : memref<1024x8x8x8x128xf32, #tpu.memory_space<hbm>> -> memref<1x8x1x8x128xf32, #tpu.memory_space<hbm>>
      %dma_start3A_357 = tpu.memref_squeeze %dma_start3A_356 : memref<1x8x1x8x128xf32, #tpu.memory_space<hbm>> -> memref<8x8x128xf32, #tpu.memory_space<hbm>>
      %dma_start3A_358 = arith.constant 0 : i32
      %dma_start3A_359 = arith.constant 0 : i32
      %dma_start3A_360 = arith.constant 0 : i32
      %dma_start3A_361 = tpu.memref_slice %arg15[%dma_start3A_358, %dma_start3A_359, %dma_start3A_360] : memref<8x8x129xf32, #tpu.memory_space<vmem>> -> memref<8x8x128xf32, #tpu.memory_space<vmem>>
      tpu.enqueue_dma source(%dma_start3A_361 : memref<8x8x128xf32, #tpu.memory_space<vmem>>) target(%dma_start3A_357 : memref<8x8x128xf32, #tpu.memory_space<hbm>>) target_semaphore(%arg27 : memref<!tpu.dma_semaphore, #tpu.memory_space<semaphore_mem>>)
      %add3A_362 = arith.constant 4 : i32
      %add3A_363 = arith.addi %add3A_300, %add3A_362 : i32
      %lt3A_364 = arith.constant 256 : i32
      %lt3A_365 = arith.cmpi slt, %add3A_363, %lt3A_364 : i32
      %convert_element_type3A_366 = arith.extui %lt3A_365 : i1 to i32
      %cond3A_367 = arith.constant 0 : i32
      %cond3A_368 = arith.cmpi ne, %convert_element_type3A_366, %cond3A_367 : i32
      scf.if %cond3A_368 {
        %add3A_545 = arith.constant 4 : i32
        %add3A_546 = arith.addi %add3A_300, %add3A_545 : i32
        %jit3A_547 = arith.constant 8 : i32
        %div3A_548 = arith.divsi %add3A_546, %jit3A_547 : i32
        %sign3A_549 = arith.constant 0 : i32
        %sign3A_550 = arith.cmpi sgt, %add3A_546, %sign3A_549 : i32
        %sign3A_551 = arith.extui %sign3A_550 : i1 to i32
        %sign3A_552 = arith.constant 0 : i32
        %sign3A_553 = arith.cmpi slt, %add3A_546, %sign3A_552 : i32
        %sign3A_554 = arith.extui %sign3A_553 : i1 to i32
        %sign3A_555 = arith.subi %sign3A_551, %sign3A_554 : i32
        %sign3A_556 = arith.constant 0 : i32
        %sign3A_557 = arith.cmpi sgt, %jit3A_547, %sign3A_556 : i32
        %sign3A_558 = arith.extui %sign3A_557 : i1 to i32
        %sign3A_559 = arith.constant 0 : i32
        %sign3A_560 = arith.cmpi slt, %jit3A_547, %sign3A_559 : i32
        %sign3A_561 = arith.extui %sign3A_560 : i1 to i32
        %sign3A_562 = arith.subi %sign3A_558, %sign3A_561 : i32
        %ne3A_563 = arith.cmpi ne, %sign3A_555, %sign3A_562 : i32
        %rem3A_564 = arith.remsi %add3A_546, %jit3A_547 : i32
        %ne3A_565 = arith.constant 0 : i32
        %ne3A_566 = arith.cmpi ne, %rem3A_564, %ne3A_565 : i32
        %and3A_567 = arith.andi %ne3A_563, %ne3A_566 : i1
        %sub3A_568 = arith.constant 1 : i32
        %sub3A_569 = arith.subi %div3A_548, %sub3A_568 : i32
        %select_n3A_570 = arith.select %and3A_567, %sub3A_569, %div3A_548 : i32
        %add3A_571 = arith.addi %mul3A_2, %select_n3A_570 : i32
        %rem3A_572 = arith.constant 8 : i32
        %rem3A_573 = arith.remsi %add3A_546, %rem3A_572 : i32
        %mul3A_574 = arith.constant 128 : i32
        %mul3A_575 = arith.muli %rem3A_573, %mul3A_574 : i32
        %dma_start3A_576 = tpu.memref_slice %arg2[%add3A_571, %mul3A_575] : memref<1024x1024xi32, #tpu.memory_space<hbm>> -> memref<1x128xi32, #tpu.memory_space<hbm>>
        %dma_start3A_577 = tpu.memref_squeeze %dma_start3A_576 : memref<1x128xi32, #tpu.memory_space<hbm>> -> memref<128xi32, #tpu.memory_space<hbm>>
        %dma_start3A_578 = tpu.memref_slice %arg2[%add3A_571, %mul3A_575] : memref<1024x1024xi32, #tpu.memory_space<hbm>> -> memref<1x128xi32, #tpu.memory_space<hbm>>
        %dma_start3A_579 = tpu.memref_squeeze %dma_start3A_578 : memref<1x128xi32, #tpu.memory_space<hbm>> -> memref<128xi32, #tpu.memory_space<hbm>>
        tpu.enqueue_dma source(%dma_start3A_579 : memref<128xi32, #tpu.memory_space<hbm>>) target(%arg7 : memref<128xi32, #tpu.memory_space<vmem>>) target_semaphore(%arg19 : memref<!tpu.dma_semaphore, #tpu.memory_space<semaphore_mem>>)
        %dma_start3A_580 = arith.constant 0 : i32
        %dma_start3A_581 = tpu.memref_slice %arg4[%mul3A_575, %dma_start3A_580] : memref<1024x64xf32, #tpu.memory_space<hbm>> -> memref<128x64xf32, #tpu.memory_space<hbm>>
        %dma_start3A_582 = arith.constant 0 : i32
        %dma_start3A_583 = tpu.memref_slice %arg4[%mul3A_575, %dma_start3A_582] : memref<1024x64xf32, #tpu.memory_space<hbm>> -> memref<128x64xf32, #tpu.memory_space<hbm>>
        tpu.enqueue_dma source(%dma_start3A_583 : memref<128x64xf32, #tpu.memory_space<hbm>>) target(%arg11 : memref<128x64xf32, #tpu.memory_space<vmem>>) target_semaphore(%arg19 : memref<!tpu.dma_semaphore, #tpu.memory_space<semaphore_mem>>)
      } else {
      }
      %add3A_369 = arith.constant 2 : i32
      %add3A_370 = arith.addi %add3A_238, %add3A_369 : i32
      %dma_wait3A_371 = arith.constant 0 : i32
      %dma_wait3A_372 = arith.constant 0 : i32
      %dma_wait3A_373 = tpu.memref_slice %arg4[%dma_wait3A_371, %dma_wait3A_372] : memref<1024x64xf32, #tpu.memory_space<hbm>> -> memref<128x64xf32, #tpu.memory_space<hbm>>
      %dma_wait3A_374 = arith.constant 0 : i32
      %dma_wait3A_375 = arith.constant 0 : i32
      %dma_wait3A_376 = tpu.memref_slice %arg4[%dma_wait3A_374, %dma_wait3A_375] : memref<1024x64xf32, #tpu.memory_space<hbm>> -> memref<128x64xf32, #tpu.memory_space<hbm>>
      tpu.wait_dma2 semaphore(%arg24 : memref<!tpu.dma_semaphore, #tpu.memory_space<semaphore_mem>>) src(%dma_wait3A_376 : memref<128x64xf32, #tpu.memory_space<hbm>>) dst(%arg12 : memref<128x64xf32, #tpu.memory_space<vmem>>)
      %ge3A_377 = arith.constant 4 : i32
      %ge3A_378 = arith.cmpi sge, %add3A_370, %ge3A_377 : i32
      %convert_element_type3A_379 = arith.extui %ge3A_378 : i1 to i32
      %cond3A_380 = arith.constant 0 : i32
      %cond3A_381 = arith.cmpi ne, %convert_element_type3A_379, %cond3A_380 : i32
      scf.if %cond3A_381 {
        %dma_wait3A_545 = arith.constant 0 : i32
        %dma_wait3A_546 = arith.constant 0 : i32
        %dma_wait3A_547 = arith.constant 0 : i32
        %dma_wait3A_548 = arith.constant 0 : i32
        %dma_wait3A_549 = arith.constant 0 : i32
        %dma_wait3A_550 = tpu.memref_slice %arg16[%dma_wait3A_547, %dma_wait3A_548, %dma_wait3A_549] : memref<8x8x129xf32, #tpu.memory_space<vmem>> -> memref<8x8x128xf32, #tpu.memory_space<vmem>>
        %dma_wait3A_551 = arith.constant 0 : i32
        %dma_wait3A_552 = arith.constant 0 : i32
        %dma_wait3A_553 = arith.constant 0 : i32
        %dma_wait3A_554 = tpu.memref_slice %arg5[%dma_wait3A_545, %dma_wait3A_551, %dma_wait3A_546, %dma_wait3A_552, %dma_wait3A_553] : memref<1024x8x8x8x128xf32, #tpu.memory_space<hbm>> -> memref<1x8x1x8x128xf32, #tpu.memory_space<hbm>>
        %dma_wait3A_555 = tpu.memref_squeeze %dma_wait3A_554 : memref<1x8x1x8x128xf32, #tpu.memory_space<hbm>> -> memref<8x8x128xf32, #tpu.memory_space<hbm>>
        %dma_wait3A_556 = arith.constant 0 : i32
        %dma_wait3A_557 = arith.constant 0 : i32
        %dma_wait3A_558 = arith.constant 0 : i32
        %dma_wait3A_559 = tpu.memref_slice %arg5[%dma_wait3A_545, %dma_wait3A_556, %dma_wait3A_546, %dma_wait3A_557, %dma_wait3A_558] : memref<1024x8x8x8x128xf32, #tpu.memory_space<hbm>> -> memref<1x8x1x8x128xf32, #tpu.memory_space<hbm>>
        %dma_wait3A_560 = tpu.memref_squeeze %dma_wait3A_559 : memref<1x8x1x8x128xf32, #tpu.memory_space<hbm>> -> memref<8x8x128xf32, #tpu.memory_space<hbm>>
        %dma_wait3A_561 = arith.constant 0 : i32
        %dma_wait3A_562 = arith.constant 0 : i32
        %dma_wait3A_563 = arith.constant 0 : i32
        %dma_wait3A_564 = tpu.memref_slice %arg16[%dma_wait3A_561, %dma_wait3A_562, %dma_wait3A_563] : memref<8x8x129xf32, #tpu.memory_space<vmem>> -> memref<8x8x128xf32, #tpu.memory_space<vmem>>
        tpu.wait_dma2 semaphore(%arg28 : memref<!tpu.dma_semaphore, #tpu.memory_space<semaphore_mem>>) src(%dma_wait3A_564 : memref<8x8x128xf32, #tpu.memory_space<vmem>>) dst(%dma_wait3A_560 : memref<8x8x128xf32, #tpu.memory_space<hbm>>)
      } else {
      }
      %scan3A_382 = arith.constant 0 : i32
      %scan3A_383 = arith.constant 128 : i32
      %scan3A_384 = arith.addi %scan3A_382, %scan3A_383 : i32
      %scan3A_385 = arith.constant 4 : i32
      scf.for %scan3A_545 = %scan3A_382 to %scan3A_384 step %scan3A_385  : i32 {
        %mul3A_546 = arith.constant 1 : i32
        %mul3A_547 = arith.muli %scan3A_545, %mul3A_546 : i32
        %add3A_548 = arith.constant 0 : i32
        %add3A_549 = arith.addi %add3A_548, %mul3A_547 : i32
        %broadcast_in_dim3A = vector.broadcast %add3A_549 : i32 to vector<16xi32>
        %get3A = arith.index_cast %add3A_549 : i32 to index
        %get3A_550 = arith.constant 0 : index
        %get3A_551 = tpu.vector_load %arg12[%get3A, %get3A_550] {strides = array<i32>} : memref<128x64xf32, #tpu.memory_space<vmem>>, vector<16xf32>,
        tpu.vector_store_idx %arg16[%add3A_9, %rem3A_4, %broadcast_in_dim3A], %get3A_551 : memref<8x8x129xf32, #tpu.memory_space<vmem>>[vector<16xi32>, vector<16xi32>, vector<16xi32>], vector<16xf32>,
        %get3A_552 = arith.index_cast %add3A_549 : i32 to index
        %get3A_553 = arith.constant 16 : index
        %get3A_554 = tpu.vector_load %arg12[%get3A_552, %get3A_553] {strides = array<i32>} : memref<128x64xf32, #tpu.memory_space<vmem>>, vector<16xf32>,
        tpu.vector_store_idx %arg16[%add3A_15, %rem3A_4, %broadcast_in_dim3A], %get3A_554 : memref<8x8x129xf32, #tpu.memory_space<vmem>>[vector<16xi32>, vector<16xi32>, vector<16xi32>], vector<16xf32>,
        %get3A_555 = arith.index_cast %add3A_549 : i32 to index
        %get3A_556 = arith.constant 32 : index
        %get3A_557 = tpu.vector_load %arg12[%get3A_555, %get3A_556] {strides = array<i32>} : memref<128x64xf32, #tpu.memory_space<vmem>>, vector<16xf32>,
        tpu.vector_store_idx %arg16[%add3A_21, %rem3A_4, %broadcast_in_dim3A], %get3A_557 : memref<8x8x129xf32, #tpu.memory_space<vmem>>[vector<16xi32>, vector<16xi32>, vector<16xi32>], vector<16xf32>,
        %get3A_558 = arith.index_cast %add3A_549 : i32 to index
        %get3A_559 = arith.constant 48 : index
        %get3A_560 = tpu.vector_load %arg12[%get3A_558, %get3A_559] {strides = array<i32>} : memref<128x64xf32, #tpu.memory_space<vmem>>, vector<16xf32>,
        tpu.vector_store_idx %arg16[%add3A_27, %rem3A_4, %broadcast_in_dim3A], %get3A_560 : memref<8x8x129xf32, #tpu.memory_space<vmem>>[vector<16xi32>, vector<16xi32>, vector<16xi32>], vector<16xf32>,
        %scan3A_561 = arith.constant 1 : i32
        %scan3A_562 = arith.addi %scan3A_545, %scan3A_561 : i32
        %mul3A_563 = arith.constant 1 : i32
        %mul3A_564 = arith.muli %scan3A_562, %mul3A_563 : i32
        %add3A_565 = arith.constant 0 : i32
        %add3A_566 = arith.addi %add3A_565, %mul3A_564 : i32
        %broadcast_in_dim3A_567 = vector.broadcast %add3A_566 : i32 to vector<16xi32>
        %get3A_568 = arith.index_cast %add3A_566 : i32 to index
        %get3A_569 = arith.constant 0 : index
        %get3A_570 = tpu.vector_load %arg12[%get3A_568, %get3A_569] {strides = array<i32>} : memref<128x64xf32, #tpu.memory_space<vmem>>, vector<16xf32>,
        tpu.vector_store_idx %arg16[%add3A_9, %rem3A_4, %broadcast_in_dim3A_567], %get3A_570 : memref<8x8x129xf32, #tpu.memory_space<vmem>>[vector<16xi32>, vector<16xi32>, vector<16xi32>], vector<16xf32>,
        %get3A_571 = arith.index_cast %add3A_566 : i32 to index
        %get3A_572 = arith.constant 16 : index
        %get3A_573 = tpu.vector_load %arg12[%get3A_571, %get3A_572] {strides = array<i32>} : memref<128x64xf32, #tpu.memory_space<vmem>>, vector<16xf32>,
        tpu.vector_store_idx %arg16[%add3A_15, %rem3A_4, %broadcast_in_dim3A_567], %get3A_573 : memref<8x8x129xf32, #tpu.memory_space<vmem>>[vector<16xi32>, vector<16xi32>, vector<16xi32>], vector<16xf32>,
        %get3A_574 = arith.index_cast %add3A_566 : i32 to index
        %get3A_575 = arith.constant 32 : index
        %get3A_576 = tpu.vector_load %arg12[%get3A_574, %get3A_575] {strides = array<i32>} : memref<128x64xf32, #tpu.memory_space<vmem>>, vector<16xf32>,
        tpu.vector_store_idx %arg16[%add3A_21, %rem3A_4, %broadcast_in_dim3A_567], %get3A_576 : memref<8x8x129xf32, #tpu.memory_space<vmem>>[vector<16xi32>, vector<16xi32>, vector<16xi32>], vector<16xf32>,
        %get3A_577 = arith.index_cast %add3A_566 : i32 to index
        %get3A_578 = arith.constant 48 : index
        %get3A_579 = tpu.vector_load %arg12[%get3A_577, %get3A_578] {strides = array<i32>} : memref<128x64xf32, #tpu.memory_space<vmem>>, vector<16xf32>,
        tpu.vector_store_idx %arg16[%add3A_27, %rem3A_4, %broadcast_in_dim3A_567], %get3A_579 : memref<8x8x129xf32, #tpu.memory_space<vmem>>[vector<16xi32>, vector<16xi32>, vector<16xi32>], vector<16xf32>,
        %scan3A_580 = arith.constant 2 : i32
        %scan3A_581 = arith.addi %scan3A_545, %scan3A_580 : i32
        %mul3A_582 = arith.constant 1 : i32
        %mul3A_583 = arith.muli %scan3A_581, %mul3A_582 : i32
        %add3A_584 = arith.constant 0 : i32
        %add3A_585 = arith.addi %add3A_584, %mul3A_583 : i32
        %broadcast_in_dim3A_586 = vector.broadcast %add3A_585 : i32 to vector<16xi32>
        %get3A_587 = arith.index_cast %add3A_585 : i32 to index
        %get3A_588 = arith.constant 0 : index
        %get3A_589 = tpu.vector_load %arg12[%get3A_587, %get3A_588] {strides = array<i32>} : memref<128x64xf32, #tpu.memory_space<vmem>>, vector<16xf32>,
        tpu.vector_store_idx %arg16[%add3A_9, %rem3A_4, %broadcast_in_dim3A_586], %get3A_589 : memref<8x8x129xf32, #tpu.memory_space<vmem>>[vector<16xi32>, vector<16xi32>, vector<16xi32>], vector<16xf32>,
        %get3A_590 = arith.index_cast %add3A_585 : i32 to index
        %get3A_591 = arith.constant 16 : index
        %get3A_592 = tpu.vector_load %arg12[%get3A_590, %get3A_591] {strides = array<i32>} : memref<128x64xf32, #tpu.memory_space<vmem>>, vector<16xf32>,
        tpu.vector_store_idx %arg16[%add3A_15, %rem3A_4, %broadcast_in_dim3A_586], %get3A_592 : memref<8x8x129xf32, #tpu.memory_space<vmem>>[vector<16xi32>, vector<16xi32>, vector<16xi32>], vector<16xf32>,
        %get3A_593 = arith.index_cast %add3A_585 : i32 to index
        %get3A_594 = arith.constant 32 : index
        %get3A_595 = tpu.vector_load %arg12[%get3A_593, %get3A_594] {strides = array<i32>} : memref<128x64xf32, #tpu.memory_space<vmem>>, vector<16xf32>,
        tpu.vector_store_idx %arg16[%add3A_21, %rem3A_4, %broadcast_in_dim3A_586], %get3A_595 : memref<8x8x129xf32, #tpu.memory_space<vmem>>[vector<16xi32>, vector<16xi32>, vector<16xi32>], vector<16xf32>,
        %get3A_596 = arith.index_cast %add3A_585 : i32 to index
        %get3A_597 = arith.constant 48 : index
        %get3A_598 = tpu.vector_load %arg12[%get3A_596, %get3A_597] {strides = array<i32>} : memref<128x64xf32, #tpu.memory_space<vmem>>, vector<16xf32>,
        tpu.vector_store_idx %arg16[%add3A_27, %rem3A_4, %broadcast_in_dim3A_586], %get3A_598 : memref<8x8x129xf32, #tpu.memory_space<vmem>>[vector<16xi32>, vector<16xi32>, vector<16xi32>], vector<16xf32>,
        %scan3A_599 = arith.constant 3 : i32
        %scan3A_600 = arith.addi %scan3A_545, %scan3A_599 : i32
        %mul3A_601 = arith.constant 1 : i32
        %mul3A_602 = arith.muli %scan3A_600, %mul3A_601 : i32
        %add3A_603 = arith.constant 0 : i32
        %add3A_604 = arith.addi %add3A_603, %mul3A_602 : i32
        %broadcast_in_dim3A_605 = vector.broadcast %add3A_604 : i32 to vector<16xi32>
        %get3A_606 = arith.index_cast %add3A_604 : i32 to index
        %get3A_607 = arith.constant 0 : index
        %get3A_608 = tpu.vector_load %arg12[%get3A_606, %get3A_607] {strides = array<i32>} : memref<128x64xf32, #tpu.memory_space<vmem>>, vector<16xf32>,
        tpu.vector_store_idx %arg16[%add3A_9, %rem3A_4, %broadcast_in_dim3A_605], %get3A_608 : memref<8x8x129xf32, #tpu.memory_space<vmem>>[vector<16xi32>, vector<16xi32>, vector<16xi32>], vector<16xf32>,
        %get3A_609 = arith.index_cast %add3A_604 : i32 to index
        %get3A_610 = arith.constant 16 : index
        %get3A_611 = tpu.vector_load %arg12[%get3A_609, %get3A_610] {strides = array<i32>} : memref<128x64xf32, #tpu.memory_space<vmem>>, vector<16xf32>,
        tpu.vector_store_idx %arg16[%add3A_15, %rem3A_4, %broadcast_in_dim3A_605], %get3A_611 : memref<8x8x129xf32, #tpu.memory_space<vmem>>[vector<16xi32>, vector<16xi32>, vector<16xi32>], vector<16xf32>,
        %get3A_612 = arith.index_cast %add3A_604 : i32 to index
        %get3A_613 = arith.constant 32 : index
        %get3A_614 = tpu.vector_load %arg12[%get3A_612, %get3A_613] {strides = array<i32>} : memref<128x64xf32, #tpu.memory_space<vmem>>, vector<16xf32>,
        tpu.vector_store_idx %arg16[%add3A_21, %rem3A_4, %broadcast_in_dim3A_605], %get3A_614 : memref<8x8x129xf32, #tpu.memory_space<vmem>>[vector<16xi32>, vector<16xi32>, vector<16xi32>], vector<16xf32>,
        %get3A_615 = arith.index_cast %add3A_604 : i32 to index
        %get3A_616 = arith.constant 48 : index
        %get3A_617 = tpu.vector_load %arg12[%get3A_615, %get3A_616] {strides = array<i32>} : memref<128x64xf32, #tpu.memory_space<vmem>>, vector<16xf32>,
        tpu.vector_store_idx %arg16[%add3A_27, %rem3A_4, %broadcast_in_dim3A_605], %get3A_617 : memref<8x8x129xf32, #tpu.memory_space<vmem>>[vector<16xi32>, vector<16xi32>, vector<16xi32>], vector<16xf32>,
      }
      %scan3A_386 = arith.constant 128 : i32
      %jit3A_387 = arith.constant 8 : i32
      %div3A_388 = arith.divsi %add3A_370, %jit3A_387 : i32
      %sign3A_389 = arith.constant 0 : i32
      %sign3A_390 = arith.cmpi sgt, %add3A_370, %sign3A_389 : i32
      %sign3A_391 = arith.extui %sign3A_390 : i1 to i32
      %sign3A_392 = arith.constant 0 : i32
      %sign3A_393 = arith.cmpi slt, %add3A_370, %sign3A_392 : i32
      %sign3A_394 = arith.extui %sign3A_393 : i1 to i32
      %sign3A_395 = arith.subi %sign3A_391, %sign3A_394 : i32
      %sign3A_396 = arith.constant 0 : i32
      %sign3A_397 = arith.cmpi sgt, %jit3A_387, %sign3A_396 : i32
      %sign3A_398 = arith.extui %sign3A_397 : i1 to i32
      %sign3A_399 = arith.constant 0 : i32
      %sign3A_400 = arith.cmpi slt, %jit3A_387, %sign3A_399 : i32
      %sign3A_401 = arith.extui %sign3A_400 : i1 to i32
      %sign3A_402 = arith.subi %sign3A_398, %sign3A_401 : i32
      %ne3A_403 = arith.cmpi ne, %sign3A_395, %sign3A_402 : i32
      %rem3A_404 = arith.remsi %add3A_370, %jit3A_387 : i32
      %ne3A_405 = arith.constant 0 : i32
      %ne3A_406 = arith.cmpi ne, %rem3A_404, %ne3A_405 : i32
      %and3A_407 = arith.andi %ne3A_403, %ne3A_406 : i1
      %sub3A_408 = arith.constant 1 : i32
      %sub3A_409 = arith.subi %div3A_388, %sub3A_408 : i32
      %select_n3A_410 = arith.select %and3A_407, %sub3A_409, %div3A_388 : i32
      %add3A_411 = arith.addi %mul3A_2, %select_n3A_410 : i32
      %rem3A_412 = arith.constant 8 : i32
      %rem3A_413 = arith.remsi %add3A_370, %rem3A_412 : i32
      %dma_start3A_414 = arith.constant 0 : i32
      %dma_start3A_415 = arith.constant 0 : i32
      %dma_start3A_416 = arith.constant 0 : i32
      %dma_start3A_417 = tpu.memref_slice %arg16[%dma_start3A_414, %dma_start3A_415, %dma_start3A_416] : memref<8x8x129xf32, #tpu.memory_space<vmem>> -> memref<8x8x128xf32, #tpu.memory_space<vmem>>
      %dma_start3A_418 = arith.constant 0 : i32
      %dma_start3A_419 = arith.constant 0 : i32
      %dma_start3A_420 = arith.constant 0 : i32
      %dma_start3A_421 = tpu.memref_slice %arg5[%add3A_411, %dma_start3A_418, %rem3A_413, %dma_start3A_419, %dma_start3A_420] : memref<1024x8x8x8x128xf32, #tpu.memory_space<hbm>> -> memref<1x8x1x8x128xf32, #tpu.memory_space<hbm>>
      %dma_start3A_422 = tpu.memref_squeeze %dma_start3A_421 : memref<1x8x1x8x128xf32, #tpu.memory_space<hbm>> -> memref<8x8x128xf32, #tpu.memory_space<hbm>>
      %dma_start3A_423 = arith.constant 0 : i32
      %dma_start3A_424 = arith.constant 0 : i32
      %dma_start3A_425 = arith.constant 0 : i32
      %dma_start3A_426 = tpu.memref_slice %arg5[%add3A_411, %dma_start3A_423, %rem3A_413, %dma_start3A_424, %dma_start3A_425] : memref<1024x8x8x8x128xf32, #tpu.memory_space<hbm>> -> memref<1x8x1x8x128xf32, #tpu.memory_space<hbm>>
      %dma_start3A_427 = tpu.memref_squeeze %dma_start3A_426 : memref<1x8x1x8x128xf32, #tpu.memory_space<hbm>> -> memref<8x8x128xf32, #tpu.memory_space<hbm>>
      %dma_start3A_428 = arith.constant 0 : i32
      %dma_start3A_429 = arith.constant 0 : i32
      %dma_start3A_430 = arith.constant 0 : i32
      %dma_start3A_431 = tpu.memref_slice %arg16[%dma_start3A_428, %dma_start3A_429, %dma_start3A_430] : memref<8x8x129xf32, #tpu.memory_space<vmem>> -> memref<8x8x128xf32, #tpu.memory_space<vmem>>
      tpu.enqueue_dma source(%dma_start3A_431 : memref<8x8x128xf32, #tpu.memory_space<vmem>>) target(%dma_start3A_427 : memref<8x8x128xf32, #tpu.memory_space<hbm>>) target_semaphore(%arg28 : memref<!tpu.dma_semaphore, #tpu.memory_space<semaphore_mem>>)
      %add3A_432 = arith.constant 4 : i32
      %add3A_433 = arith.addi %add3A_370, %add3A_432 : i32
      %lt3A_434 = arith.constant 256 : i32
      %lt3A_435 = arith.cmpi slt, %add3A_433, %lt3A_434 : i32
      %convert_element_type3A_436 = arith.extui %lt3A_435 : i1 to i32
      %cond3A_437 = arith.constant 0 : i32
      %cond3A_438 = arith.cmpi ne, %convert_element_type3A_436, %cond3A_437 : i32
      scf.if %cond3A_438 {
        %add3A_545 = arith.constant 4 : i32
        %add3A_546 = arith.addi %add3A_370, %add3A_545 : i32
        %jit3A_547 = arith.constant 8 : i32
        %div3A_548 = arith.divsi %add3A_546, %jit3A_547 : i32
        %sign3A_549 = arith.constant 0 : i32
        %sign3A_550 = arith.cmpi sgt, %add3A_546, %sign3A_549 : i32
        %sign3A_551 = arith.extui %sign3A_550 : i1 to i32
        %sign3A_552 = arith.constant 0 : i32
        %sign3A_553 = arith.cmpi slt, %add3A_546, %sign3A_552 : i32
        %sign3A_554 = arith.extui %sign3A_553 : i1 to i32
        %sign3A_555 = arith.subi %sign3A_551, %sign3A_554 : i32
        %sign3A_556 = arith.constant 0 : i32
        %sign3A_557 = arith.cmpi sgt, %jit3A_547, %sign3A_556 : i32
        %sign3A_558 = arith.extui %sign3A_557 : i1 to i32
        %sign3A_559 = arith.constant 0 : i32
        %sign3A_560 = arith.cmpi slt, %jit3A_547, %sign3A_559 : i32
        %sign3A_561 = arith.extui %sign3A_560 : i1 to i32
        %sign3A_562 = arith.subi %sign3A_558, %sign3A_561 : i32
        %ne3A_563 = arith.cmpi ne, %sign3A_555, %sign3A_562 : i32
        %rem3A_564 = arith.remsi %add3A_546, %jit3A_547 : i32
        %ne3A_565 = arith.constant 0 : i32
        %ne3A_566 = arith.cmpi ne, %rem3A_564, %ne3A_565 : i32
        %and3A_567 = arith.andi %ne3A_563, %ne3A_566 : i1
        %sub3A_568 = arith.constant 1 : i32
        %sub3A_569 = arith.subi %div3A_548, %sub3A_568 : i32
        %select_n3A_570 = arith.select %and3A_567, %sub3A_569, %div3A_548 : i32
        %add3A_571 = arith.addi %mul3A_2, %select_n3A_570 : i32
        %rem3A_572 = arith.constant 8 : i32
        %rem3A_573 = arith.remsi %add3A_546, %rem3A_572 : i32
        %mul3A_574 = arith.constant 128 : i32
        %mul3A_575 = arith.muli %rem3A_573, %mul3A_574 : i32
        %dma_start3A_576 = tpu.memref_slice %arg2[%add3A_571, %mul3A_575] : memref<1024x1024xi32, #tpu.memory_space<hbm>> -> memref<1x128xi32, #tpu.memory_space<hbm>>
        %dma_start3A_577 = tpu.memref_squeeze %dma_start3A_576 : memref<1x128xi32, #tpu.memory_space<hbm>> -> memref<128xi32, #tpu.memory_space<hbm>>
        %dma_start3A_578 = tpu.memref_slice %arg2[%add3A_571, %mul3A_575] : memref<1024x1024xi32, #tpu.memory_space<hbm>> -> memref<1x128xi32, #tpu.memory_space<hbm>>
        %dma_start3A_579 = tpu.memref_squeeze %dma_start3A_578 : memref<1x128xi32, #tpu.memory_space<hbm>> -> memref<128xi32, #tpu.memory_space<hbm>>
        tpu.enqueue_dma source(%dma_start3A_579 : memref<128xi32, #tpu.memory_space<hbm>>) target(%arg8 : memref<128xi32, #tpu.memory_space<vmem>>) target_semaphore(%arg20 : memref<!tpu.dma_semaphore, #tpu.memory_space<semaphore_mem>>)
        %dma_start3A_580 = arith.constant 0 : i32
        %dma_start3A_581 = tpu.memref_slice %arg4[%mul3A_575, %dma_start3A_580] : memref<1024x64xf32, #tpu.memory_space<hbm>> -> memref<128x64xf32, #tpu.memory_space<hbm>>
        %dma_start3A_582 = arith.constant 0 : i32
        %dma_start3A_583 = tpu.memref_slice %arg4[%mul3A_575, %dma_start3A_582] : memref<1024x64xf32, #tpu.memory_space<hbm>> -> memref<128x64xf32, #tpu.memory_space<hbm>>
        tpu.enqueue_dma source(%dma_start3A_583 : memref<128x64xf32, #tpu.memory_space<hbm>>) target(%arg12 : memref<128x64xf32, #tpu.memory_space<vmem>>) target_semaphore(%arg20 : memref<!tpu.dma_semaphore, #tpu.memory_space<semaphore_mem>>)
      } else {
      }
      %add3A_439 = arith.constant 3 : i32
      %add3A_440 = arith.addi %add3A_238, %add3A_439 : i32
      %dma_wait3A_441 = arith.constant 0 : i32
      %dma_wait3A_442 = arith.constant 0 : i32
      %dma_wait3A_443 = tpu.memref_slice %arg4[%dma_wait3A_441, %dma_wait3A_442] : memref<1024x64xf32, #tpu.memory_space<hbm>> -> memref<128x64xf32, #tpu.memory_space<hbm>>
      %dma_wait3A_444 = arith.constant 0 : i32
      %dma_wait3A_445 = arith.constant 0 : i32
      %dma_wait3A_446 = tpu.memref_slice %arg4[%dma_wait3A_444, %dma_wait3A_445] : memref<1024x64xf32, #tpu.memory_space<hbm>> -> memref<128x64xf32, #tpu.memory_space<hbm>>
      tpu.wait_dma2 semaphore(%arg25 : memref<!tpu.dma_semaphore, #tpu.memory_space<semaphore_mem>>) src(%dma_wait3A_446 : memref<128x64xf32, #tpu.memory_space<hbm>>) dst(%arg13 : memref<128x64xf32, #tpu.memory_space<vmem>>)
      %ge3A_447 = arith.constant 4 : i32
      %ge3A_448 = arith.cmpi sge, %add3A_440, %ge3A_447 : i32
      %convert_element_type3A_449 = arith.extui %ge3A_448 : i1 to i32
      %cond3A_450 = arith.constant 0 : i32
      %cond3A_451 = arith.cmpi ne, %convert_element_type3A_449, %cond3A_450 : i32
      scf.if %cond3A_451 {
        %dma_wait3A_545 = arith.constant 0 : i32
        %dma_wait3A_546 = arith.constant 0 : i32
        %dma_wait3A_547 = arith.constant 0 : i32
        %dma_wait3A_548 = arith.constant 0 : i32
        %dma_wait3A_549 = arith.constant 0 : i32
        %dma_wait3A_550 = tpu.memref_slice %arg17[%dma_wait3A_547, %dma_wait3A_548, %dma_wait3A_549] : memref<8x8x129xf32, #tpu.memory_space<vmem>> -> memref<8x8x128xf32, #tpu.memory_space<vmem>>
        %dma_wait3A_551 = arith.constant 0 : i32
        %dma_wait3A_552 = arith.constant 0 : i32
        %dma_wait3A_553 = arith.constant 0 : i32
        %dma_wait3A_554 = tpu.memref_slice %arg5[%dma_wait3A_545, %dma_wait3A_551, %dma_wait3A_546, %dma_wait3A_552, %dma_wait3A_553] : memref<1024x8x8x8x128xf32, #tpu.memory_space<hbm>> -> memref<1x8x1x8x128xf32, #tpu.memory_space<hbm>>
        %dma_wait3A_555 = tpu.memref_squeeze %dma_wait3A_554 : memref<1x8x1x8x128xf32, #tpu.memory_space<hbm>> -> memref<8x8x128xf32, #tpu.memory_space<hbm>>
        %dma_wait3A_556 = arith.constant 0 : i32
        %dma_wait3A_557 = arith.constant 0 : i32
        %dma_wait3A_558 = arith.constant 0 : i32
        %dma_wait3A_559 = tpu.memref_slice %arg5[%dma_wait3A_545, %dma_wait3A_556, %dma_wait3A_546, %dma_wait3A_557, %dma_wait3A_558] : memref<1024x8x8x8x128xf32, #tpu.memory_space<hbm>> -> memref<1x8x1x8x128xf32, #tpu.memory_space<hbm>>
        %dma_wait3A_560 = tpu.memref_squeeze %dma_wait3A_559 : memref<1x8x1x8x128xf32, #tpu.memory_space<hbm>> -> memref<8x8x128xf32, #tpu.memory_space<hbm>>
        %dma_wait3A_561 = arith.constant 0 : i32
        %dma_wait3A_562 = arith.constant 0 : i32
        %dma_wait3A_563 = arith.constant 0 : i32
        %dma_wait3A_564 = tpu.memref_slice %arg17[%dma_wait3A_561, %dma_wait3A_562, %dma_wait3A_563] : memref<8x8x129xf32, #tpu.memory_space<vmem>> -> memref<8x8x128xf32, #tpu.memory_space<vmem>>
        tpu.wait_dma2 semaphore(%arg29 : memref<!tpu.dma_semaphore, #tpu.memory_space<semaphore_mem>>) src(%dma_wait3A_564 : memref<8x8x128xf32, #tpu.memory_space<vmem>>) dst(%dma_wait3A_560 : memref<8x8x128xf32, #tpu.memory_space<hbm>>)
      } else {
      }
      %scan3A_452 = arith.constant 0 : i32
      %scan3A_453 = arith.constant 128 : i32
      %scan3A_454 = arith.addi %scan3A_452, %scan3A_453 : i32
      %scan3A_455 = arith.constant 4 : i32
      scf.for %scan3A_545 = %scan3A_452 to %scan3A_454 step %scan3A_455  : i32 {
        %mul3A_546 = arith.constant 1 : i32
        %mul3A_547 = arith.muli %scan3A_545, %mul3A_546 : i32
        %add3A_548 = arith.constant 0 : i32
        %add3A_549 = arith.addi %add3A_548, %mul3A_547 : i32
        %broadcast_in_dim3A = vector.broadcast %add3A_549 : i32 to vector<16xi32>
        %get3A = arith.index_cast %add3A_549 : i32 to index
        %get3A_550 = arith.constant 0 : index
        %get3A_551 = tpu.vector_load %arg13[%get3A, %get3A_550] {strides = array<i32>} : memref<128x64xf32, #tpu.memory_space<vmem>>, vector<16xf32>,
        tpu.vector_store_idx %arg17[%add3A_9, %rem3A_4, %broadcast_in_dim3A], %get3A_551 : memref<8x8x129xf32, #tpu.memory_space<vmem>>[vector<16xi32>, vector<16xi32>, vector<16xi32>], vector<16xf32>,
        %get3A_552 = arith.index_cast %add3A_549 : i32 to index
        %get3A_553 = arith.constant 16 : index
        %get3A_554 = tpu.vector_load %arg13[%get3A_552, %get3A_553] {strides = array<i32>} : memref<128x64xf32, #tpu.memory_space<vmem>>, vector<16xf32>,
        tpu.vector_store_idx %arg17[%add3A_15, %rem3A_4, %broadcast_in_dim3A], %get3A_554 : memref<8x8x129xf32, #tpu.memory_space<vmem>>[vector<16xi32>, vector<16xi32>, vector<16xi32>], vector<16xf32>,
        %get3A_555 = arith.index_cast %add3A_549 : i32 to index
        %get3A_556 = arith.constant 32 : index
        %get3A_557 = tpu.vector_load %arg13[%get3A_555, %get3A_556] {strides = array<i32>} : memref<128x64xf32, #tpu.memory_space<vmem>>, vector<16xf32>,
        tpu.vector_store_idx %arg17[%add3A_21, %rem3A_4, %broadcast_in_dim3A], %get3A_557 : memref<8x8x129xf32, #tpu.memory_space<vmem>>[vector<16xi32>, vector<16xi32>, vector<16xi32>], vector<16xf32>,
        %get3A_558 = arith.index_cast %add3A_549 : i32 to index
        %get3A_559 = arith.constant 48 : index
        %get3A_560 = tpu.vector_load %arg13[%get3A_558, %get3A_559] {strides = array<i32>} : memref<128x64xf32, #tpu.memory_space<vmem>>, vector<16xf32>,
        tpu.vector_store_idx %arg17[%add3A_27, %rem3A_4, %broadcast_in_dim3A], %get3A_560 : memref<8x8x129xf32, #tpu.memory_space<vmem>>[vector<16xi32>, vector<16xi32>, vector<16xi32>], vector<16xf32>,
        %scan3A_561 = arith.constant 1 : i32
        %scan3A_562 = arith.addi %scan3A_545, %scan3A_561 : i32
        %mul3A_563 = arith.constant 1 : i32
        %mul3A_564 = arith.muli %scan3A_562, %mul3A_563 : i32
        %add3A_565 = arith.constant 0 : i32
        %add3A_566 = arith.addi %add3A_565, %mul3A_564 : i32
        %broadcast_in_dim3A_567 = vector.broadcast %add3A_566 : i32 to vector<16xi32>
        %get3A_568 = arith.index_cast %add3A_566 : i32 to index
        %get3A_569 = arith.constant 0 : index
        %get3A_570 = tpu.vector_load %arg13[%get3A_568, %get3A_569] {strides = array<i32>} : memref<128x64xf32, #tpu.memory_space<vmem>>, vector<16xf32>,
        tpu.vector_store_idx %arg17[%add3A_9, %rem3A_4, %broadcast_in_dim3A_567], %get3A_570 : memref<8x8x129xf32, #tpu.memory_space<vmem>>[vector<16xi32>, vector<16xi32>, vector<16xi32>], vector<16xf32>,
        %get3A_571 = arith.index_cast %add3A_566 : i32 to index
        %get3A_572 = arith.constant 16 : index
        %get3A_573 = tpu.vector_load %arg13[%get3A_571, %get3A_572] {strides = array<i32>} : memref<128x64xf32, #tpu.memory_space<vmem>>, vector<16xf32>,
        tpu.vector_store_idx %arg17[%add3A_15, %rem3A_4, %broadcast_in_dim3A_567], %get3A_573 : memref<8x8x129xf32, #tpu.memory_space<vmem>>[vector<16xi32>, vector<16xi32>, vector<16xi32>], vector<16xf32>,
        %get3A_574 = arith.index_cast %add3A_566 : i32 to index
        %get3A_575 = arith.constant 32 : index
        %get3A_576 = tpu.vector_load %arg13[%get3A_574, %get3A_575] {strides = array<i32>} : memref<128x64xf32, #tpu.memory_space<vmem>>, vector<16xf32>,
        tpu.vector_store_idx %arg17[%add3A_21, %rem3A_4, %broadcast_in_dim3A_567], %get3A_576 : memref<8x8x129xf32, #tpu.memory_space<vmem>>[vector<16xi32>, vector<16xi32>, vector<16xi32>], vector<16xf32>,
        %get3A_577 = arith.index_cast %add3A_566 : i32 to index
        %get3A_578 = arith.constant 48 : index
        %get3A_579 = tpu.vector_load %arg13[%get3A_577, %get3A_578] {strides = array<i32>} : memref<128x64xf32, #tpu.memory_space<vmem>>, vector<16xf32>,
        tpu.vector_store_idx %arg17[%add3A_27, %rem3A_4, %broadcast_in_dim3A_567], %get3A_579 : memref<8x8x129xf32, #tpu.memory_space<vmem>>[vector<16xi32>, vector<16xi32>, vector<16xi32>], vector<16xf32>,
        %scan3A_580 = arith.constant 2 : i32
        %scan3A_581 = arith.addi %scan3A_545, %scan3A_580 : i32
        %mul3A_582 = arith.constant 1 : i32
        %mul3A_583 = arith.muli %scan3A_581, %mul3A_582 : i32
        %add3A_584 = arith.constant 0 : i32
        %add3A_585 = arith.addi %add3A_584, %mul3A_583 : i32
        %broadcast_in_dim3A_586 = vector.broadcast %add3A_585 : i32 to vector<16xi32>
        %get3A_587 = arith.index_cast %add3A_585 : i32 to index
        %get3A_588 = arith.constant 0 : index
        %get3A_589 = tpu.vector_load %arg13[%get3A_587, %get3A_588] {strides = array<i32>} : memref<128x64xf32, #tpu.memory_space<vmem>>, vector<16xf32>,
        tpu.vector_store_idx %arg17[%add3A_9, %rem3A_4, %broadcast_in_dim3A_586], %get3A_589 : memref<8x8x129xf32, #tpu.memory_space<vmem>>[vector<16xi32>, vector<16xi32>, vector<16xi32>], vector<16xf32>,
        %get3A_590 = arith.index_cast %add3A_585 : i32 to index
        %get3A_591 = arith.constant 16 : index
        %get3A_592 = tpu.vector_load %arg13[%get3A_590, %get3A_591] {strides = array<i32>} : memref<128x64xf32, #tpu.memory_space<vmem>>, vector<16xf32>,
        tpu.vector_store_idx %arg17[%add3A_15, %rem3A_4, %broadcast_in_dim3A_586], %get3A_592 : memref<8x8x129xf32, #tpu.memory_space<vmem>>[vector<16xi32>, vector<16xi32>, vector<16xi32>], vector<16xf32>,
        %get3A_593 = arith.index_cast %add3A_585 : i32 to index
        %get3A_594 = arith.constant 32 : index
        %get3A_595 = tpu.vector_load %arg13[%get3A_593, %get3A_594] {strides = array<i32>} : memref<128x64xf32, #tpu.memory_space<vmem>>, vector<16xf32>,
        tpu.vector_store_idx %arg17[%add3A_21, %rem3A_4, %broadcast_in_dim3A_586], %get3A_595 : memref<8x8x129xf32, #tpu.memory_space<vmem>>[vector<16xi32>, vector<16xi32>, vector<16xi32>], vector<16xf32>,
        %get3A_596 = arith.index_cast %add3A_585 : i32 to index
        %get3A_597 = arith.constant 48 : index
        %get3A_598 = tpu.vector_load %arg13[%get3A_596, %get3A_597] {strides = array<i32>} : memref<128x64xf32, #tpu.memory_space<vmem>>, vector<16xf32>,
        tpu.vector_store_idx %arg17[%add3A_27, %rem3A_4, %broadcast_in_dim3A_586], %get3A_598 : memref<8x8x129xf32, #tpu.memory_space<vmem>>[vector<16xi32>, vector<16xi32>, vector<16xi32>], vector<16xf32>,
        %scan3A_599 = arith.constant 3 : i32
        %scan3A_600 = arith.addi %scan3A_545, %scan3A_599 : i32
        %mul3A_601 = arith.constant 1 : i32
        %mul3A_602 = arith.muli %scan3A_600, %mul3A_601 : i32
        %add3A_603 = arith.constant 0 : i32
        %add3A_604 = arith.addi %add3A_603, %mul3A_602 : i32
        %broadcast_in_dim3A_605 = vector.broadcast %add3A_604 : i32 to vector<16xi32>
        %get3A_606 = arith.index_cast %add3A_604 : i32 to index
        %get3A_607 = arith.constant 0 : index
        %get3A_608 = tpu.vector_load %arg13[%get3A_606, %get3A_607] {strides = array<i32>} : memref<128x64xf32, #tpu.memory_space<vmem>>, vector<16xf32>,
        tpu.vector_store_idx %arg17[%add3A_9, %rem3A_4, %broadcast_in_dim3A_605], %get3A_608 : memref<8x8x129xf32, #tpu.memory_space<vmem>>[vector<16xi32>, vector<16xi32>, vector<16xi32>], vector<16xf32>,
        %get3A_609 = arith.index_cast %add3A_604 : i32 to index
        %get3A_610 = arith.constant 16 : index
        %get3A_611 = tpu.vector_load %arg13[%get3A_609, %get3A_610] {strides = array<i32>} : memref<128x64xf32, #tpu.memory_space<vmem>>, vector<16xf32>,
        tpu.vector_store_idx %arg17[%add3A_15, %rem3A_4, %broadcast_in_dim3A_605], %get3A_611 : memref<8x8x129xf32, #tpu.memory_space<vmem>>[vector<16xi32>, vector<16xi32>, vector<16xi32>], vector<16xf32>,
        %get3A_612 = arith.index_cast %add3A_604 : i32 to index
        %get3A_613 = arith.constant 32 : index
        %get3A_614 = tpu.vector_load %arg13[%get3A_612, %get3A_613] {strides = array<i32>} : memref<128x64xf32, #tpu.memory_space<vmem>>, vector<16xf32>,
        tpu.vector_store_idx %arg17[%add3A_21, %rem3A_4, %broadcast_in_dim3A_605], %get3A_614 : memref<8x8x129xf32, #tpu.memory_space<vmem>>[vector<16xi32>, vector<16xi32>, vector<16xi32>], vector<16xf32>,
        %get3A_615 = arith.index_cast %add3A_604 : i32 to index
        %get3A_616 = arith.constant 48 : index
        %get3A_617 = tpu.vector_load %arg13[%get3A_615, %get3A_616] {strides = array<i32>} : memref<128x64xf32, #tpu.memory_space<vmem>>, vector<16xf32>,
        tpu.vector_store_idx %arg17[%add3A_27, %rem3A_4, %broadcast_in_dim3A_605], %get3A_617 : memref<8x8x129xf32, #tpu.memory_space<vmem>>[vector<16xi32>, vector<16xi32>, vector<16xi32>], vector<16xf32>,
      }
      %scan3A_456 = arith.constant 128 : i32
      %jit3A_457 = arith.constant 8 : i32
      %div3A_458 = arith.divsi %add3A_440, %jit3A_457 : i32
      %sign3A_459 = arith.constant 0 : i32
      %sign3A_460 = arith.cmpi sgt, %add3A_440, %sign3A_459 : i32
      %sign3A_461 = arith.extui %sign3A_460 : i1 to i32
      %sign3A_462 = arith.constant 0 : i32
      %sign3A_463 = arith.cmpi slt, %add3A_440, %sign3A_462 : i32
      %sign3A_464 = arith.extui %sign3A_463 : i1 to i32
      %sign3A_465 = arith.subi %sign3A_461, %sign3A_464 : i32
      %sign3A_466 = arith.constant 0 : i32
      %sign3A_467 = arith.cmpi sgt, %jit3A_457, %sign3A_466 : i32
      %sign3A_468 = arith.extui %sign3A_467 : i1 to i32
      %sign3A_469 = arith.constant 0 : i32
      %sign3A_470 = arith.cmpi slt, %jit3A_457, %sign3A_469 : i32
      %sign3A_471 = arith.extui %sign3A_470 : i1 to i32
      %sign3A_472 = arith.subi %sign3A_468, %sign3A_471 : i32
      %ne3A_473 = arith.cmpi ne, %sign3A_465, %sign3A_472 : i32
      %rem3A_474 = arith.remsi %add3A_440, %jit3A_457 : i32
      %ne3A_475 = arith.constant 0 : i32
      %ne3A_476 = arith.cmpi ne, %rem3A_474, %ne3A_475 : i32
      %and3A_477 = arith.andi %ne3A_473, %ne3A_476 : i1
      %sub3A_478 = arith.constant 1 : i32
      %sub3A_479 = arith.subi %div3A_458, %sub3A_478 : i32
      %select_n3A_480 = arith.select %and3A_477, %sub3A_479, %div3A_458 : i32
      %add3A_481 = arith.addi %mul3A_2, %select_n3A_480 : i32
      %rem3A_482 = arith.constant 8 : i32
      %rem3A_483 = arith.remsi %add3A_440, %rem3A_482 : i32
      %dma_start3A_484 = arith.constant 0 : i32
      %dma_start3A_485 = arith.constant 0 : i32
      %dma_start3A_486 = arith.constant 0 : i32
      %dma_start3A_487 = tpu.memref_slice %arg17[%dma_start3A_484, %dma_start3A_485, %dma_start3A_486] : memref<8x8x129xf32, #tpu.memory_space<vmem>> -> memref<8x8x128xf32, #tpu.memory_space<vmem>>
      %dma_start3A_488 = arith.constant 0 : i32
      %dma_start3A_489 = arith.constant 0 : i32
      %dma_start3A_490 = arith.constant 0 : i32
      %dma_start3A_491 = tpu.memref_slice %arg5[%add3A_481, %dma_start3A_488, %rem3A_483, %dma_start3A_489, %dma_start3A_490] : memref<1024x8x8x8x128xf32, #tpu.memory_space<hbm>> -> memref<1x8x1x8x128xf32, #tpu.memory_space<hbm>>
      %dma_start3A_492 = tpu.memref_squeeze %dma_start3A_491 : memref<1x8x1x8x128xf32, #tpu.memory_space<hbm>> -> memref<8x8x128xf32, #tpu.memory_space<hbm>>
      %dma_start3A_493 = arith.constant 0 : i32
      %dma_start3A_494 = arith.constant 0 : i32
      %dma_start3A_495 = arith.constant 0 : i32
      %dma_start3A_496 = tpu.memref_slice %arg5[%add3A_481, %dma_start3A_493, %rem3A_483, %dma_start3A_494, %dma_start3A_495] : memref<1024x8x8x8x128xf32, #tpu.memory_space<hbm>> -> memref<1x8x1x8x128xf32, #tpu.memory_space<hbm>>
      %dma_start3A_497 = tpu.memref_squeeze %dma_start3A_496 : memref<1x8x1x8x128xf32, #tpu.memory_space<hbm>> -> memref<8x8x128xf32, #tpu.memory_space<hbm>>
      %dma_start3A_498 = arith.constant 0 : i32
      %dma_start3A_499 = arith.constant 0 : i32
      %dma_start3A_500 = arith.constant 0 : i32
      %dma_start3A_501 = tpu.memref_slice %arg17[%dma_start3A_498, %dma_start3A_499, %dma_start3A_500] : memref<8x8x129xf32, #tpu.memory_space<vmem>> -> memref<8x8x128xf32, #tpu.memory_space<vmem>>
      tpu.enqueue_dma source(%dma_start3A_501 : memref<8x8x128xf32, #tpu.memory_space<vmem>>) target(%dma_start3A_497 : memref<8x8x128xf32, #tpu.memory_space<hbm>>) target_semaphore(%arg29 : memref<!tpu.dma_semaphore, #tpu.memory_space<semaphore_mem>>)
      %add3A_502 = arith.constant 4 : i32
      %add3A_503 = arith.addi %add3A_440, %add3A_502 : i32
      %lt3A_504 = arith.constant 256 : i32
      %lt3A_505 = arith.cmpi slt, %add3A_503, %lt3A_504 : i32
      %convert_element_type3A_506 = arith.extui %lt3A_505 : i1 to i32
      %cond3A_507 = arith.constant 0 : i32
      %cond3A_508 = arith.cmpi ne, %convert_element_type3A_506, %cond3A_507 : i32
      scf.if %cond3A_508 {
        %add3A_545 = arith.constant 4 : i32
        %add3A_546 = arith.addi %add3A_440, %add3A_545 : i32
        %jit3A_547 = arith.constant 8 : i32
        %div3A_548 = arith.divsi %add3A_546, %jit3A_547 : i32
        %sign3A_549 = arith.constant 0 : i32
        %sign3A_550 = arith.cmpi sgt, %add3A_546, %sign3A_549 : i32
        %sign3A_551 = arith.extui %sign3A_550 : i1 to i32
        %sign3A_552 = arith.constant 0 : i32
        %sign3A_553 = arith.cmpi slt, %add3A_546, %sign3A_552 : i32
        %sign3A_554 = arith.extui %sign3A_553 : i1 to i32
        %sign3A_555 = arith.subi %sign3A_551, %sign3A_554 : i32
        %sign3A_556 = arith.constant 0 : i32
        %sign3A_557 = arith.cmpi sgt, %jit3A_547, %sign3A_556 : i32
        %sign3A_558 = arith.extui %sign3A_557 : i1 to i32
        %sign3A_559 = arith.constant 0 : i32
        %sign3A_560 = arith.cmpi slt, %jit3A_547, %sign3A_559 : i32
        %sign3A_561 = arith.extui %sign3A_560 : i1 to i32
        %sign3A_562 = arith.subi %sign3A_558, %sign3A_561 : i32
        %ne3A_563 = arith.cmpi ne, %sign3A_555, %sign3A_562 : i32
        %rem3A_564 = arith.remsi %add3A_546, %jit3A_547 : i32
        %ne3A_565 = arith.constant 0 : i32
        %ne3A_566 = arith.cmpi ne, %rem3A_564, %ne3A_565 : i32
        %and3A_567 = arith.andi %ne3A_563, %ne3A_566 : i1
        %sub3A_568 = arith.constant 1 : i32
        %sub3A_569 = arith.subi %div3A_548, %sub3A_568 : i32
        %select_n3A_570 = arith.select %and3A_567, %sub3A_569, %div3A_548 : i32
        %add3A_571 = arith.addi %mul3A_2, %select_n3A_570 : i32
        %rem3A_572 = arith.constant 8 : i32
        %rem3A_573 = arith.remsi %add3A_546, %rem3A_572 : i32
        %mul3A_574 = arith.constant 128 : i32
        %mul3A_575 = arith.muli %rem3A_573, %mul3A_574 : i32
        %dma_start3A_576 = tpu.memref_slice %arg2[%add3A_571, %mul3A_575] : memref<1024x1024xi32, #tpu.memory_space<hbm>> -> memref<1x128xi32, #tpu.memory_space<hbm>>
        %dma_start3A_577 = tpu.memref_squeeze %dma_start3A_576 : memref<1x128xi32, #tpu.memory_space<hbm>> -> memref<128xi32, #tpu.memory_space<hbm>>
        %dma_start3A_578 = tpu.memref_slice %arg2[%add3A_571, %mul3A_575] : memref<1024x1024xi32, #tpu.memory_space<hbm>> -> memref<1x128xi32, #tpu.memory_space<hbm>>
        %dma_start3A_579 = tpu.memref_squeeze %dma_start3A_578 : memref<1x128xi32, #tpu.memory_space<hbm>> -> memref<128xi32, #tpu.memory_space<hbm>>
        tpu.enqueue_dma source(%dma_start3A_579 : memref<128xi32, #tpu.memory_space<hbm>>) target(%arg9 : memref<128xi32, #tpu.memory_space<vmem>>) target_semaphore(%arg21 : memref<!tpu.dma_semaphore, #tpu.memory_space<semaphore_mem>>)
        %dma_start3A_580 = arith.constant 0 : i32
        %dma_start3A_581 = tpu.memref_slice %arg4[%mul3A_575, %dma_start3A_580] : memref<1024x64xf32, #tpu.memory_space<hbm>> -> memref<128x64xf32, #tpu.memory_space<hbm>>
        %dma_start3A_582 = arith.constant 0 : i32
        %dma_start3A_583 = tpu.memref_slice %arg4[%mul3A_575, %dma_start3A_582] : memref<1024x64xf32, #tpu.memory_space<hbm>> -> memref<128x64xf32, #tpu.memory_space<hbm>>
        tpu.enqueue_dma source(%dma_start3A_583 : memref<128x64xf32, #tpu.memory_space<hbm>>) target(%arg13 : memref<128x64xf32, #tpu.memory_space<vmem>>) target_semaphore(%arg21 : memref<!tpu.dma_semaphore, #tpu.memory_space<semaphore_mem>>)
      } else {
      }
      %add3A_509 = arith.constant 4 : i32
      %add3A_510 = arith.addi %add3A_238, %add3A_509 : i32
      %add3A_511 = arith.constant 0 : i32
      %add3A_512 = arith.addi %add3A_510, %add3A_511 : i32
      %lt3A_513 = arith.constant 256 : i32
      %lt3A_514 = arith.cmpi slt, %add3A_512, %lt3A_513 : i32
      %convert_element_type3A_515 = arith.extui %lt3A_514 : i1 to i32
      %cond3A_516 = arith.constant 0 : i32
      %cond3A_517 = arith.cmpi ne, %convert_element_type3A_515, %cond3A_516 : i32
      scf.if %cond3A_517 {
        %dma_wait3A_545 = arith.constant 0 : i32
        %dma_wait3A_546 = arith.constant 0 : i32
        %dma_wait3A_547 = tpu.memref_slice %arg2[%dma_wait3A_545, %dma_wait3A_546] : memref<1024x1024xi32, #tpu.memory_space<hbm>> -> memref<1x128xi32, #tpu.memory_space<hbm>>
        %dma_wait3A_548 = tpu.memref_squeeze %dma_wait3A_547 : memref<1x128xi32, #tpu.memory_space<hbm>> -> memref<128xi32, #tpu.memory_space<hbm>>
        %dma_wait3A_549 = arith.constant 0 : i32
        %dma_wait3A_550 = tpu.memref_slice %arg2[%dma_wait3A_545, %dma_wait3A_549] : memref<1024x1024xi32, #tpu.memory_space<hbm>> -> memref<1x128xi32, #tpu.memory_space<hbm>>
        %dma_wait3A_551 = tpu.memref_squeeze %dma_wait3A_550 : memref<1x128xi32, #tpu.memory_space<hbm>> -> memref<128xi32, #tpu.memory_space<hbm>>
        tpu.wait_dma2 semaphore(%arg18 : memref<!tpu.dma_semaphore, #tpu.memory_space<semaphore_mem>>) src(%dma_wait3A_551 : memref<128xi32, #tpu.memory_space<hbm>>) dst(%arg6 : memref<128xi32, #tpu.memory_space<vmem>>)
        %dma_wait3A_552 = arith.constant 0 : i32
        %dma_wait3A_553 = arith.constant 0 : i32
        %dma_wait3A_554 = tpu.memref_slice %arg4[%dma_wait3A_552, %dma_wait3A_553] : memref<1024x64xf32, #tpu.memory_space<hbm>> -> memref<128x64xf32, #tpu.memory_space<hbm>>
        %dma_wait3A_555 = arith.constant 0 : i32
        %dma_wait3A_556 = arith.constant 0 : i32
        %dma_wait3A_557 = tpu.memref_slice %arg4[%dma_wait3A_555, %dma_wait3A_556] : memref<1024x64xf32, #tpu.memory_space<hbm>> -> memref<128x64xf32, #tpu.memory_space<hbm>>
        tpu.wait_dma2 semaphore(%arg18 : memref<!tpu.dma_semaphore, #tpu.memory_space<semaphore_mem>>) src(%dma_wait3A_557 : memref<128x64xf32, #tpu.memory_space<hbm>>) dst(%arg10 : memref<128x64xf32, #tpu.memory_space<vmem>>)
        %dma_start3A_558 = arith.constant 0 : i32
        %dma_start3A_559 = arith.constant 0 : i32
        %dma_start3A_560 = tpu.memref_slice %arg3[%dma_start3A_558, %dma_start3A_559] : memref<100000x64xf32, #tpu.memory_space<hbm>> -> memref<100000x64xf32, #tpu.memory_space<hbm>>
        tpu.enqueue_indirect_dma source(%dma_start3A_560 : memref<100000x64xf32, #tpu.memory_space<hbm>>) target(%arg10 : memref<128x64xf32, #tpu.memory_space<vmem>>) offsets(%arg6 : memref<128xi32, #tpu.memory_space<vmem>>) semaphore(%arg22 : memref<!tpu.dma_semaphore, #tpu.memory_space<semaphore_mem>>) {add = true}
      } else {
      }
      %add3A_518 = arith.constant 4 : i32
      %add3A_519 = arith.addi %add3A_238, %add3A_518 : i32
      %add3A_520 = arith.constant 1 : i32
      %add3A_521 = arith.addi %add3A_519, %add3A_520 : i32
      %lt3A_522 = arith.constant 256 : i32
      %lt3A_523 = arith.cmpi slt, %add3A_521, %lt3A_522 : i32
      %convert_element_type3A_524 = arith.extui %lt3A_523 : i1 to i32
      %cond3A_525 = arith.constant 0 : i32
      %cond3A_526 = arith.cmpi ne, %convert_element_type3A_524, %cond3A_525 : i32
      scf.if %cond3A_526 {
        %dma_wait3A_545 = arith.constant 0 : i32
        %dma_wait3A_546 = arith.constant 0 : i32
        %dma_wait3A_547 = tpu.memref_slice %arg2[%dma_wait3A_545, %dma_wait3A_546] : memref<1024x1024xi32, #tpu.memory_space<hbm>> -> memref<1x128xi32, #tpu.memory_space<hbm>>
        %dma_wait3A_548 = tpu.memref_squeeze %dma_wait3A_547 : memref<1x128xi32, #tpu.memory_space<hbm>> -> memref<128xi32, #tpu.memory_space<hbm>>
        %dma_wait3A_549 = arith.constant 0 : i32
        %dma_wait3A_550 = tpu.memref_slice %arg2[%dma_wait3A_545, %dma_wait3A_549] : memref<1024x1024xi32, #tpu.memory_space<hbm>> -> memref<1x128xi32, #tpu.memory_space<hbm>>
        %dma_wait3A_551 = tpu.memref_squeeze %dma_wait3A_550 : memref<1x128xi32, #tpu.memory_space<hbm>> -> memref<128xi32, #tpu.memory_space<hbm>>
        tpu.wait_dma2 semaphore(%arg19 : memref<!tpu.dma_semaphore, #tpu.memory_space<semaphore_mem>>) src(%dma_wait3A_551 : memref<128xi32, #tpu.memory_space<hbm>>) dst(%arg7 : memref<128xi32, #tpu.memory_space<vmem>>)
        %dma_wait3A_552 = arith.constant 0 : i32
        %dma_wait3A_553 = arith.constant 0 : i32
        %dma_wait3A_554 = tpu.memref_slice %arg4[%dma_wait3A_552, %dma_wait3A_553] : memref<1024x64xf32, #tpu.memory_space<hbm>> -> memref<128x64xf32, #tpu.memory_space<hbm>>
        %dma_wait3A_555 = arith.constant 0 : i32
        %dma_wait3A_556 = arith.constant 0 : i32
        %dma_wait3A_557 = tpu.memref_slice %arg4[%dma_wait3A_555, %dma_wait3A_556] : memref<1024x64xf32, #tpu.memory_space<hbm>> -> memref<128x64xf32, #tpu.memory_space<hbm>>
        tpu.wait_dma2 semaphore(%arg19 : memref<!tpu.dma_semaphore, #tpu.memory_space<semaphore_mem>>) src(%dma_wait3A_557 : memref<128x64xf32, #tpu.memory_space<hbm>>) dst(%arg11 : memref<128x64xf32, #tpu.memory_space<vmem>>)
        %dma_start3A_558 = arith.constant 0 : i32
        %dma_start3A_559 = arith.constant 0 : i32
        %dma_start3A_560 = tpu.memref_slice %arg3[%dma_start3A_558, %dma_start3A_559] : memref<100000x64xf32, #tpu.memory_space<hbm>> -> memref<100000x64xf32, #tpu.memory_space<hbm>>
        tpu.enqueue_indirect_dma source(%dma_start3A_560 : memref<100000x64xf32, #tpu.memory_space<hbm>>) target(%arg11 : memref<128x64xf32, #tpu.memory_space<vmem>>) offsets(%arg7 : memref<128xi32, #tpu.memory_space<vmem>>) semaphore(%arg23 : memref<!tpu.dma_semaphore, #tpu.memory_space<semaphore_mem>>) {add = true}
      } else {
      }
      %add3A_527 = arith.constant 4 : i32
      %add3A_528 = arith.addi %add3A_238, %add3A_527 : i32
      %add3A_529 = arith.constant 2 : i32
      %add3A_530 = arith.addi %add3A_528, %add3A_529 : i32
      %lt3A_531 = arith.constant 256 : i32
      %lt3A_532 = arith.cmpi slt, %add3A_530, %lt3A_531 : i32
      %convert_element_type3A_533 = arith.extui %lt3A_532 : i1 to i32
      %cond3A_534 = arith.constant 0 : i32
      %cond3A_535 = arith.cmpi ne, %convert_element_type3A_533, %cond3A_534 : i32
      scf.if %cond3A_535 {
        %dma_wait3A_545 = arith.constant 0 : i32
        %dma_wait3A_546 = arith.constant 0 : i32
        %dma_wait3A_547 = tpu.memref_slice %arg2[%dma_wait3A_545, %dma_wait3A_546] : memref<1024x1024xi32, #tpu.memory_space<hbm>> -> memref<1x128xi32, #tpu.memory_space<hbm>>
        %dma_wait3A_548 = tpu.memref_squeeze %dma_wait3A_547 : memref<1x128xi32, #tpu.memory_space<hbm>> -> memref<128xi32, #tpu.memory_space<hbm>>
        %dma_wait3A_549 = arith.constant 0 : i32
        %dma_wait3A_550 = tpu.memref_slice %arg2[%dma_wait3A_545, %dma_wait3A_549] : memref<1024x1024xi32, #tpu.memory_space<hbm>> -> memref<1x128xi32, #tpu.memory_space<hbm>>
        %dma_wait3A_551 = tpu.memref_squeeze %dma_wait3A_550 : memref<1x128xi32, #tpu.memory_space<hbm>> -> memref<128xi32, #tpu.memory_space<hbm>>
        tpu.wait_dma2 semaphore(%arg20 : memref<!tpu.dma_semaphore, #tpu.memory_space<semaphore_mem>>) src(%dma_wait3A_551 : memref<128xi32, #tpu.memory_space<hbm>>) dst(%arg8 : memref<128xi32, #tpu.memory_space<vmem>>)
        %dma_wait3A_552 = arith.constant 0 : i32
        %dma_wait3A_553 = arith.constant 0 : i32
        %dma_wait3A_554 = tpu.memref_slice %arg4[%dma_wait3A_552, %dma_wait3A_553] : memref<1024x64xf32, #tpu.memory_space<hbm>> -> memref<128x64xf32, #tpu.memory_space<hbm>>
        %dma_wait3A_555 = arith.constant 0 : i32
        %dma_wait3A_556 = arith.constant 0 : i32
        %dma_wait3A_557 = tpu.memref_slice %arg4[%dma_wait3A_555, %dma_wait3A_556] : memref<1024x64xf32, #tpu.memory_space<hbm>> -> memref<128x64xf32, #tpu.memory_space<hbm>>
        tpu.wait_dma2 semaphore(%arg20 : memref<!tpu.dma_semaphore, #tpu.memory_space<semaphore_mem>>) src(%dma_wait3A_557 : memref<128x64xf32, #tpu.memory_space<hbm>>) dst(%arg12 : memref<128x64xf32, #tpu.memory_space<vmem>>)
        %dma_start3A_558 = arith.constant 0 : i32
        %dma_start3A_559 = arith.constant 0 : i32
        %dma_start3A_560 = tpu.memref_slice %arg3[%dma_start3A_558, %dma_start3A_559] : memref<100000x64xf32, #tpu.memory_space<hbm>> -> memref<100000x64xf32, #tpu.memory_space<hbm>>
        tpu.enqueue_indirect_dma source(%dma_start3A_560 : memref<100000x64xf32, #tpu.memory_space<hbm>>) target(%arg12 : memref<128x64xf32, #tpu.memory_space<vmem>>) offsets(%arg8 : memref<128xi32, #tpu.memory_space<vmem>>) semaphore(%arg24 : memref<!tpu.dma_semaphore, #tpu.memory_space<semaphore_mem>>) {add = true}
      } else {
      }
      %add3A_536 = arith.constant 4 : i32
      %add3A_537 = arith.addi %add3A_238, %add3A_536 : i32
      %add3A_538 = arith.constant 3 : i32
      %add3A_539 = arith.addi %add3A_537, %add3A_538 : i32
      %lt3A_540 = arith.constant 256 : i32
      %lt3A_541 = arith.cmpi slt, %add3A_539, %lt3A_540 : i32
      %convert_element_type3A_542 = arith.extui %lt3A_541 : i1 to i32
      %cond3A_543 = arith.constant 0 : i32
      %cond3A_544 = arith.cmpi ne, %convert_element_type3A_542, %cond3A_543 : i32
      scf.if %cond3A_544 {
        %dma_wait3A_545 = arith.constant 0 : i32
        %dma_wait3A_546 = arith.constant 0 : i32
        %dma_wait3A_547 = tpu.memref_slice %arg2[%dma_wait3A_545, %dma_wait3A_546] : memref<1024x1024xi32, #tpu.memory_space<hbm>> -> memref<1x128xi32, #tpu.memory_space<hbm>>
        %dma_wait3A_548 = tpu.memref_squeeze %dma_wait3A_547 : memref<1x128xi32, #tpu.memory_space<hbm>> -> memref<128xi32, #tpu.memory_space<hbm>>
        %dma_wait3A_549 = arith.constant 0 : i32
        %dma_wait3A_550 = tpu.memref_slice %arg2[%dma_wait3A_545, %dma_wait3A_549] : memref<1024x1024xi32, #tpu.memory_space<hbm>> -> memref<1x128xi32, #tpu.memory_space<hbm>>
        %dma_wait3A_551 = tpu.memref_squeeze %dma_wait3A_550 : memref<1x128xi32, #tpu.memory_space<hbm>> -> memref<128xi32, #tpu.memory_space<hbm>>
        tpu.wait_dma2 semaphore(%arg21 : memref<!tpu.dma_semaphore, #tpu.memory_space<semaphore_mem>>) src(%dma_wait3A_551 : memref<128xi32, #tpu.memory_space<hbm>>) dst(%arg9 : memref<128xi32, #tpu.memory_space<vmem>>)
        %dma_wait3A_552 = arith.constant 0 : i32
        %dma_wait3A_553 = arith.constant 0 : i32
        %dma_wait3A_554 = tpu.memref_slice %arg4[%dma_wait3A_552, %dma_wait3A_553] : memref<1024x64xf32, #tpu.memory_space<hbm>> -> memref<128x64xf32, #tpu.memory_space<hbm>>
        %dma_wait3A_555 = arith.constant 0 : i32
        %dma_wait3A_556 = arith.constant 0 : i32
        %dma_wait3A_557 = tpu.memref_slice %arg4[%dma_wait3A_555, %dma_wait3A_556] : memref<1024x64xf32, #tpu.memory_space<hbm>> -> memref<128x64xf32, #tpu.memory_space<hbm>>
        tpu.wait_dma2 semaphore(%arg21 : memref<!tpu.dma_semaphore, #tpu.memory_space<semaphore_mem>>) src(%dma_wait3A_557 : memref<128x64xf32, #tpu.memory_space<hbm>>) dst(%arg13 : memref<128x64xf32, #tpu.memory_space<vmem>>)
        %dma_start3A_558 = arith.constant 0 : i32
        %dma_start3A_559 = arith.constant 0 : i32
        %dma_start3A_560 = tpu.memref_slice %arg3[%dma_start3A_558, %dma_start3A_559] : memref<100000x64xf32, #tpu.memory_space<hbm>> -> memref<100000x64xf32, #tpu.memory_space<hbm>>
        tpu.enqueue_indirect_dma source(%dma_start3A_560 : memref<100000x64xf32, #tpu.memory_space<hbm>>) target(%arg13 : memref<128x64xf32, #tpu.memory_space<vmem>>) offsets(%arg9 : memref<128xi32, #tpu.memory_space<vmem>>) semaphore(%arg25 : memref<!tpu.dma_semaphore, #tpu.memory_space<semaphore_mem>>) {add = true}
      } else {
      }
    }
    %scan3A_153 = arith.constant 64 : i32
    %dma_wait3A_154 = arith.constant 0 : i32
    %dma_wait3A_155 = arith.constant 0 : i32
    %dma_wait3A_156 = arith.constant 0 : i32
    %dma_wait3A_157 = arith.constant 0 : i32
    %dma_wait3A_158 = arith.constant 0 : i32
    %dma_wait3A_159 = tpu.memref_slice %arg14[%dma_wait3A_156, %dma_wait3A_157, %dma_wait3A_158] : memref<8x8x129xf32, #tpu.memory_space<vmem>> -> memref<8x8x128xf32, #tpu.memory_space<vmem>>
    %dma_wait3A_160 = arith.constant 0 : i32
    %dma_wait3A_161 = arith.constant 0 : i32
    %dma_wait3A_162 = arith.constant 0 : i32
    %dma_wait3A_163 = tpu.memref_slice %arg5[%dma_wait3A_154, %dma_wait3A_160, %dma_wait3A_155, %dma_wait3A_161, %dma_wait3A_162] : memref<1024x8x8x8x128xf32, #tpu.memory_space<hbm>> -> memref<1x8x1x8x128xf32, #tpu.memory_space<hbm>>
    %dma_wait3A_164 = tpu.memref_squeeze %dma_wait3A_163 : memref<1x8x1x8x128xf32, #tpu.memory_space<hbm>> -> memref<8x8x128xf32, #tpu.memory_space<hbm>>
    %dma_wait3A_165 = arith.constant 0 : i32
    %dma_wait3A_166 = arith.constant 0 : i32
    %dma_wait3A_167 = arith.constant 0 : i32
    %dma_wait3A_168 = tpu.memref_slice %arg5[%dma_wait3A_154, %dma_wait3A_165, %dma_wait3A_155, %dma_wait3A_166, %dma_wait3A_167] : memref<1024x8x8x8x128xf32, #tpu.memory_space<hbm>> -> memref<1x8x1x8x128xf32, #tpu.memory_space<hbm>>
    %dma_wait3A_169 = tpu.memref_squeeze %dma_wait3A_168 : memref<1x8x1x8x128xf32, #tpu.memory_space<hbm>> -> memref<8x8x128xf32, #tpu.memory_space<hbm>>
    %dma_wait3A_170 = arith.constant 0 : i32
    %dma_wait3A_171 = arith.constant 0 : i32
    %dma_wait3A_172 = arith.constant 0 : i32
    %dma_wait3A_173 = tpu.memref_slice %arg14[%dma_wait3A_170, %dma_wait3A_171, %dma_wait3A_172] : memref<8x8x129xf32, #tpu.memory_space<vmem>> -> memref<8x8x128xf32, #tpu.memory_space<vmem>>
    tpu.wait_dma2 semaphore(%arg26 : memref<!tpu.dma_semaphore, #tpu.memory_space<semaphore_mem>>) src(%dma_wait3A_173 : memref<8x8x128xf32, #tpu.memory_space<vmem>>) dst(%dma_wait3A_169 : memref<8x8x128xf32, #tpu.memory_space<hbm>>)
    %dma_wait3A_174 = arith.constant 0 : i32
    %dma_wait3A_175 = arith.constant 0 : i32
    %dma_wait3A_176 = arith.constant 0 : i32
    %dma_wait3A_177 = arith.constant 0 : i32
    %dma_wait3A_178 = arith.constant 0 : i32
    %dma_wait3A_179 = tpu.memref_slice %arg15[%dma_wait3A_176, %dma_wait3A_177, %dma_wait3A_178] : memref<8x8x129xf32, #tpu.memory_space<vmem>> -> memref<8x8x128xf32, #tpu.memory_space<vmem>>
    %dma_wait3A_180 = arith.constant 0 : i32
    %dma_wait3A_181 = arith.constant 0 : i32
    %dma_wait3A_182 = arith.constant 0 : i32
    %dma_wait3A_183 = tpu.memref_slice %arg5[%dma_wait3A_174, %dma_wait3A_180, %dma_wait3A_175, %dma_wait3A_181, %dma_wait3A_182] : memref<1024x8x8x8x128xf32, #tpu.memory_space<hbm>> -> memref<1x8x1x8x128xf32, #tpu.memory_space<hbm>>
    %dma_wait3A_184 = tpu.memref_squeeze %dma_wait3A_183 : memref<1x8x1x8x128xf32, #tpu.memory_space<hbm>> -> memref<8x8x128xf32, #tpu.memory_space<hbm>>
    %dma_wait3A_185 = arith.constant 0 : i32
    %dma_wait3A_186 = arith.constant 0 : i32
    %dma_wait3A_187 = arith.constant 0 : i32
    %dma_wait3A_188 = tpu.memref_slice %arg5[%dma_wait3A_174, %dma_wait3A_185, %dma_wait3A_175, %dma_wait3A_186, %dma_wait3A_187] : memref<1024x8x8x8x128xf32, #tpu.memory_space<hbm>> -> memref<1x8x1x8x128xf32, #tpu.memory_space<hbm>>
    %dma_wait3A_189 = tpu.memref_squeeze %dma_wait3A_188 : memref<1x8x1x8x128xf32, #tpu.memory_space<hbm>> -> memref<8x8x128xf32, #tpu.memory_space<hbm>>
    %dma_wait3A_190 = arith.constant 0 : i32
    %dma_wait3A_191 = arith.constant 0 : i32
    %dma_wait3A_192 = arith.constant 0 : i32
    %dma_wait3A_193 = tpu.memref_slice %arg15[%dma_wait3A_190, %dma_wait3A_191, %dma_wait3A_192] : memref<8x8x129xf32, #tpu.memory_space<vmem>> -> memref<8x8x128xf32, #tpu.memory_space<vmem>>
    tpu.wait_dma2 semaphore(%arg27 : memref<!tpu.dma_semaphore, #tpu.memory_space<semaphore_mem>>) src(%dma_wait3A_193 : memref<8x8x128xf32, #tpu.memory_space<vmem>>) dst(%dma_wait3A_189 : memref<8x8x128xf32, #tpu.memory_space<hbm>>)
    %dma_wait3A_194 = arith.constant 0 : i32
    %dma_wait3A_195 = arith.constant 0 : i32
    %dma_wait3A_196 = arith.constant 0 : i32
    %dma_wait3A_197 = arith.constant 0 : i32
    %dma_wait3A_198 = arith.constant 0 : i32
    %dma_wait3A_199 = tpu.memref_slice %arg16[%dma_wait3A_196, %dma_wait3A_197, %dma_wait3A_198] : memref<8x8x129xf32, #tpu.memory_space<vmem>> -> memref<8x8x128xf32, #tpu.memory_space<vmem>>
    %dma_wait3A_200 = arith.constant 0 : i32
    %dma_wait3A_201 = arith.constant 0 : i32
    %dma_wait3A_202 = arith.constant 0 : i32
    %dma_wait3A_203 = tpu.memref_slice %arg5[%dma_wait3A_194, %dma_wait3A_200, %dma_wait3A_195, %dma_wait3A_201, %dma_wait3A_202] : memref<1024x8x8x8x128xf32, #tpu.memory_space<hbm>> -> memref<1x8x1x8x128xf32, #tpu.memory_space<hbm>>
    %dma_wait3A_204 = tpu.memref_squeeze %dma_wait3A_203 : memref<1x8x1x8x128xf32, #tpu.memory_space<hbm>> -> memref<8x8x128xf32, #tpu.memory_space<hbm>>
    %dma_wait3A_205 = arith.constant 0 : i32
    %dma_wait3A_206 = arith.constant 0 : i32
    %dma_wait3A_207 = arith.constant 0 : i32
    %dma_wait3A_208 = tpu.memref_slice %arg5[%dma_wait3A_194, %dma_wait3A_205, %dma_wait3A_195, %dma_wait3A_206, %dma_wait3A_207] : memref<1024x8x8x8x128xf32, #tpu.memory_space<hbm>> -> memref<1x8x1x8x128xf32, #tpu.memory_space<hbm>>
    %dma_wait3A_209 = tpu.memref_squeeze %dma_wait3A_208 : memref<1x8x1x8x128xf32, #tpu.memory_space<hbm>> -> memref<8x8x128xf32, #tpu.memory_space<hbm>>
    %dma_wait3A_210 = arith.constant 0 : i32
    %dma_wait3A_211 = arith.constant 0 : i32
    %dma_wait3A_212 = arith.constant 0 : i32
    %dma_wait3A_213 = tpu.memref_slice %arg16[%dma_wait3A_210, %dma_wait3A_211, %dma_wait3A_212] : memref<8x8x129xf32, #tpu.memory_space<vmem>> -> memref<8x8x128xf32, #tpu.memory_space<vmem>>
    tpu.wait_dma2 semaphore(%arg28 : memref<!tpu.dma_semaphore, #tpu.memory_space<semaphore_mem>>) src(%dma_wait3A_213 : memref<8x8x128xf32, #tpu.memory_space<vmem>>) dst(%dma_wait3A_209 : memref<8x8x128xf32, #tpu.memory_space<hbm>>)
    %dma_wait3A_214 = arith.constant 0 : i32
    %dma_wait3A_215 = arith.constant 0 : i32
    %dma_wait3A_216 = arith.constant 0 : i32
    %dma_wait3A_217 = arith.constant 0 : i32
    %dma_wait3A_218 = arith.constant 0 : i32
    %dma_wait3A_219 = tpu.memref_slice %arg17[%dma_wait3A_216, %dma_wait3A_217, %dma_wait3A_218] : memref<8x8x129xf32, #tpu.memory_space<vmem>> -> memref<8x8x128xf32, #tpu.memory_space<vmem>>
    %dma_wait3A_220 = arith.constant 0 : i32
    %dma_wait3A_221 = arith.constant 0 : i32
    %dma_wait3A_222 = arith.constant 0 : i32
    %dma_wait3A_223 = tpu.memref_slice %arg5[%dma_wait3A_214, %dma_wait3A_220, %dma_wait3A_215, %dma_wait3A_221, %dma_wait3A_222] : memref<1024x8x8x8x128xf32, #tpu.memory_space<hbm>> -> memref<1x8x1x8x128xf32, #tpu.memory_space<hbm>>
    %dma_wait3A_224 = tpu.memref_squeeze %dma_wait3A_223 : memref<1x8x1x8x128xf32, #tpu.memory_space<hbm>> -> memref<8x8x128xf32, #tpu.memory_space<hbm>>
    %dma_wait3A_225 = arith.constant 0 : i32
    %dma_wait3A_226 = arith.constant 0 : i32
    %dma_wait3A_227 = arith.constant 0 : i32
    %dma_wait3A_228 = tpu.memref_slice %arg5[%dma_wait3A_214, %dma_wait3A_225, %dma_wait3A_215, %dma_wait3A_226, %dma_wait3A_227] : memref<1024x8x8x8x128xf32, #tpu.memory_space<hbm>> -> memref<1x8x1x8x128xf32, #tpu.memory_space<hbm>>
    %dma_wait3A_229 = tpu.memref_squeeze %dma_wait3A_228 : memref<1x8x1x8x128xf32, #tpu.memory_space<hbm>> -> memref<8x8x128xf32, #tpu.memory_space<hbm>>
    %dma_wait3A_230 = arith.constant 0 : i32
    %dma_wait3A_231 = arith.constant 0 : i32
    %dma_wait3A_232 = arith.constant 0 : i32
    %dma_wait3A_233 = tpu.memref_slice %arg17[%dma_wait3A_230, %dma_wait3A_231, %dma_wait3A_232] : memref<8x8x129xf32, #tpu.memory_space<vmem>> -> memref<8x8x128xf32, #tpu.memory_space<vmem>>
    tpu.wait_dma2 semaphore(%arg29 : memref<!tpu.dma_semaphore, #tpu.memory_space<semaphore_mem>>) src(%dma_wait3A_233 : memref<8x8x128xf32, #tpu.memory_space<vmem>>) dst(%dma_wait3A_229 : memref<8x8x128xf32, #tpu.memory_space<hbm>>)
    return
  }
}

</mosaic_0001>

<sc_bundles>
// kernel: kernel.3.cloned.1.call-start
scs
__scs_entry_jumppad:
0x0: {  	(pc) =	sbr.rel $0x88, $3  }
0x1: {  	(tag) =	ssettag $0x0;
	lr =	simm.s32 $0x1  }
0x2: {  	[smem:$0x3F9E] =	sst lr;
	_ =	strace $0xD0000000  }
0x3: {  	_ = 	snop  }
0x4: {  	_ = 	snop  }
0x5: {  	_ = 	snop  }
0x6: {  	_ = 	snop  }
0x7: {  	_ = 	snop  }
__scs_overlays_trampoline_lowered:
0x8: {  	[smem:$0x3FAD] =	sst s0  }
0x9: {  	[smem:$0x3FAE] =	sst s1  }
0xa: {  	[smem:$0x3FAF] =	sst s2  }
0xb: {  	[smem:$0x3FB0] =	sst s3  }
0xc: {  	[smem:$0x3FB1] =	sst s4  }
0xd: {  	[smem:$0x3FB2] =	sst s5  }
0xe: {  	[smem:$0x3FB3] =	sst s6  }
0xf: {  	[smem:$0x3FB4] =	sst s7  }
0x10: {  	[smem:$0x3FB5] =	sst s8  }
0x11: {  	[smem:$0x3FB6] =	sst s9;
	s0 =	simm.s32 @!p0 $0x0  }
0x12: {  	s1 =	sld [smem:$0x3F9C];
	s0 =	simm.s32 @p0 $0x1  }
0x13: {  	[smem:$0x3FB7] =	sst s0;
	s0 =	simm.s32 @!p1 $0x0  }
0x14: {  	s2 =	sld [smem:$0x3F9B];
	s0 =	simm.s32 @p1 $0x1  }
0x15: {  	[smem:$0x3FB8] =	sst s0;
	s0 =	simm.s32 @!p2 $0x0  }
0x16: {  	s3 =	sld [smem:$0x3FDB];
	s0 =	simm.s32 @p2 $0x1  }
0x17: {  	s4 =	simm.s32 $0x1BF5;
	[smem:$0x3FBA] =	sst s0  }
0x18: {  	s0 =	sld [smem:$0x3F9D];
	_ =	swait.ge [sflag:s4], $0x0  }
0x19: {  	s7 =	sld [smem:$0x3F9E]  }
0x1a: {  	s8 =	sadd.s32 $0xFFFFE003, lr  }
0x1b: {  	s9 =	sadd.s32 $0xFFFFFEF7, lr;
	s5 =	simm.s32 $0xFFFFFFFF;
	p2 =	slt.u32 s8, $0xFFFFF086  }
0x1c: {  	p1 =	slt.u32 s9, $0xF7A;
	s5 =	simm.s32 @!p2 $0x0  }
0x1d: {  	s5 =	simm.s32 @p1 $0x1;
	p0 =	seq.s32 s7, s2  }
0x1e: {  	s7 =	smul.u32 @!p0 $0xF7A, s2;
	p2 =	seq.s32 @!p0 s5, $0x0  }
0x1f: {  	s9 =	smul.u32 $0xF7A, s1;
	s8 =	simm.s32 @!p0 $0x1BF5;
	p2 =	por !p2, p0  }
0x20: {  	[sflag:s8] =	ssyncset.s32 @!p0 $0xFFFFF086;
	s6 =	sadd.s32 @!p0 s3, s7;
	s7 =	simm.s32 @!p0 $0x108  }
0x21: {  	s3 =	sadd.s32 s3, s9;
	s6 =	sadd.s32 @!p0 $0x88, s6;
	s7 =	simm.s32 @p2 $0x1082  }
0x22: {  	[simem:s7], [sflag:s8] =	dma.local @!p0 [hbm:s6], $0xF7A  }
0x23: {  	s9 =	sor.u32 $0xD0000000, s2;
	s6 =	simm.s32 $0x108;
	_ =	swait.ge @!p0 [sflag:s8], $0x0  }
0x24: {  	s3 =	sadd.s32 $0x88, s3;
	s6 =	simm.s32 @!p1 $0x1082;
	[sflag:s4] =	ssyncset.s32 $0xFFFFF086  }
0x25: {  	[simem:s6], [sflag:s4] =	dma.local [hbm:s3], $0xF7A  }
0x26: {  	[smem:$0x3F9E] =	sst s1;
	(tag) =	ssettag s2;
	_ =	strace s9  }
0x27: {  	s1 =	sld [smem:$0x3FAE]  }
0x28: {  	s2 =	sld [smem:$0x3FAF]  }
0x29: {  	s4 =	sld [smem:$0x3FB1]  }
0x2a: {  	p0 =	seq.s32 s5, $0x0;
	s5 =	sld [smem:$0x3FB2]  }
0x2b: {  	s6 =	sld [smem:$0x3FB3]  }
0x2c: {  	s7 =	sld [smem:$0x3FB4]  }
0x2d: {  	s3 =	simm.s32 $0x108;
	s8 =	sld [smem:$0x3FB5]  }
0x2e: {  	s3 =	simm.s32 @!p0 $0x1082;
	s9 =	sld [smem:$0x3FB6]  }
0x2f: {  	lr =	sadd.s32 s0, s3;
	s0 =	sld [smem:$0x3FAD]  }
0x30: {  	s3 =	sld [smem:$0x3FB0]  }
0x31: {  	[smem:$0x3FB9] =	sst s10  }
0x32: {  	s10 =	sld [smem:$0x3FB7];
	_ =	sdelay $0x3  }
0x33: {  	p0 =	seq.s32 s10, $0x1;
	s10 =	sld [smem:$0x3FB9];
	_ =	sdelay $0x3  }
0x34: {  	[smem:$0x3FB9] =	sst s10  }
0x35: {  	s10 =	sld [smem:$0x3FB8];
	_ =	sdelay $0x3  }
0x36: {  	p1 =	seq.s32 s10, $0x1;
	s10 =	sld [smem:$0x3FB9];
	_ =	sdelay $0x3  }
0x37: {  	[smem:$0x3FB9] =	sst s10  }
0x38: {  	s10 =	sld [smem:$0x3FBA]  }
0x39: {  	_ = 	snop;
	(pc) =	sbr.ind lr, $3  }
0x3a: {  	_ = 	snop  }
0x3b: {  	_ = 	snop  }
0x3c: {  	p2 =	seq.s32 s10, $0x1;
	s10 =	sld [smem:$0x3FB9]  }
0x3d: {  	_ =	shalt  }
0x3e: {  	_ =	shalt  }
0x3f: {  	_ =	shalt  }
0x40: {  	_ =	shalt  }
0x41: {  	_ =	shalt  }
0x42: {  	_ =	shalt  }
0x43: {  	_ =	shalt  }
0x44: {  	_ =	shalt  }
0x45: {  	_ =	shalt  }
0x46: {  	_ =	shalt  }
0x47: {  	_ =	shalt  }
0x48: {  	_ =	shalt  }
0x49: {  	_ =	shalt  }
0x4a: {  	_ =	shalt  }
0x4b: {  	_ =	shalt  }
0x4c: {  	_ =	shalt  }
0x4d: {  	_ =	shalt  }
0x4e: {  	_ =	shalt  }
0x4f: {  	_ =	shalt  }
0x50: {  	_ =	shalt  }
0x51: {  	_ =	shalt  }
0x52: {  	_ =	shalt  }
0x53: {  	_ =	shalt  }
0x54: {  	_ =	shalt  }
0x55: {  	_ =	shalt  }
0x56: {  	_ =	shalt  }
0x57: {  	_ =	shalt  }
0x58: {  	_ =	shalt  }
0x59: {  	_ =	shalt  }
0x5a: {  	_ =	shalt  }
0x5b: {  	_ =	shalt  }
0x5c: {  	_ =	shalt  }
0x5d: {  	_ =	shalt  }
0x5e: {  	_ =	shalt  }
0x5f: {  	_ =	shalt  }
0x60: {  	_ =	shalt  }
0x61: {  	_ =	shalt  }
0x62: {  	_ =	shalt  }
0x63: {  	_ =	shalt  }
0x64: {  	_ =	shalt  }
0x65: {  	_ =	shalt  }
0x66: {  	_ =	shalt  }
0x67: {  	_ =	shalt  }
0x68: {  	_ =	shalt  }
0x69: {  	_ =	shalt  }
0x6a: {  	_ =	shalt  }
0x6b: {  	_ =	shalt  }
0x6c: {  	_ =	shalt  }
0x6d: {  	_ =	shalt  }
0x6e: {  	_ =	shalt  }
0x6f: {  	_ =	shalt  }
0x70: {  	_ =	shalt  }
0x71: {  	_ =	shalt  }
0x72: {  	_ =	shalt  }
0x73: {  	_ =	shalt  }
0x74: {  	_ =	shalt  }
0x75: {  	_ =	shalt  }
0x76: {  	_ =	shalt  }
0x77: {  	_ =	shalt  }
0x78: {  	_ =	shalt  }
0x79: {  	_ =	shalt  }
0x7a: {  	_ =	shalt  }
0x7b: {  	_ =	shalt  }
0x7c: {  	_ =	shalt  }
0x7d: {  	_ =	shalt  }
0x7e: {  	_ =	shalt  }
0x7f: {  	_ =	shalt  }
0x80: {  	_ =	shalt  }
0x81: {  	_ =	shalt  }
0x82: {  	_ =	shalt  }
0x83: {  	_ =	shalt  }
0x84: {  	_ =	shalt  }
0x85: {  	_ =	shalt  }
0x86: {  	_ =	shalt  }
0x87: {  	_ =	shalt  }
.Lfunc_end0:
.L_simem_size_0:
called_computation_lowered:
.L_overlay_start_0:
0x88: {  	s2 =	sld [smem:$0x3FD9]  }
0x89: {  	s3 =	sld [smem:$0x3FFE];
	_ =	sdelay $0x1  }
0x8a: {  	s1 =	srdreg.scid  }
0x8b: {  	s0 =	sand.u32 $0x1, s1  }
0x8c: {  	s17 =	sshll.u32 s0, $0xA;
	s2 =	sadd.s32 s3, s2  }
0x8d: {  	s2 =	sadd.s32 s2, s17  }
0x8e: {  	[smem:$0x3FC5] =	sst s2  }
0x8f: {  	_ = 	snop  }
0x90: {  	s2 =	sld [smem:$0x3FD0];
	(tm) =	ssettm $0x1  }
0x91: {  	s18 =	sld [smem:$0x3FFB];
	_ =	sdelay $0x3  }
0x92: {  	_ =	strace s18  }
0x93: {  	s3 =	sld [smem:$0x3FFC];
	_ =	sdelay $0x3  }
0x94: {  	_ =	strace s3  }
0x95: {  	s3 =	sld [smem:$0x3FFD];
	_ =	sdelay $0x3  }
0x96: {  	_ =	strace s3  }
0x97: {  	_ =	strace $0x8FFFFFFF  }
0x98: {  	s19 =	sld [smem:$0x3FDB];
	_ =	sdelay $0x1  }
0x99: {  	s4 =	simm.s32 $_scs_section_size  }
0x9a: {  	s5 =	simm.s32 $_size__tile_overlayer_lowered;
	s6 =	simm.s32 $_tile_overlayer_lowered  }
0x9b: {  	s22 =	simm.s32 $0x1BFF;
	s21 =	sshll.u32 s6, $0x1;
	s3 =	sadd.s32 s4, s19  }
0x9c: {  	s7 =	simm.s32 $0x0;
	s20 =	sshll.u32 s5, $0x1;
	s5 =	sadd.s32 s21, s3  }
0x9d: {  	[timem:s7], [sflag:s22] =	dma.local [hbm:s5], s20  }
0x9e: {  	_ =	swait.ge [sflag:s22], s20  }
0x9f: {  	s4 =	ssub.s32 $0x0, s20;
	[sflag:s22] =	ssyncset.done $0x0  }
0xa0: {  	[sflag:s22] =	ssyncadd.s32 s4;
	_ =	sdelay $0x1  }
0xa1: {  	s23 =	simm.s32 $0x1B8B  }
0xa2: {  	_ =	swait.ge [sflag:s23], $0x1  }
0xa3: {  	[sflag:s23] =	ssyncset.done $0x0  }
0xa4: {  	s25 =	simm.s32 $0x1B8E;
	s24 =	sld [smem:$0x3FFE];
	[sflag:s23] =	ssyncadd.s32 $0xFFFFFFFF  }
0xa5: {  	s26 =	simm.s32 $execute0_lowered;
	[smem:$0x3FD2] =	sst s25  }
0xa6: {  	s5 =	sshll.u32 s26, $0x1;
	_ =	strace $0x80000046;
	[dreg:$0x1] =	wrdreg $0xFFFFFFFF  }
0xa7: {  	s28 =	simm.s32 $_size_execute0_lowered;
	s3 =	sadd.s32 s3, s5;
	[dreg:$0x0] =	wrdreg $0x0  }
0xa8: {  	s5 =	sshll.u32 s28, $0x1;
	[dreg:$0x2] =	wrdreg s3  }
0xa9: {  	[dreg:$0x3] =	wrdreg s5  }
0xaa: {  	[dreg:$0x4] =	wrdreg $0xC0  }
0xab: {  	_ =	task [dreg:s7], $0x5FFFF  }
0xac: {  	[dreg:$0x1] =	wrdreg $0xFFFFFFFF  }
0xad: {  	[dreg:$0x0] =	wrdreg $0x60  }
0xae: {  	[dreg:$0x2] =	wrdreg s24  }
0xaf: {  	[dreg:$0x3] =	wrdreg s2  }
0xb0: {  	[dreg:$0x4] =	wrdreg $0x9  }
0xb1: {  	_ =	task.clear_ibuf [dreg:s7], $0x5FFFF;
	_ =	strace $0x90000046  }
0xb2: {  	s29 =	simm.s32 $0x9;
	_ =	strace $0x80000048  }
0xb3: {  	_ =	swait.ge [sflag:s29], $0x1  }
0xb4: {  	[sflag:s29] =	ssyncadd.s32 $0xFFFFFFFF  }
0xb5: {  	_ =	strace $0x90000048  }
0xb6: {  	_ =	sfence  }
0xb7: {  	s30 =	sld [smem:$0x0];
	_ =	sdelay $0x2  }
0xb8: {  	s31 =	sshll.u32 s1, $0xD;
	s1 =	sshrl.u32 s1, $0x2  }
0xb9: {  	s3 =	sand.u32 $0x4000, s31;
	s1 =	sadd.s32 s1, s30  }
0xba: {  	s0 =	sor.u32 s3, s0;
	s1 =	sshll.u32 s1, $0x11  }
0xbb: {  	s0 =	sor.u32 s1, s0  }
0xbc: {  	s0 =	sadd.s32 $0x8F2B, s0  }
0xbd: {  	[sflag:s0] =	ssyncadd.remote.s32 $0x1  }
0xbe: {  	_ =	sfence.sel $0xFFFF  }
0xbf: {  	[dreg:$0x0] =	wrdreg $0xFFFFFFFF;
	(pc) =	sbr.abs _section_cstart, $3  }
0xc0: {  	[dreg:$0x1] =	wrdreg $0xFFFFFFFF  }
0xc1: {  	_ =	task.clear_ibuf [dreg:s7], $0x2FFFF;
	_ =	strace $0x9FFFFFFF  }
0xc2: {  	(tm) =	ssettm $0x7FFFFFFF  }
0xc3: {  	_ =	shalt  }
tec
execute0_lowered:
.L_overlay_start_1:
0x0: {  	(tag) =	ssettag $0x1  }
0x1: {  	s0 =	rddreg [dreg:$0x0]  }
0x2: {  	s22 =	rddreg [dreg:$0x1];
	s1 =	srdreg.scid  }
0x3: {  	s3 =	simm.s32 $0x0;
	s2 =	stileid.u32;
	s17 =	simm.s32 $0x80  }
0x4: {  	s28 =	simm.s32 $0x5;
	s29 =	simm.s32 $0x8200;
	s30 =	simm.s32 $0x6  }
0x5: {  	s9 =	simm.s32 $0xB;
	s10 =	simm.s32 $0xC600;
	s11 =	simm.s32 $0x8  }
0x6: {  	s12 =	simm.s32 $0xC;
	s13 =	simm.s32 $0xE800;
	s1 =	sand.u32 $0x1, s1  }
0x7: {  	[smem:$0x7FF] =	sst s3;
	s2 =	sshll.u32 s2, $0x6;
	s5 =	sadd.s32 $0x2400, s0  }
0x8: {  	s6 =	sadd.s32 $0x22400, s0;
	s8 =	sadd.s32 $0x400, s0;
	s24 =	sadd.s32 $0x800, s0  }
0x9: {  	s26 =	sadd.s32 $0xC00, s0;
	_ =	strace $0x80000047;
	[dreg:$0x5] =	wrdreg s24  }
0xa: {  	s0 =	sadd.s32 $0x1000, s0;
	s4 =	sshll.u32 s1, $0x5;
	[dreg:$0x7] =	wrdreg s26  }
0xb: {  	s1 =	ssub.s32 $0x2, s1;
	[dreg:$0x9] =	wrdreg s0;
	s4 =	sor.u32 s4, s2  }
0xc: {  	s24 =	simm.s32 $0x2;
	s7 =	sshrl.u32 s1, $0x1;
	s2 =	sshll.u32 s4, $0x7  }
0xd: {  	s26 =	simm.s32 $0x4;
	s1 =	ssub.s32 s1, s7;
	s2 =	sadd.s32 s5, s2  }
.Ltmp0:
0xe: {  	s31 =	smax.u32 s1, $0x1;
	[dreg:$0x3] =	wrdreg s2;
	(pc) =	sbr.rel .LBB2_1-.Ltmp0, $4  }
0xf: {  	v0 =	vlaneseq.u32;
	s0 =	simm.s32 $0xA400;
	s23 =	sadd.s32 $0x10, s2;
	[dreg:$0xa] =	wrdreg s31  }
0x10: {  	v0 =	vmul.u32 $0x88, v0;
	s7 =	simm.s32 $0x0;
	s25 =	sadd.s32 $0x20, s2;
	[dreg:$0x4] =	wrdreg s23  }
0x11: {  	s1 =	simm.s32 $0x7;
	s2 =	sadd.s32 $0x30, s2;
	[dreg:$0x6] =	wrdreg s25  }
0x12: {  	v1 =	vadd.s32 $0x880, v0;
	v2 =	vadd.s32 $0x1100, v0;
	v3 =	vadd.s32 $0x1980, v0;
	[dreg:$0x8] =	wrdreg s2;
	s23 =	simm.s32 $0x1;
	s25 =	simm.s32 $0x3  }
.LBB2_32:
0x13: {  	s2 =	simm.s32 $0x9  }
0x14: {  	_ =	swait.ge [sflag:s2], $0x2000  }
0x15: {  	[sflag:s2] =	ssyncset.done $0x0  }
0x16: {  	s21 =	simm.s32 $0xA;
	[sflag:s2] =	ssyncadd.s32 $0xFFFFE000  }
0x17: {  	_ =	swait.ge [sflag:s21], $0x2000  }
0x18: {  	[sflag:s21] =	ssyncset.done $0x0  }
0x19: {  	[sflag:s21] =	ssyncadd.s32 $0xFFFFE000  }
0x1a: {  	_ =	swait.ge [sflag:s9], $0x2000  }
0x1b: {  	[sflag:s9] =	ssyncset.done $0x0  }
0x1c: {  	[sflag:s9] =	ssyncadd.s32 $0xFFFFE000  }
0x1d: {  	_ =	swait.ge [sflag:s12], $0x2000  }
0x1e: {  	s7 =	rddreg [dreg:$0xb]  }
0x1f: {  	s31 =	rddreg [dreg:$0xa];
	s7 =	sadd.s32 $0x1, s7  }
0x20: {  	p0 =	sne.s32 s7, s31  }
.Ltmp1:
0x21: {  	_ = 	snop;
	(pc) =	sbr.rel @!p0 .LBB2_33-.Ltmp1, $3  }
0x22: {  	_ =	sdelay $0x1  }
0x23: {  	[sflag:s12] =	ssyncset.done $0x0  }
0x24: {  	[sflag:s12] =	ssyncadd.s32 $0xFFFFE000  }
.LBB2_1:
0x25: {  	s2 =	rddreg [dreg:$0x3]  }
0x26: {  	[tilespmem:s3], [sflag:$0x1] =	stream.linear.gather [hbm4b:s2+s3], $0x80, $0x38;
	[tilespmem:$0x10A00] =	vst v63  }
0x27: {  	[dreg:$0xb] =	wrdreg s7;
	s7 =	simm.s32 $0x200  }
0x28: {  	[tilespmem:s7], [sflag:$0x1] =	stream.linear.gather [hbm4b:s8+s3], $0x2000, $0x38;
	[tilespmem:$0x10A00] =	vst v63  }
0x29: {  	s16 =	rddreg [dreg:$0x4]  }
0x2a: {  	[tilespmem:s17], [sflag:$0x2] =	stream.linear.gather [hbm4b:s16+s3], $0x80, $0x38;
	[tilespmem:$0x10A00] =	vst v63  }
0x2b: {  	s18 =	rddreg [dreg:$0x5];
	s14 =	simm.s32 $0x2200  }
0x2c: {  	[tilespmem:s14], [sflag:$0x2] =	stream.linear.gather [hbm4b:s18+s3], $0x2000, $0x38;
	[tilespmem:$0x10A00] =	vst v63  }
0x2d: {  	s19 =	rddreg [dreg:$0x6];
	s15 =	simm.s32 $0x100  }
0x2e: {  	[tilespmem:s15], [sflag:$0x3] =	stream.linear.gather [hbm4b:s19+s3], $0x80, $0x38;
	[tilespmem:$0x10A00] =	vst v63  }
0x2f: {  	s20 =	rddreg [dreg:$0x7];
	s16 =	simm.s32 $0x4200  }
0x30: {  	[tilespmem:s16], [sflag:$0x3] =	stream.linear.gather [hbm4b:s20+s3], $0x2000, $0x38;
	[tilespmem:$0x10A00] =	vst v63  }
0x31: {  	s21 =	rddreg [dreg:$0x8];
	s18 =	simm.s32 $0x180  }
0x32: {  	[tilespmem:s18], [sflag:$0x4] =	stream.linear.gather [hbm4b:s21+s3], $0x80, $0x38;
	[tilespmem:$0x10A00] =	vst v63  }
0x33: {  	s31 =	rddreg [dreg:$0x9];
	s19 =	simm.s32 $0x6200  }
0x34: {  	[tilespmem:s19], [sflag:$0x4] =	stream.linear.gather [hbm4b:s31+s3], $0x2000, $0x38;
	[tilespmem:$0x10A00] =	vst v63  }
0x35: {  	_ =	swait.ge [sflag:s23], $0x80  }
0x36: {  	[sflag:s23] =	ssyncset.done $0x0  }
0x37: {  	[sflag:s23] =	ssyncadd.s32 $0xFFFFFF80  }
0x38: {  	_ =	swait.ge [sflag:s23], $0x2000  }
0x39: {  	[sflag:s23] =	ssyncset.done $0x0  }
0x3a: {  	[sflag:s23] =	ssyncadd.s32 $0xFFFFE000  }
0x3b: {  	[tilespmem:s7], [sflag:$0x5] =	stream.indirect.gather.add.f32 [hbm:s6], $0x40, s3, s17, $0xb8;
	[tilespmem:$0x10A00] =	vst v63  }
0x3c: {  	_ =	swait.ge [sflag:s24], $0x80  }
0x3d: {  	[sflag:s24] =	ssyncset.done $0x0  }
0x3e: {  	[sflag:s24] =	ssyncadd.s32 $0xFFFFFF80  }
0x3f: {  	_ =	swait.ge [sflag:s24], $0x2000  }
0x40: {  	[sflag:s24] =	ssyncset.done $0x0  }
0x41: {  	[sflag:s24] =	ssyncadd.s32 $0xFFFFE000  }
0x42: {  	[tilespmem:s14], [sflag:$0x6] =	stream.indirect.gather.add.f32 [hbm:s6], $0x40, s17, s17, $0xb8;
	[tilespmem:$0x10A00] =	vst v63  }
0x43: {  	_ =	swait.ge [sflag:s25], $0x80  }
0x44: {  	[sflag:s25] =	ssyncset.done $0x0  }
0x45: {  	[sflag:s25] =	ssyncadd.s32 $0xFFFFFF80  }
0x46: {  	_ =	swait.ge [sflag:s25], $0x2000  }
0x47: {  	[sflag:s25] =	ssyncset.done $0x0  }
0x48: {  	[sflag:s25] =	ssyncadd.s32 $0xFFFFE000  }
0x49: {  	[tilespmem:s16], [sflag:$0x7] =	stream.indirect.gather.add.f32 [hbm:s6], $0x40, s15, s17, $0xb8;
	[tilespmem:$0x10A00] =	vst v63  }
0x4a: {  	_ =	swait.ge [sflag:s26], $0x80  }
0x4b: {  	[sflag:s26] =	ssyncset.done $0x0  }
0x4c: {  	[sflag:s26] =	ssyncadd.s32 $0xFFFFFF80  }
0x4d: {  	_ =	swait.ge [sflag:s26], $0x2000  }
0x4e: {  	[sflag:s26] =	ssyncset.done $0x0  }
0x4f: {  	s7 =	simm.s32 $0x0;
	[sflag:s26] =	ssyncadd.s32 $0xFFFFE000  }
0x50: {  	[tilespmem:s19], [sflag:$0x8] =	stream.indirect.gather.add.f32 [hbm:s6], $0x40, s18, s17, $0xb8;
	[tilespmem:$0x10A00] =	vst v63  }
.LBB2_2:
0x51: {  	_ =	swait.ge [sflag:s28], $0x2000  }
0x52: {  	p0 =	seq.s32 s7, $0x0;
	[sflag:s28] =	ssyncset.done $0x0  }
0x53: {  	s2 =	simm.s32 @!p0 $0x9;
	[sflag:s28] =	ssyncadd.s32 $0xFFFFE000  }
0x54: {  	s14 =	simm.s32 $0x0;
	_ =	swait.ge @!p0 [sflag:s2], $0x2000  }
0x55: {  	v4 =	vmov s14;
	[sflag:s2] =	ssyncset.done @!p0 $0x0  }
0x56: {  	s15 =	simm.s32 $0x280;
	v4 =	vand.u32 $0x7C, v4;
	[sflag:s2] =	ssyncadd.s32 @!p0 $0xFFFFE000  }
0x57: {  	v6 =	vadd.s32 v0, v4;
	v5 =	vld [tilespmem:s15+$0xFFFFFF80];
	_ =	sdelay $0x4  }
0x58: {  	[tilespmem:v6+s29+$0x0] =	vst.idx.msk $0xffff, v5  }
0x59: {  	v6 =	vadd.s32 v1, v4;
	v5 =	vld [tilespmem:s15+$0xFFFFFF90];
	_ =	sdelay $0x4  }
0x5a: {  	[tilespmem:v6+s29+$0x0] =	vst.idx.msk $0xffff, v5  }
0x5b: {  	v6 =	vadd.s32 v2, v4;
	v5 =	vld [tilespmem:s15+$0xFFFFFFA0];
	_ =	sdelay $0x4  }
0x5c: {  	[tilespmem:v6+s29+$0x0] =	vst.idx.msk $0xffff, v5  }
0x5d: {  	v4 =	vadd.s32 v3, v4;
	v5 =	vld [tilespmem:s15+$0xFFFFFFB0];
	_ =	sdelay $0x2  }
0x5e: {  	s20 =	simm.s32 $0x1  }
0x5f: {  	v6 =	vmov s20  }
0x60: {  	[tilespmem:v4+s29+$0x0] =	vst.idx.msk $0xffff, v5;
	v4 =	vand.u32 $0x7D, v6  }
0x61: {  	v5 =	vld [tilespmem:s15+$0xFFFFFFC0];
	v6 =	vadd.s32 v0, v4;
	_ =	sdelay $0x4  }
0x62: {  	[tilespmem:v6+s29+$0x0] =	vst.idx.msk $0xffff, v5  }
0x63: {  	v6 =	vadd.s32 v1, v4;
	v5 =	vld [tilespmem:s15+$0xFFFFFFD0];
	_ =	sdelay $0x4  }
0x64: {  	[tilespmem:v6+s29+$0x0] =	vst.idx.msk $0xffff, v5  }
0x65: {  	v6 =	vadd.s32 v2, v4;
	v5 =	vld [tilespmem:s15+$0xFFFFFFE0];
	_ =	sdelay $0x4  }
0x66: {  	[tilespmem:v6+s29+$0x0] =	vst.idx.msk $0xffff, v5  }
0x67: {  	v4 =	vadd.s32 v3, v4;
	v5 =	vld [tilespmem:s15+$0xFFFFFFF0];
	_ =	sdelay $0x2  }
0x68: {  	s21 =	simm.s32 $0x2  }
0x69: {  	v6 =	vmov s21  }
0x6a: {  	[tilespmem:v4+s29+$0x0] =	vst.idx.msk $0xffff, v5;
	v4 =	vand.u32 $0x7E, v6  }
0x6b: {  	v5 =	vld [tilespmem:s15+$0x0];
	v6 =	vadd.s32 v0, v4;
	_ =	sdelay $0x4  }
0x6c: {  	[tilespmem:v6+s29+$0x0] =	vst.idx.msk $0xffff, v5  }
0x6d: {  	v6 =	vadd.s32 v1, v4;
	v5 =	vld [tilespmem:s15+$0x10];
	_ =	sdelay $0x4  }
0x6e: {  	[tilespmem:v6+s29+$0x0] =	vst.idx.msk $0xffff, v5  }
0x6f: {  	v6 =	vadd.s32 v2, v4;
	v5 =	vld [tilespmem:s15+$0x20];
	_ =	sdelay $0x4  }
0x70: {  	[tilespmem:v6+s29+$0x0] =	vst.idx.msk $0xffff, v5  }
0x71: {  	v4 =	vadd.s32 v3, v4;
	v5 =	vld [tilespmem:s15+$0x30];
	_ =	sdelay $0x2  }
0x72: {  	s31 =	simm.s32 $0x3  }
0x73: {  	v6 =	vmov s31  }
0x74: {  	[tilespmem:v4+s29+$0x0] =	vst.idx.msk $0xffff, v5;
	v5 =	vand.u32 $0x7F, v6  }
0x75: {  	v4 =	vld [tilespmem:s15+$0x40];
	v6 =	vadd.s32 v0, v5;
	_ =	sdelay $0x4  }
0x76: {  	[tilespmem:v6+s29+$0x0] =	vst.idx.msk $0xffff, v4  }
0x77: {  	v6 =	vadd.s32 v1, v5;
	v4 =	vld [tilespmem:s15+$0x50];
	_ =	sdelay $0x4  }
0x78: {  	[tilespmem:v6+s29+$0x0] =	vst.idx.msk $0xffff, v4  }
0x79: {  	v6 =	vadd.s32 v2, v5;
	v4 =	vld [tilespmem:s15+$0x60];
	_ =	sdelay $0x4  }
0x7a: {  	[tilespmem:v6+s29+$0x0] =	vst.idx.msk $0xffff, v4  }
0x7b: {  	v5 =	vadd.s32 v3, v5;
	v4 =	vld [tilespmem:s15+$0x70];
	_ =	sdelay $0x2  }
0x7c: {  	s16 =	simm.s32 $0x4  }
0x7d: {  	s18 =	simm.s32 $0x8;
	s14 =	sshll.u32 s7, $0x2;
	v6 =	vmov s16  }
.LBB2_3:
0x7e: {  	p1 =	slt.u32 s18, $0x7C;
	v6 =	vand.u32 $0x7C, v6;
	[tilespmem:v5+s29+$0x0] =	vst.idx.msk $0xffff, v4;
	s15 =	sadd.s32 $0x100, s15  }
0x7f: {  	v4 =	vld [tilespmem:s15+$0xFFFFFF80];
	v5 =	vadd.s32 v0, v6;
	_ =	sdelay $0x4  }
0x80: {  	[tilespmem:v5+s29+$0x0] =	vst.idx.msk $0xffff, v4  }
0x81: {  	v5 =	vadd.s32 v1, v6;
	v4 =	vld [tilespmem:s15+$0xFFFFFF90];
	_ =	sdelay $0x4  }
0x82: {  	[tilespmem:v5+s29+$0x0] =	vst.idx.msk $0xffff, v4  }
0x83: {  	v5 =	vadd.s32 v2, v6;
	v4 =	vld [tilespmem:s15+$0xFFFFFFA0];
	_ =	sdelay $0x4  }
0x84: {  	[tilespmem:v5+s29+$0x0] =	vst.idx.msk $0xffff, v4  }
0x85: {  	v5 =	vadd.s32 v3, v6;
	v4 =	vld [tilespmem:s15+$0xFFFFFFB0];
	_ =	sdelay $0x2  }
0x86: {  	s2 =	sadd.s32 $0x1, s16  }
0x87: {  	v6 =	vmov s2  }
0x88: {  	[tilespmem:v5+s29+$0x0] =	vst.idx.msk $0xffff, v4;
	v4 =	vand.u32 $0x7D, v6  }
0x89: {  	v5 =	vld [tilespmem:s15+$0xFFFFFFC0];
	v6 =	vadd.s32 v0, v4;
	_ =	sdelay $0x4  }
0x8a: {  	[tilespmem:v6+s29+$0x0] =	vst.idx.msk $0xffff, v5  }
0x8b: {  	v6 =	vadd.s32 v1, v4;
	v5 =	vld [tilespmem:s15+$0xFFFFFFD0];
	_ =	sdelay $0x4  }
0x8c: {  	[tilespmem:v6+s29+$0x0] =	vst.idx.msk $0xffff, v5  }
0x8d: {  	v6 =	vadd.s32 v2, v4;
	v5 =	vld [tilespmem:s15+$0xFFFFFFE0];
	_ =	sdelay $0x4  }
0x8e: {  	[tilespmem:v6+s29+$0x0] =	vst.idx.msk $0xffff, v5  }
0x8f: {  	v4 =	vadd.s32 v3, v4;
	v5 =	vld [tilespmem:s15+$0xFFFFFFF0];
	_ =	sdelay $0x2  }
0x90: {  	s2 =	sadd.s32 $0x2, s16  }
0x91: {  	v6 =	vmov s2  }
0x92: {  	[tilespmem:v4+s29+$0x0] =	vst.idx.msk $0xffff, v5;
	v4 =	vand.u32 $0x7E, v6  }
0x93: {  	v5 =	vld [tilespmem:s15+$0x0];
	v6 =	vadd.s32 v0, v4;
	_ =	sdelay $0x4  }
0x94: {  	[tilespmem:v6+s29+$0x0] =	vst.idx.msk $0xffff, v5  }
0x95: {  	v6 =	vadd.s32 v1, v4;
	v5 =	vld [tilespmem:s15+$0x10];
	_ =	sdelay $0x4  }
0x96: {  	[tilespmem:v6+s29+$0x0] =	vst.idx.msk $0xffff, v5  }
0x97: {  	v6 =	vadd.s32 v2, v4;
	v5 =	vld [tilespmem:s15+$0x20];
	_ =	sdelay $0x4  }
0x98: {  	[tilespmem:v6+s29+$0x0] =	vst.idx.msk $0xffff, v5  }
0x99: {  	v4 =	vadd.s32 v3, v4;
	v5 =	vld [tilespmem:s15+$0x30];
	_ =	sdelay $0x2  }
0x9a: {  	s2 =	sadd.s32 $0x3, s16;
	s16 =	smov.u32 s18  }
0x9b: {  	v6 =	vmov s2  }
0x9c: {  	[tilespmem:v4+s29+$0x0] =	vst.idx.msk $0xffff, v5;
	v5 =	vand.u32 $0x7F, v6  }
0x9d: {  	v4 =	vld [tilespmem:s15+$0x40];
	v6 =	vadd.s32 v0, v5;
	_ =	sdelay $0x4  }
0x9e: {  	[tilespmem:v6+s29+$0x0] =	vst.idx.msk $0xffff, v4  }
0x9f: {  	v6 =	vadd.s32 v1, v5;
	v4 =	vld [tilespmem:s15+$0x50];
	_ =	sdelay $0x4  }
0xa0: {  	[tilespmem:v6+s29+$0x0] =	vst.idx.msk $0xffff, v4  }
0xa1: {  	v6 =	vadd.s32 v2, v5;
	v4 =	vld [tilespmem:s15+$0x60];
	_ =	sdelay $0x4  }
0xa2: {  	[tilespmem:v6+s29+$0x0] =	vst.idx.msk $0xffff, v4  }
.Ltmp2:
0xa3: {  	v5 =	vadd.s32 v3, v5;
	v4 =	vld [tilespmem:s15+$0x70];
	(pc) =	sbr.rel @p1 .LBB2_3-.Ltmp2, $2  }
0xa4: {  	_ =	sdelay $0x2  }
0xa5: {  	s18 =	sadd.s32 $0x4, s18;
	v6 =	vmov s16  }
0xa6: {  	_ =	sdelay $0x3  }
0xa7: {  	v6 =	vand.u32 $0x7C, v6;
	[tilespmem:v5+s29+$0x0] =	vst.idx.msk $0xffff, v4;
	s2 =	sadd.s32 $0x100, s15  }
0xa8: {  	v4 =	vld [tilespmem:s2+$0xFFFFFF80];
	v5 =	vadd.s32 v0, v6;
	_ =	sdelay $0x4  }
0xa9: {  	[tilespmem:v5+s29+$0x0] =	vst.idx.msk $0xffff, v4  }
0xaa: {  	v5 =	vadd.s32 v1, v6;
	v4 =	vld [tilespmem:s2+$0xFFFFFF90];
	_ =	sdelay $0x4  }
0xab: {  	[tilespmem:v5+s29+$0x0] =	vst.idx.msk $0xffff, v4  }
0xac: {  	v5 =	vadd.s32 v2, v6;
	v4 =	vld [tilespmem:s2+$0xFFFFFFA0];
	_ =	sdelay $0x4  }
0xad: {  	[tilespmem:v5+s29+$0x0] =	vst.idx.msk $0xffff, v4  }
0xae: {  	v5 =	vadd.s32 v3, v6;
	v4 =	vld [tilespmem:s2+$0xFFFFFFB0];
	_ =	sdelay $0x2  }
0xaf: {  	s21 =	sadd.s32 $0x1, s16  }
0xb0: {  	v55 =	vmov s21  }
0xb1: {  	[tilespmem:v5+s29+$0x0] =	vst.idx.msk $0xffff, v4;
	v4 =	vand.u32 $0x7D, v55  }
0xb2: {  	v5 =	vld [tilespmem:s2+$0xFFFFFFC0];
	v6 =	vadd.s32 v0, v4;
	_ =	sdelay $0x4  }
0xb3: {  	[tilespmem:v6+s29+$0x0] =	vst.idx.msk $0xffff, v5  }
0xb4: {  	v56 =	vadd.s32 v1, v4;
	v5 =	vld [tilespmem:s2+$0xFFFFFFD0];
	_ =	sdelay $0x4  }
0xb5: {  	[tilespmem:v56+s29+$0x0] =	vst.idx.msk $0xffff, v5  }
0xb6: {  	v57 =	vadd.s32 v2, v4;
	v5 =	vld [tilespmem:s2+$0xFFFFFFE0];
	_ =	sdelay $0x4  }
0xb7: {  	[tilespmem:v57+s29+$0x0] =	vst.idx.msk $0xffff, v5  }
0xb8: {  	v4 =	vadd.s32 v3, v4;
	v5 =	vld [tilespmem:s2+$0xFFFFFFF0];
	_ =	sdelay $0x2  }
0xb9: {  	s18 =	sadd.s32 $0x2, s16  }
0xba: {  	v58 =	vmov s18  }
0xbb: {  	[tilespmem:v4+s29+$0x0] =	vst.idx.msk $0xffff, v5;
	v4 =	vand.u32 $0x7E, v58  }
0xbc: {  	v5 =	vld [tilespmem:s2+$0x0];
	v6 =	vadd.s32 v0, v4;
	_ =	sdelay $0x4  }
0xbd: {  	[tilespmem:v6+s29+$0x0] =	vst.idx.msk $0xffff, v5  }
0xbe: {  	v59 =	vadd.s32 v1, v4;
	v5 =	vld [tilespmem:s2+$0x10];
	_ =	sdelay $0x4  }
0xbf: {  	[tilespmem:v59+s29+$0x0] =	vst.idx.msk $0xffff, v5  }
0xc0: {  	v60 =	vadd.s32 v2, v4;
	v5 =	vld [tilespmem:s2+$0x20];
	_ =	sdelay $0x4  }
0xc1: {  	[tilespmem:v60+s29+$0x0] =	vst.idx.msk $0xffff, v5  }
0xc2: {  	v4 =	vadd.s32 v3, v4;
	v5 =	vld [tilespmem:s2+$0x30];
	_ =	sdelay $0x2  }
0xc3: {  	s19 =	sadd.s32 $0x3, s16  }
0xc4: {  	v61 =	vmov s19  }
0xc5: {  	[tilespmem:v4+s29+$0x0] =	vst.idx.msk $0xffff, v5;
	v4 =	vand.u32 $0x7F, v61  }
0xc6: {  	v5 =	vld [tilespmem:s2+$0x40];
	v6 =	vadd.s32 v0, v4;
	_ =	sdelay $0x4  }
0xc7: {  	[tilespmem:v6+s29+$0x0] =	vst.idx.msk $0xffff, v5  }
0xc8: {  	v62 =	vadd.s32 v1, v4;
	v5 =	vld [tilespmem:s2+$0x50];
	_ =	sdelay $0x4  }
0xc9: {  	[tilespmem:v62+s29+$0x0] =	vst.idx.msk $0xffff, v5  }
0xca: {  	v63 =	vadd.s32 v2, v4;
	v5 =	vld [tilespmem:s2+$0x60];
	_ =	sdelay $0x4  }
0xcb: {  	[tilespmem:v63+s29+$0x0] =	vst.idx.msk $0xffff, v5  }
0xcc: {  	v4 =	vadd.s32 v3, v4;
	v5 =	vld [tilespmem:s2+$0x70];
	_ =	sdelay $0x1  }
0xcd: {  	s20 =	sshrl.u32 s7, $0x1;
	s21 =	sshll.u32 s7, $0x9  }
0xce: {  	s16 =	sand.u32 $0x200, s21;
	s2 =	sor.u32 s4, s20  }
0xcf: {  	s31 =	smov.u32 s22;
	s22 =	sadd.s32 s22, s16;
	s15 =	sshll.u32 s2, $0xD  }
0xd0: {  	s18 =	simm.s32 $0x8200;
	s19 =	sadd.s32 s15, s22;
	[tilespmem:v4+s29+$0x0] =	vst.idx.msk $0xffff, v5  }
0xd1: {  	[hbm4b:s19+s3] =	stream.linear.scatter [tilespmem:s18], [sflag:$0x9], $0x80, $0x38;
	[tilespmem:$0x10A00] =	vst v63  }
0xd2: {  	s20 =	simm.s32 $0x8288;
	s18 =	sadd.s32 $0x10, s19  }
0xd3: {  	[hbm4b:s18+s3] =	stream.linear.scatter [tilespmem:s20], [sflag:$0x9], $0x80, $0x38;
	[tilespmem:$0x10A00] =	vst v63  }
0xd4: {  	s21 =	simm.s32 $0x8310;
	s22 =	sadd.s32 $0x20, s19  }
0xd5: {  	[hbm4b:s22+s3] =	stream.linear.scatter [tilespmem:s21], [sflag:$0x9], $0x80, $0x38;
	[tilespmem:$0x10A00] =	vst v63  }
0xd6: {  	s18 =	simm.s32 $0x8398;
	s20 =	sadd.s32 $0x30, s19  }
0xd7: {  	[hbm4b:s20+s3] =	stream.linear.scatter [tilespmem:s18], [sflag:$0x9], $0x80, $0x38;
	[tilespmem:$0x10A00] =	vst v63  }
0xd8: {  	s21 =	simm.s32 $0x8420;
	s22 =	sadd.s32 $0x40, s19  }
0xd9: {  	[hbm4b:s22+s3] =	stream.linear.scatter [tilespmem:s21], [sflag:$0x9], $0x80, $0x38;
	[tilespmem:$0x10A00] =	vst v63  }
0xda: {  	s2 =	simm.s32 $0x85B8;
	s18 =	simm.s32 $0x84A8;
	s20 =	sadd.s32 $0x50, s19  }
0xdb: {  	[hbm4b:s20+s3] =	stream.linear.scatter [tilespmem:s18], [sflag:$0x9], $0x80, $0x38;
	[tilespmem:$0x10A00] =	vst v63  }
0xdc: {  	s21 =	simm.s32 $0x8530;
	s22 =	sadd.s32 $0x60, s19;
	s18 =	simm.s32 $0x440  }
0xdd: {  	[hbm4b:s22+s3] =	stream.linear.scatter [tilespmem:s21], [sflag:$0x9], $0x80, $0x38;
	[tilespmem:$0x10A00] =	vst v63  }
0xde: {  	s20 =	simm.s32 $0x2200;
	s21 =	sadd.s32 $0x70, s19;
	s19 =	sadd.s32 $0x400, s19  }
.LBB2_5:
0xdf: {  	[hbm4b:s21+s3] =	stream.linear.scatter [tilespmem:s2], [sflag:$0x9], $0x80, $0x38;
	[tilespmem:$0x10A00] =	vst v63  }
0xe0: {  	s2 =	smov.u32 s18;
	s18 =	smov.u32 s20  }
0xe1: {  	s22 =	sadd.s32 $0x1100, s20;
	s18 =	sshra.s32 s18, $0x2;
	s21 =	sadd.s32 $0x8200, s2  }
0xe2: {  	[hbm4b:s19+s3] =	stream.linear.scatter [tilespmem:s21], [sflag:$0x9], $0x80, $0x38;
	[tilespmem:$0x10A00] =	vst v63  }
0xe3: {  	p1 =	sne.s32 s20, $0x7700;
	s20 =	sadd.s32 $0x8288, s2;
	s21 =	sadd.s32 $0x10, s19  }
0xe4: {  	[hbm4b:s21+s3] =	stream.linear.scatter [tilespmem:s20], [sflag:$0x9], $0x80, $0x38;
	[tilespmem:$0x10A00] =	vst v63  }
0xe5: {  	s20 =	sadd.s32 $0x8310, s2;
	s21 =	sadd.s32 $0x20, s19  }
0xe6: {  	[hbm4b:s21+s3] =	stream.linear.scatter [tilespmem:s20], [sflag:$0x9], $0x80, $0x38;
	[tilespmem:$0x10A00] =	vst v63  }
0xe7: {  	s20 =	sadd.s32 $0x8398, s2;
	s21 =	sadd.s32 $0x30, s19  }
0xe8: {  	[hbm4b:s21+s3] =	stream.linear.scatter [tilespmem:s20], [sflag:$0x9], $0x80, $0x38;
	[tilespmem:$0x10A00] =	vst v63  }
0xe9: {  	s20 =	sadd.s32 $0x8420, s2;
	s21 =	sadd.s32 $0x40, s19  }
0xea: {  	[hbm4b:s21+s3] =	stream.linear.scatter [tilespmem:s20], [sflag:$0x9], $0x80, $0x38;
	[tilespmem:$0x10A00] =	vst v63  }
.Ltmp3:
0xeb: {  	s20 =	sadd.s32 $0x84A8, s2;
	s21 =	sadd.s32 $0x50, s19;
	(pc) =	sbr.rel @p1 .LBB2_5-.Ltmp3, $4  }
0xec: {  	[hbm4b:s21+s3] =	stream.linear.scatter [tilespmem:s20], [sflag:$0x9], $0x80, $0x38;
	[tilespmem:$0x10A00] =	vst v63  }
0xed: {  	s20 =	sadd.s32 $0x8530, s2;
	s21 =	sadd.s32 $0x60, s19;
	s2 =	sadd.s32 $0x85B8, s2  }
0xee: {  	[hbm4b:s21+s3] =	stream.linear.scatter [tilespmem:s20], [sflag:$0x9], $0x80, $0x38;
	[tilespmem:$0x10A00] =	vst v63  }
0xef: {  	s21 =	sadd.s32 $0x70, s19;
	s19 =	sadd.s32 $0x400, s19;
	s20 =	smov.u32 s22  }
0xf0: {  	[hbm4b:s21+s3] =	stream.linear.scatter [tilespmem:s2], [sflag:$0x9], $0x80, $0x38;
	[tilespmem:$0x10A00] =	vst v63  }
0xf1: {  	s21 =	sadd.s32 $0x8200, s18  }
0xf2: {  	[hbm4b:s19+s3] =	stream.linear.scatter [tilespmem:s21], [sflag:$0x9], $0x80, $0x38;
	[tilespmem:$0x10A00] =	vst v63  }
0xf3: {  	s22 =	sadd.s32 $0x8288, s18;
	s20 =	sadd.s32 $0x10, s19  }
0xf4: {  	[hbm4b:s20+s3] =	stream.linear.scatter [tilespmem:s22], [sflag:$0x9], $0x80, $0x38;
	[tilespmem:$0x10A00] =	vst v63  }
0xf5: {  	s21 =	sadd.s32 $0x8310, s18;
	s22 =	sadd.s32 $0x20, s19  }
0xf6: {  	[hbm4b:s22+s3] =	stream.linear.scatter [tilespmem:s21], [sflag:$0x9], $0x80, $0x38;
	[tilespmem:$0x10A00] =	vst v63  }
0xf7: {  	s21 =	sadd.s32 $0x8398, s18;
	s22 =	sadd.s32 $0x30, s19  }
0xf8: {  	[hbm4b:s22+s3] =	stream.linear.scatter [tilespmem:s21], [sflag:$0x9], $0x80, $0x38;
	[tilespmem:$0x10A00] =	vst v63  }
0xf9: {  	s21 =	sadd.s32 $0x8420, s18;
	s22 =	sadd.s32 $0x40, s19  }
0xfa: {  	[hbm4b:s22+s3] =	stream.linear.scatter [tilespmem:s21], [sflag:$0x9], $0x80, $0x38;
	[tilespmem:$0x10A00] =	vst v63  }
0xfb: {  	p1 =	sne.s32 s7, $0x3F;
	s21 =	sadd.s32 $0x84A8, s18;
	s22 =	sadd.s32 $0x50, s19  }
0xfc: {  	[hbm4b:s22+s3] =	stream.linear.scatter [tilespmem:s21], [sflag:$0x9], $0x80, $0x38;
	[tilespmem:$0x10A00] =	vst v63  }
.Ltmp4:
0xfd: {  	_ = 	snop;
	(pc) =	sbr.rel @p1 .LBB2_8-.Ltmp4, $4  }
0xfe: {  	s21 =	sadd.s32 $0x8530, s18;
	s22 =	sadd.s32 $0x60, s19  }
0xff: {  	[hbm4b:s22+s3] =	stream.linear.scatter [tilespmem:s21], [sflag:$0x9], $0x80, $0x38;
	[tilespmem:$0x10A00] =	vst v63  }
0x100: {  	s21 =	sadd.s32 $0x85B8, s18;
	s22 =	sadd.s32 $0x70, s19  }
0x101: {  	[hbm4b:s22+s3] =	stream.linear.scatter [tilespmem:s21], [sflag:$0x9], $0x80, $0x38;
	[tilespmem:$0x10A00] =	vst v63  }
.Ltmp5:
0x102: {  	(pc) =	sbr.rel .LBB2_9-.Ltmp5, $4  }
0x103: {  	_ = 	snop  }
0x104: {  	_ =	swait.ge [sflag:s30], $0x2000  }
0x105: {  	[sflag:s30] =	ssyncset.done $0x0  }
0x106: {  	[sflag:s30] =	ssyncadd.s32 $0xFFFFE000  }
.LBB2_8:
0x107: {  	s2 =	sadd.s32 $0x4, s14  }
0x108: {  	s18 =	sand.u32 $0x4, s2;
	s2 =	sshrl.u32 s2, $0x3  }
0x109: {  	s2 =	sadd.s32 s4, s2;
	s19 =	sshll.u32 s18, $0x4  }
0x10a: {  	s2 =	sshll.u32 s2, $0x7;
	s19 =	sadd.s32 s5, s19  }
0x10b: {  	s21 =	sshll.u32 s18, $0xA;
	s2 =	sadd.s32 s2, s19  }
0x10c: {  	[tilespmem:s3], [sflag:$0x1] =	stream.linear.gather [hbm4b:s2+s3], $0x80, $0x38;
	[tilespmem:$0x10A00] =	vst v63  }
.Ltmp6:
0x10d: {  	s22 =	simm.s32 $0x200;
	s2 =	sadd.s32 s8, s21;
	(pc) =	sbr.rel @p0 .LBB2_10-.Ltmp6, $4  }
0x10e: {  	[tilespmem:s22], [sflag:$0x1] =	stream.linear.gather [hbm4b:s2+s3], $0x2000, $0x38;
	[tilespmem:$0x10A00] =	vst v63  }
0x10f: {  	_ =	swait.ge [sflag:s30], $0x2000  }
0x110: {  	[sflag:s30] =	ssyncset.done $0x0  }
0x111: {  	[sflag:s30] =	ssyncadd.s32 $0xFFFFE000  }
.LBB2_9:
0x112: {  	s2 =	simm.s32 $0xA  }
0x113: {  	_ =	swait.ge [sflag:s2], $0x2000  }
0x114: {  	[sflag:s2] =	ssyncset.done $0x0  }
0x115: {  	[sflag:s2] =	ssyncadd.s32 $0xFFFFE000  }
.LBB2_10:
0x116: {  	s2 =	simm.s32 $0x0  }
0x117: {  	v4 =	vmov s2  }
0x118: {  	s18 =	simm.s32 $0x2280;
	v4 =	vand.u32 $0x7C, v4  }
0x119: {  	v5 =	vld [tilespmem:s18+$0xFFFFFF80];
	v6 =	vadd.s32 v0, v4;
	_ =	sdelay $0x4  }
0x11a: {  	[tilespmem:v6+s0+$0x0] =	vst.idx.msk $0xffff, v5  }
0x11b: {  	v6 =	vadd.s32 v1, v4;
	v5 =	vld [tilespmem:s18+$0xFFFFFF90];
	_ =	sdelay $0x4  }
0x11c: {  	[tilespmem:v6+s0+$0x0] =	vst.idx.msk $0xffff, v5  }
0x11d: {  	v6 =	vadd.s32 v2, v4;
	v5 =	vld [tilespmem:s18+$0xFFFFFFA0];
	_ =	sdelay $0x4  }
0x11e: {  	[tilespmem:v6+s0+$0x0] =	vst.idx.msk $0xffff, v5  }
0x11f: {  	v4 =	vadd.s32 v3, v4;
	v5 =	vld [tilespmem:s18+$0xFFFFFFB0];
	_ =	sdelay $0x2  }
0x120: {  	s20 =	simm.s32 $0x1  }
0x121: {  	v6 =	vmov s20  }
0x122: {  	[tilespmem:v4+s0+$0x0] =	vst.idx.msk $0xffff, v5;
	v4 =	vand.u32 $0x7D, v6  }
0x123: {  	v5 =	vld [tilespmem:s18+$0xFFFFFFC0];
	v6 =	vadd.s32 v0, v4;
	_ =	sdelay $0x4  }
0x124: {  	[tilespmem:v6+s0+$0x0] =	vst.idx.msk $0xffff, v5  }
0x125: {  	v6 =	vadd.s32 v1, v4;
	v5 =	vld [tilespmem:s18+$0xFFFFFFD0];
	_ =	sdelay $0x4  }
0x126: {  	[tilespmem:v6+s0+$0x0] =	vst.idx.msk $0xffff, v5  }
0x127: {  	v6 =	vadd.s32 v2, v4;
	v5 =	vld [tilespmem:s18+$0xFFFFFFE0];
	_ =	sdelay $0x4  }
0x128: {  	[tilespmem:v6+s0+$0x0] =	vst.idx.msk $0xffff, v5  }
0x129: {  	v4 =	vadd.s32 v3, v4;
	v5 =	vld [tilespmem:s18+$0xFFFFFFF0];
	_ =	sdelay $0x2  }
0x12a: {  	s21 =	simm.s32 $0x2  }
0x12b: {  	v6 =	vmov s21  }
0x12c: {  	[tilespmem:v4+s0+$0x0] =	vst.idx.msk $0xffff, v5;
	v4 =	vand.u32 $0x7E, v6  }
0x12d: {  	v5 =	vld [tilespmem:s18+$0x0];
	v6 =	vadd.s32 v0, v4;
	_ =	sdelay $0x4  }
0x12e: {  	[tilespmem:v6+s0+$0x0] =	vst.idx.msk $0xffff, v5  }
0x12f: {  	v6 =	vadd.s32 v1, v4;
	v5 =	vld [tilespmem:s18+$0x10];
	_ =	sdelay $0x4  }
0x130: {  	[tilespmem:v6+s0+$0x0] =	vst.idx.msk $0xffff, v5  }
0x131: {  	v6 =	vadd.s32 v2, v4;
	v5 =	vld [tilespmem:s18+$0x20];
	_ =	sdelay $0x4  }
0x132: {  	[tilespmem:v6+s0+$0x0] =	vst.idx.msk $0xffff, v5  }
0x133: {  	v4 =	vadd.s32 v3, v4;
	v5 =	vld [tilespmem:s18+$0x30];
	_ =	sdelay $0x2  }
0x134: {  	s22 =	simm.s32 $0x3  }
0x135: {  	v6 =	vmov s22  }
0x136: {  	[tilespmem:v4+s0+$0x0] =	vst.idx.msk $0xffff, v5;
	v5 =	vand.u32 $0x7F, v6  }
0x137: {  	v4 =	vld [tilespmem:s18+$0x40];
	v6 =	vadd.s32 v0, v5;
	_ =	sdelay $0x4  }
0x138: {  	[tilespmem:v6+s0+$0x0] =	vst.idx.msk $0xffff, v4  }
0x139: {  	v6 =	vadd.s32 v1, v5;
	v4 =	vld [tilespmem:s18+$0x50];
	_ =	sdelay $0x4  }
0x13a: {  	[tilespmem:v6+s0+$0x0] =	vst.idx.msk $0xffff, v4  }
0x13b: {  	v6 =	vadd.s32 v2, v5;
	v4 =	vld [tilespmem:s18+$0x60];
	_ =	sdelay $0x4  }
0x13c: {  	[tilespmem:v6+s0+$0x0] =	vst.idx.msk $0xffff, v4  }
0x13d: {  	v5 =	vadd.s32 v3, v5;
	v4 =	vld [tilespmem:s18+$0x70];
	_ =	sdelay $0x2  }
0x13e: {  	s19 =	simm.s32 $0x4  }
0x13f: {  	s20 =	simm.s32 $0x8;
	s22 =	smov.u32 s31;
	v6 =	vmov s19  }
.LBB2_11:
0x140: {  	p2 =	slt.u32 s20, $0x7C;
	v6 =	vand.u32 $0x7C, v6;
	[tilespmem:v5+s0+$0x0] =	vst.idx.msk $0xffff, v4;
	s18 =	sadd.s32 $0x100, s18  }
0x141: {  	v4 =	vld [tilespmem:s18+$0xFFFFFF80];
	v5 =	vadd.s32 v0, v6;
	_ =	sdelay $0x4  }
0x142: {  	[tilespmem:v5+s0+$0x0] =	vst.idx.msk $0xffff, v4  }
0x143: {  	v5 =	vadd.s32 v1, v6;
	v4 =	vld [tilespmem:s18+$0xFFFFFF90];
	_ =	sdelay $0x4  }
0x144: {  	[tilespmem:v5+s0+$0x0] =	vst.idx.msk $0xffff, v4  }
0x145: {  	v5 =	vadd.s32 v2, v6;
	v4 =	vld [tilespmem:s18+$0xFFFFFFA0];
	_ =	sdelay $0x4  }
0x146: {  	[tilespmem:v5+s0+$0x0] =	vst.idx.msk $0xffff, v4  }
0x147: {  	v5 =	vadd.s32 v3, v6;
	v4 =	vld [tilespmem:s18+$0xFFFFFFB0];
	_ =	sdelay $0x2  }
0x148: {  	s2 =	sadd.s32 $0x1, s19  }
0x149: {  	v6 =	vmov s2  }
0x14a: {  	[tilespmem:v5+s0+$0x0] =	vst.idx.msk $0xffff, v4;
	v4 =	vand.u32 $0x7D, v6  }
0x14b: {  	v5 =	vld [tilespmem:s18+$0xFFFFFFC0];
	v6 =	vadd.s32 v0, v4;
	_ =	sdelay $0x4  }
0x14c: {  	[tilespmem:v6+s0+$0x0] =	vst.idx.msk $0xffff, v5  }
0x14d: {  	v6 =	vadd.s32 v1, v4;
	v5 =	vld [tilespmem:s18+$0xFFFFFFD0];
	_ =	sdelay $0x4  }
0x14e: {  	[tilespmem:v6+s0+$0x0] =	vst.idx.msk $0xffff, v5  }
0x14f: {  	v6 =	vadd.s32 v2, v4;
	v5 =	vld [tilespmem:s18+$0xFFFFFFE0];
	_ =	sdelay $0x4  }
0x150: {  	[tilespmem:v6+s0+$0x0] =	vst.idx.msk $0xffff, v5  }
0x151: {  	v4 =	vadd.s32 v3, v4;
	v5 =	vld [tilespmem:s18+$0xFFFFFFF0];
	_ =	sdelay $0x2  }
0x152: {  	s2 =	sadd.s32 $0x2, s19  }
0x153: {  	v6 =	vmov s2  }
0x154: {  	[tilespmem:v4+s0+$0x0] =	vst.idx.msk $0xffff, v5;
	v4 =	vand.u32 $0x7E, v6  }
0x155: {  	v5 =	vld [tilespmem:s18+$0x0];
	v6 =	vadd.s32 v0, v4;
	_ =	sdelay $0x4  }
0x156: {  	[tilespmem:v6+s0+$0x0] =	vst.idx.msk $0xffff, v5  }
0x157: {  	v6 =	vadd.s32 v1, v4;
	v5 =	vld [tilespmem:s18+$0x10];
	_ =	sdelay $0x4  }
0x158: {  	[tilespmem:v6+s0+$0x0] =	vst.idx.msk $0xffff, v5  }
0x159: {  	v6 =	vadd.s32 v2, v4;
	v5 =	vld [tilespmem:s18+$0x20];
	_ =	sdelay $0x4  }
0x15a: {  	[tilespmem:v6+s0+$0x0] =	vst.idx.msk $0xffff, v5  }
0x15b: {  	v4 =	vadd.s32 v3, v4;
	v5 =	vld [tilespmem:s18+$0x30];
	_ =	sdelay $0x2  }
0x15c: {  	s2 =	sadd.s32 $0x3, s19;
	s19 =	smov.u32 s20  }
0x15d: {  	v6 =	vmov s2  }
0x15e: {  	[tilespmem:v4+s0+$0x0] =	vst.idx.msk $0xffff, v5;
	v5 =	vand.u32 $0x7F, v6  }
0x15f: {  	v4 =	vld [tilespmem:s18+$0x40];
	v6 =	vadd.s32 v0, v5;
	_ =	sdelay $0x4  }
0x160: {  	[tilespmem:v6+s0+$0x0] =	vst.idx.msk $0xffff, v4  }
0x161: {  	v6 =	vadd.s32 v1, v5;
	v4 =	vld [tilespmem:s18+$0x50];
	_ =	sdelay $0x4  }
0x162: {  	[tilespmem:v6+s0+$0x0] =	vst.idx.msk $0xffff, v4  }
0x163: {  	v6 =	vadd.s32 v2, v5;
	v4 =	vld [tilespmem:s18+$0x60];
	_ =	sdelay $0x4  }
0x164: {  	[tilespmem:v6+s0+$0x0] =	vst.idx.msk $0xffff, v4  }
.Ltmp7:
0x165: {  	v5 =	vadd.s32 v3, v5;
	v4 =	vld [tilespmem:s18+$0x70];
	(pc) =	sbr.rel @p2 .LBB2_11-.Ltmp7, $2  }
0x166: {  	_ =	sdelay $0x2  }
0x167: {  	s20 =	sadd.s32 $0x4, s20;
	v6 =	vmov s19  }
0x168: {  	_ =	sdelay $0x3  }
0x169: {  	v6 =	vand.u32 $0x7C, v6;
	[tilespmem:v5+s0+$0x0] =	vst.idx.msk $0xffff, v4;
	s2 =	sadd.s32 $0x100, s18  }
0x16a: {  	v4 =	vld [tilespmem:s2+$0xFFFFFF80];
	v5 =	vadd.s32 v0, v6;
	_ =	sdelay $0x4  }
0x16b: {  	[tilespmem:v5+s0+$0x0] =	vst.idx.msk $0xffff, v4  }
0x16c: {  	v5 =	vadd.s32 v1, v6;
	v4 =	vld [tilespmem:s2+$0xFFFFFF90];
	_ =	sdelay $0x4  }
0x16d: {  	[tilespmem:v5+s0+$0x0] =	vst.idx.msk $0xffff, v4  }
0x16e: {  	v5 =	vadd.s32 v2, v6;
	v4 =	vld [tilespmem:s2+$0xFFFFFFA0];
	_ =	sdelay $0x4  }
0x16f: {  	[tilespmem:v5+s0+$0x0] =	vst.idx.msk $0xffff, v4  }
0x170: {  	v5 =	vadd.s32 v3, v6;
	v4 =	vld [tilespmem:s2+$0xFFFFFFB0];
	_ =	sdelay $0x2  }
0x171: {  	s31 =	sadd.s32 $0x1, s19  }
0x172: {  	v55 =	vmov s31  }
0x173: {  	[tilespmem:v5+s0+$0x0] =	vst.idx.msk $0xffff, v4;
	v4 =	vand.u32 $0x7D, v55  }
0x174: {  	v5 =	vld [tilespmem:s2+$0xFFFFFFC0];
	v6 =	vadd.s32 v0, v4;
	_ =	sdelay $0x4  }
0x175: {  	[tilespmem:v6+s0+$0x0] =	vst.idx.msk $0xffff, v5  }
0x176: {  	v56 =	vadd.s32 v1, v4;
	v5 =	vld [tilespmem:s2+$0xFFFFFFD0];
	_ =	sdelay $0x4  }
0x177: {  	[tilespmem:v56+s0+$0x0] =	vst.idx.msk $0xffff, v5  }
0x178: {  	v57 =	vadd.s32 v2, v4;
	v5 =	vld [tilespmem:s2+$0xFFFFFFE0];
	_ =	sdelay $0x4  }
0x179: {  	[tilespmem:v57+s0+$0x0] =	vst.idx.msk $0xffff, v5  }
0x17a: {  	v4 =	vadd.s32 v3, v4;
	v5 =	vld [tilespmem:s2+$0xFFFFFFF0];
	_ =	sdelay $0x2  }
0x17b: {  	s20 =	sadd.s32 $0x2, s19  }
0x17c: {  	v58 =	vmov s20  }
0x17d: {  	[tilespmem:v4+s0+$0x0] =	vst.idx.msk $0xffff, v5;
	v4 =	vand.u32 $0x7E, v58  }
0x17e: {  	v5 =	vld [tilespmem:s2+$0x0];
	v6 =	vadd.s32 v0, v4;
	_ =	sdelay $0x4  }
0x17f: {  	[tilespmem:v6+s0+$0x0] =	vst.idx.msk $0xffff, v5  }
0x180: {  	v59 =	vadd.s32 v1, v4;
	v5 =	vld [tilespmem:s2+$0x10];
	_ =	sdelay $0x4  }
0x181: {  	[tilespmem:v59+s0+$0x0] =	vst.idx.msk $0xffff, v5  }
0x182: {  	v60 =	vadd.s32 v2, v4;
	v5 =	vld [tilespmem:s2+$0x20];
	_ =	sdelay $0x4  }
0x183: {  	[tilespmem:v60+s0+$0x0] =	vst.idx.msk $0xffff, v5  }
0x184: {  	v4 =	vadd.s32 v3, v4;
	v5 =	vld [tilespmem:s2+$0x30];
	_ =	sdelay $0x2  }
0x185: {  	s21 =	sadd.s32 $0x3, s19  }
0x186: {  	v61 =	vmov s21  }
0x187: {  	[tilespmem:v4+s0+$0x0] =	vst.idx.msk $0xffff, v5;
	v4 =	vand.u32 $0x7F, v61  }
0x188: {  	v5 =	vld [tilespmem:s2+$0x40];
	v6 =	vadd.s32 v0, v4;
	_ =	sdelay $0x4  }
0x189: {  	[tilespmem:v6+s0+$0x0] =	vst.idx.msk $0xffff, v5  }
0x18a: {  	v62 =	vadd.s32 v1, v4;
	v5 =	vld [tilespmem:s2+$0x50];
	_ =	sdelay $0x4  }
0x18b: {  	[tilespmem:v62+s0+$0x0] =	vst.idx.msk $0xffff, v5  }
0x18c: {  	v63 =	vadd.s32 v2, v4;
	v5 =	vld [tilespmem:s2+$0x60];
	_ =	sdelay $0x4  }
0x18d: {  	[tilespmem:v63+s0+$0x0] =	vst.idx.msk $0xffff, v5  }
0x18e: {  	v4 =	vadd.s32 v3, v4;
	v5 =	vld [tilespmem:s2+$0x70];
	_ =	sdelay $0x2  }
0x18f: {  	s31 =	sadd.s32 s16, s22  }
0x190: {  	s15 =	sadd.s32 s15, s31  }
0x191: {  	s16 =	simm.s32 $0xA400;
	s18 =	sadd.s32 $0x80, s15;
	[tilespmem:v4+s0+$0x0] =	vst.idx.msk $0xffff, v5  }
0x192: {  	[hbm4b:s18+s3] =	stream.linear.scatter [tilespmem:s16], [sflag:$0xA], $0x80, $0x38;
	[tilespmem:$0x10A00] =	vst v63  }
0x193: {  	s19 =	simm.s32 $0xA488;
	s20 =	sadd.s32 $0x10, s18  }
0x194: {  	[hbm4b:s20+s3] =	stream.linear.scatter [tilespmem:s19], [sflag:$0xA], $0x80, $0x38;
	[tilespmem:$0x10A00] =	vst v63  }
0x195: {  	s21 =	simm.s32 $0xA510;
	s31 =	sadd.s32 $0x20, s18;
	s2 =	simm.s32 $0xA7B8  }
0x196: {  	[hbm4b:s31+s3] =	stream.linear.scatter [tilespmem:s21], [sflag:$0xA], $0x80, $0x38;
	[tilespmem:$0x10A00] =	vst v63  }
0x197: {  	s16 =	simm.s32 $0x440;
	s19 =	simm.s32 $0xA598;
	s20 =	sadd.s32 $0x30, s18  }
0x198: {  	[hbm4b:s20+s3] =	stream.linear.scatter [tilespmem:s19], [sflag:$0xA], $0x80, $0x38;
	[tilespmem:$0x10A00] =	vst v63  }
0x199: {  	s21 =	simm.s32 $0xA620;
	s31 =	sadd.s32 $0x40, s18;
	s19 =	simm.s32 $0xA6A8  }
0x19a: {  	[hbm4b:s31+s3] =	stream.linear.scatter [tilespmem:s21], [sflag:$0xA], $0x80, $0x38;
	[tilespmem:$0x10A00] =	vst v63  }
0x19b: {  	s20 =	sadd.s32 $0x50, s18;
	s21 =	simm.s32 $0xA730;
	s31 =	sadd.s32 $0x60, s18  }
0x19c: {  	[hbm4b:s20+s3] =	stream.linear.scatter [tilespmem:s19], [sflag:$0xA], $0x80, $0x38;
	[tilespmem:$0x10A00] =	vst v63  }
0x19d: {  	s19 =	simm.s32 $0x2200;
	s20 =	sadd.s32 $0x70, s18;
	s18 =	sadd.s32 $0x400, s18  }
0x19e: {  	[hbm4b:s31+s3] =	stream.linear.scatter [tilespmem:s21], [sflag:$0xA], $0x80, $0x38;
	[tilespmem:$0x10A00] =	vst v63  }
.LBB2_13:
0x19f: {  	[hbm4b:s20+s3] =	stream.linear.scatter [tilespmem:s2], [sflag:$0xA], $0x80, $0x38;
	[tilespmem:$0x10A00] =	vst v63  }
0x1a0: {  	s2 =	smov.u32 s16;
	s16 =	smov.u32 s19  }
0x1a1: {  	s21 =	sadd.s32 $0x1100, s19;
	s16 =	sshra.s32 s16, $0x2;
	s20 =	sadd.s32 $0xA400, s2  }
0x1a2: {  	[hbm4b:s18+s3] =	stream.linear.scatter [tilespmem:s20], [sflag:$0xA], $0x80, $0x38;
	[tilespmem:$0x10A00] =	vst v63  }
0x1a3: {  	p2 =	sne.s32 s19, $0x7700;
	s19 =	sadd.s32 $0xA488, s2;
	s20 =	sadd.s32 $0x10, s18  }
0x1a4: {  	[hbm4b:s20+s3] =	stream.linear.scatter [tilespmem:s19], [sflag:$0xA], $0x80, $0x38;
	[tilespmem:$0x10A00] =	vst v63  }
0x1a5: {  	s19 =	sadd.s32 $0xA510, s2;
	s20 =	sadd.s32 $0x20, s18  }
0x1a6: {  	[hbm4b:s20+s3] =	stream.linear.scatter [tilespmem:s19], [sflag:$0xA], $0x80, $0x38;
	[tilespmem:$0x10A00] =	vst v63  }
0x1a7: {  	s19 =	sadd.s32 $0xA598, s2;
	s20 =	sadd.s32 $0x30, s18  }
0x1a8: {  	[hbm4b:s20+s3] =	stream.linear.scatter [tilespmem:s19], [sflag:$0xA], $0x80, $0x38;
	[tilespmem:$0x10A00] =	vst v63  }
0x1a9: {  	s19 =	sadd.s32 $0xA620, s2;
	s20 =	sadd.s32 $0x40, s18  }
0x1aa: {  	[hbm4b:s20+s3] =	stream.linear.scatter [tilespmem:s19], [sflag:$0xA], $0x80, $0x38;
	[tilespmem:$0x10A00] =	vst v63  }
.Ltmp8:
0x1ab: {  	s19 =	sadd.s32 $0xA6A8, s2;
	s20 =	sadd.s32 $0x50, s18;
	(pc) =	sbr.rel @p2 .LBB2_13-.Ltmp8, $4  }
0x1ac: {  	[hbm4b:s20+s3] =	stream.linear.scatter [tilespmem:s19], [sflag:$0xA], $0x80, $0x38;
	[tilespmem:$0x10A00] =	vst v63  }
0x1ad: {  	s19 =	sadd.s32 $0xA730, s2;
	s20 =	sadd.s32 $0x60, s18;
	s2 =	sadd.s32 $0xA7B8, s2  }
0x1ae: {  	[hbm4b:s20+s3] =	stream.linear.scatter [tilespmem:s19], [sflag:$0xA], $0x80, $0x38;
	[tilespmem:$0x10A00] =	vst v63  }
0x1af: {  	s20 =	sadd.s32 $0x70, s18;
	s18 =	sadd.s32 $0x400, s18;
	s19 =	smov.u32 s21  }
0x1b0: {  	[hbm4b:s20+s3] =	stream.linear.scatter [tilespmem:s2], [sflag:$0xA], $0x80, $0x38;
	[tilespmem:$0x10A00] =	vst v63  }
0x1b1: {  	s21 =	sadd.s32 $0xA400, s16  }
0x1b2: {  	[hbm4b:s18+s3] =	stream.linear.scatter [tilespmem:s21], [sflag:$0xA], $0x80, $0x38;
	[tilespmem:$0x10A00] =	vst v63  }
0x1b3: {  	s31 =	sadd.s32 $0xA488, s16;
	s19 =	sadd.s32 $0x10, s18  }
0x1b4: {  	[hbm4b:s19+s3] =	stream.linear.scatter [tilespmem:s31], [sflag:$0xA], $0x80, $0x38;
	[tilespmem:$0x10A00] =	vst v63  }
0x1b5: {  	s20 =	sadd.s32 $0x20, s18;
	s19 =	sadd.s32 $0xA510, s16  }
0x1b6: {  	[hbm4b:s20+s3] =	stream.linear.scatter [tilespmem:s19], [sflag:$0xA], $0x80, $0x38;
	[tilespmem:$0x10A00] =	vst v63  }
0x1b7: {  	s21 =	sadd.s32 $0xA598, s16;
	s31 =	sadd.s32 $0x30, s18  }
0x1b8: {  	[hbm4b:s31+s3] =	stream.linear.scatter [tilespmem:s21], [sflag:$0xA], $0x80, $0x38;
	[tilespmem:$0x10A00] =	vst v63  }
0x1b9: {  	s19 =	sadd.s32 $0xA620, s16;
	s20 =	sadd.s32 $0x40, s18  }
0x1ba: {  	[hbm4b:s20+s3] =	stream.linear.scatter [tilespmem:s19], [sflag:$0xA], $0x80, $0x38;
	[tilespmem:$0x10A00] =	vst v63  }
0x1bb: {  	s21 =	sadd.s32 $0xA6A8, s16;
	s31 =	sadd.s32 $0x50, s18  }
0x1bc: {  	[hbm4b:s31+s3] =	stream.linear.scatter [tilespmem:s21], [sflag:$0xA], $0x80, $0x38;
	[tilespmem:$0x10A00] =	vst v63  }
.Ltmp9:
0x1bd: {  	_ = 	snop;
	(pc) =	sbr.rel @p1 .LBB2_16-.Ltmp9, $4  }
0x1be: {  	s19 =	sadd.s32 $0xA730, s16;
	s20 =	sadd.s32 $0x60, s18  }
0x1bf: {  	[hbm4b:s20+s3] =	stream.linear.scatter [tilespmem:s19], [sflag:$0xA], $0x80, $0x38;
	[tilespmem:$0x10A00] =	vst v63  }
0x1c0: {  	s21 =	sadd.s32 $0xA7B8, s16;
	s31 =	sadd.s32 $0x70, s18  }
0x1c1: {  	[hbm4b:s31+s3] =	stream.linear.scatter [tilespmem:s21], [sflag:$0xA], $0x80, $0x38;
	[tilespmem:$0x10A00] =	vst v63  }
.Ltmp10:
0x1c2: {  	(pc) =	sbr.rel .LBB2_17-.Ltmp10, $4  }
0x1c3: {  	_ = 	snop  }
0x1c4: {  	_ =	swait.ge [sflag:s1], $0x2000  }
0x1c5: {  	[sflag:s1] =	ssyncset.done $0x0  }
0x1c6: {  	[sflag:s1] =	ssyncadd.s32 $0xFFFFE000  }
.LBB2_16:
0x1c7: {  	s2 =	sadd.s32 $0x5, s14  }
0x1c8: {  	s16 =	sand.u32 $0x5, s2;
	s2 =	sshrl.u32 s2, $0x3  }
0x1c9: {  	s2 =	sadd.s32 s4, s2;
	s18 =	sshll.u32 s16, $0x4  }
0x1ca: {  	s2 =	sshll.u32 s2, $0x7;
	s18 =	sadd.s32 s5, s18  }
0x1cb: {  	s21 =	sshll.u32 s16, $0xA;
	s2 =	sadd.s32 s2, s18  }
0x1cc: {  	[tilespmem:s17], [sflag:$0x2] =	stream.linear.gather [hbm4b:s2+s3], $0x80, $0x38;
	[tilespmem:$0x10A00] =	vst v63  }
.Ltmp11:
0x1cd: {  	s31 =	simm.s32 $0x2200;
	s2 =	sadd.s32 s8, s21;
	(pc) =	sbr.rel @p0 .LBB2_18-.Ltmp11, $4  }
0x1ce: {  	[tilespmem:s31], [sflag:$0x2] =	stream.linear.gather [hbm4b:s2+s3], $0x2000, $0x38;
	[tilespmem:$0x10A00] =	vst v63  }
0x1cf: {  	_ =	swait.ge [sflag:s1], $0x2000  }
0x1d0: {  	[sflag:s1] =	ssyncset.done $0x0  }
0x1d1: {  	[sflag:s1] =	ssyncadd.s32 $0xFFFFE000  }
.LBB2_17:
0x1d2: {  	_ =	swait.ge [sflag:s9], $0x2000  }
0x1d3: {  	[sflag:s9] =	ssyncset.done $0x0  }
0x1d4: {  	[sflag:s9] =	ssyncadd.s32 $0xFFFFE000  }
.LBB2_18:
0x1d5: {  	s2 =	simm.s32 $0x0  }
0x1d6: {  	v4 =	vmov s2  }
0x1d7: {  	s16 =	simm.s32 $0x4280;
	v4 =	vand.u32 $0x7C, v4  }
0x1d8: {  	v5 =	vld [tilespmem:s16+$0xFFFFFF80];
	v6 =	vadd.s32 v0, v4;
	_ =	sdelay $0x4  }
0x1d9: {  	[tilespmem:v6+s10+$0x0] =	vst.idx.msk $0xffff, v5  }
0x1da: {  	v6 =	vadd.s32 v1, v4;
	v5 =	vld [tilespmem:s16+$0xFFFFFF90];
	_ =	sdelay $0x4  }
0x1db: {  	[tilespmem:v6+s10+$0x0] =	vst.idx.msk $0xffff, v5  }
0x1dc: {  	v6 =	vadd.s32 v2, v4;
	v5 =	vld [tilespmem:s16+$0xFFFFFFA0];
	_ =	sdelay $0x4  }
0x1dd: {  	[tilespmem:v6+s10+$0x0] =	vst.idx.msk $0xffff, v5  }
0x1de: {  	v4 =	vadd.s32 v3, v4;
	v5 =	vld [tilespmem:s16+$0xFFFFFFB0];
	_ =	sdelay $0x2  }
0x1df: {  	s20 =	simm.s32 $0x1  }
0x1e0: {  	v6 =	vmov s20  }
0x1e1: {  	[tilespmem:v4+s10+$0x0] =	vst.idx.msk $0xffff, v5;
	v4 =	vand.u32 $0x7D, v6  }
0x1e2: {  	v5 =	vld [tilespmem:s16+$0xFFFFFFC0];
	v6 =	vadd.s32 v0, v4;
	_ =	sdelay $0x4  }
0x1e3: {  	[tilespmem:v6+s10+$0x0] =	vst.idx.msk $0xffff, v5  }
0x1e4: {  	v6 =	vadd.s32 v1, v4;
	v5 =	vld [tilespmem:s16+$0xFFFFFFD0];
	_ =	sdelay $0x4  }
0x1e5: {  	[tilespmem:v6+s10+$0x0] =	vst.idx.msk $0xffff, v5  }
0x1e6: {  	v6 =	vadd.s32 v2, v4;
	v5 =	vld [tilespmem:s16+$0xFFFFFFE0];
	_ =	sdelay $0x4  }
0x1e7: {  	[tilespmem:v6+s10+$0x0] =	vst.idx.msk $0xffff, v5  }
0x1e8: {  	v4 =	vadd.s32 v3, v4;
	v5 =	vld [tilespmem:s16+$0xFFFFFFF0];
	_ =	sdelay $0x2  }
0x1e9: {  	s21 =	simm.s32 $0x2  }
0x1ea: {  	v6 =	vmov s21  }
0x1eb: {  	[tilespmem:v4+s10+$0x0] =	vst.idx.msk $0xffff, v5;
	v4 =	vand.u32 $0x7E, v6  }
0x1ec: {  	v5 =	vld [tilespmem:s16+$0x0];
	v6 =	vadd.s32 v0, v4;
	_ =	sdelay $0x4  }
0x1ed: {  	[tilespmem:v6+s10+$0x0] =	vst.idx.msk $0xffff, v5  }
0x1ee: {  	v6 =	vadd.s32 v1, v4;
	v5 =	vld [tilespmem:s16+$0x10];
	_ =	sdelay $0x4  }
0x1ef: {  	[tilespmem:v6+s10+$0x0] =	vst.idx.msk $0xffff, v5  }
0x1f0: {  	v6 =	vadd.s32 v2, v4;
	v5 =	vld [tilespmem:s16+$0x20];
	_ =	sdelay $0x4  }
0x1f1: {  	[tilespmem:v6+s10+$0x0] =	vst.idx.msk $0xffff, v5  }
0x1f2: {  	v4 =	vadd.s32 v3, v4;
	v5 =	vld [tilespmem:s16+$0x30];
	_ =	sdelay $0x2  }
0x1f3: {  	s31 =	simm.s32 $0x3  }
0x1f4: {  	v6 =	vmov s31  }
0x1f5: {  	[tilespmem:v4+s10+$0x0] =	vst.idx.msk $0xffff, v5;
	v5 =	vand.u32 $0x7F, v6  }
0x1f6: {  	v4 =	vld [tilespmem:s16+$0x40];
	v6 =	vadd.s32 v0, v5;
	_ =	sdelay $0x4  }
0x1f7: {  	[tilespmem:v6+s10+$0x0] =	vst.idx.msk $0xffff, v4  }
0x1f8: {  	v6 =	vadd.s32 v1, v5;
	v4 =	vld [tilespmem:s16+$0x50];
	_ =	sdelay $0x4  }
0x1f9: {  	[tilespmem:v6+s10+$0x0] =	vst.idx.msk $0xffff, v4  }
0x1fa: {  	v6 =	vadd.s32 v2, v5;
	v4 =	vld [tilespmem:s16+$0x60];
	_ =	sdelay $0x4  }
0x1fb: {  	[tilespmem:v6+s10+$0x0] =	vst.idx.msk $0xffff, v4  }
0x1fc: {  	v5 =	vadd.s32 v3, v5;
	v4 =	vld [tilespmem:s16+$0x70];
	_ =	sdelay $0x2  }
0x1fd: {  	s18 =	simm.s32 $0x4  }
0x1fe: {  	s19 =	simm.s32 $0x8;
	v6 =	vmov s18  }
.LBB2_19:
0x1ff: {  	p2 =	slt.u32 s19, $0x7C;
	v6 =	vand.u32 $0x7C, v6;
	[tilespmem:v5+s10+$0x0] =	vst.idx.msk $0xffff, v4;
	s16 =	sadd.s32 $0x100, s16  }
0x200: {  	v4 =	vld [tilespmem:s16+$0xFFFFFF80];
	v5 =	vadd.s32 v0, v6;
	_ =	sdelay $0x4  }
0x201: {  	[tilespmem:v5+s10+$0x0] =	vst.idx.msk $0xffff, v4  }
0x202: {  	v5 =	vadd.s32 v1, v6;
	v4 =	vld [tilespmem:s16+$0xFFFFFF90];
	_ =	sdelay $0x4  }
0x203: {  	[tilespmem:v5+s10+$0x0] =	vst.idx.msk $0xffff, v4  }
0x204: {  	v5 =	vadd.s32 v2, v6;
	v4 =	vld [tilespmem:s16+$0xFFFFFFA0];
	_ =	sdelay $0x4  }
0x205: {  	[tilespmem:v5+s10+$0x0] =	vst.idx.msk $0xffff, v4  }
0x206: {  	v5 =	vadd.s32 v3, v6;
	v4 =	vld [tilespmem:s16+$0xFFFFFFB0];
	_ =	sdelay $0x2  }
0x207: {  	s2 =	sadd.s32 $0x1, s18  }
0x208: {  	v6 =	vmov s2  }
0x209: {  	[tilespmem:v5+s10+$0x0] =	vst.idx.msk $0xffff, v4;
	v4 =	vand.u32 $0x7D, v6  }
0x20a: {  	v5 =	vld [tilespmem:s16+$0xFFFFFFC0];
	v6 =	vadd.s32 v0, v4;
	_ =	sdelay $0x4  }
0x20b: {  	[tilespmem:v6+s10+$0x0] =	vst.idx.msk $0xffff, v5  }
0x20c: {  	v6 =	vadd.s32 v1, v4;
	v5 =	vld [tilespmem:s16+$0xFFFFFFD0];
	_ =	sdelay $0x4  }
0x20d: {  	[tilespmem:v6+s10+$0x0] =	vst.idx.msk $0xffff, v5  }
0x20e: {  	v6 =	vadd.s32 v2, v4;
	v5 =	vld [tilespmem:s16+$0xFFFFFFE0];
	_ =	sdelay $0x4  }
0x20f: {  	[tilespmem:v6+s10+$0x0] =	vst.idx.msk $0xffff, v5  }
0x210: {  	v4 =	vadd.s32 v3, v4;
	v5 =	vld [tilespmem:s16+$0xFFFFFFF0];
	_ =	sdelay $0x2  }
0x211: {  	s2 =	sadd.s32 $0x2, s18  }
0x212: {  	v6 =	vmov s2  }
0x213: {  	[tilespmem:v4+s10+$0x0] =	vst.idx.msk $0xffff, v5;
	v4 =	vand.u32 $0x7E, v6  }
0x214: {  	v5 =	vld [tilespmem:s16+$0x0];
	v6 =	vadd.s32 v0, v4;
	_ =	sdelay $0x4  }
0x215: {  	[tilespmem:v6+s10+$0x0] =	vst.idx.msk $0xffff, v5  }
0x216: {  	v6 =	vadd.s32 v1, v4;
	v5 =	vld [tilespmem:s16+$0x10];
	_ =	sdelay $0x4  }
0x217: {  	[tilespmem:v6+s10+$0x0] =	vst.idx.msk $0xffff, v5  }
0x218: {  	v6 =	vadd.s32 v2, v4;
	v5 =	vld [tilespmem:s16+$0x20];
	_ =	sdelay $0x4  }
0x219: {  	[tilespmem:v6+s10+$0x0] =	vst.idx.msk $0xffff, v5  }
0x21a: {  	v4 =	vadd.s32 v3, v4;
	v5 =	vld [tilespmem:s16+$0x30];
	_ =	sdelay $0x2  }
0x21b: {  	s2 =	sadd.s32 $0x3, s18;
	s18 =	smov.u32 s19  }
0x21c: {  	v6 =	vmov s2  }
0x21d: {  	[tilespmem:v4+s10+$0x0] =	vst.idx.msk $0xffff, v5;
	v5 =	vand.u32 $0x7F, v6  }
0x21e: {  	v4 =	vld [tilespmem:s16+$0x40];
	v6 =	vadd.s32 v0, v5;
	_ =	sdelay $0x4  }
0x21f: {  	[tilespmem:v6+s10+$0x0] =	vst.idx.msk $0xffff, v4  }
0x220: {  	v6 =	vadd.s32 v1, v5;
	v4 =	vld [tilespmem:s16+$0x50];
	_ =	sdelay $0x4  }
0x221: {  	[tilespmem:v6+s10+$0x0] =	vst.idx.msk $0xffff, v4  }
0x222: {  	v6 =	vadd.s32 v2, v5;
	v4 =	vld [tilespmem:s16+$0x60];
	_ =	sdelay $0x4  }
0x223: {  	[tilespmem:v6+s10+$0x0] =	vst.idx.msk $0xffff, v4  }
.Ltmp12:
0x224: {  	v5 =	vadd.s32 v3, v5;
	v4 =	vld [tilespmem:s16+$0x70];
	(pc) =	sbr.rel @p2 .LBB2_19-.Ltmp12, $2  }
0x225: {  	_ =	sdelay $0x2  }
0x226: {  	s19 =	sadd.s32 $0x4, s19;
	v6 =	vmov s18  }
0x227: {  	_ =	sdelay $0x3  }
0x228: {  	v6 =	vand.u32 $0x7C, v6;
	[tilespmem:v5+s10+$0x0] =	vst.idx.msk $0xffff, v4;
	s2 =	sadd.s32 $0x100, s16  }
0x229: {  	v4 =	vld [tilespmem:s2+$0xFFFFFF80];
	v5 =	vadd.s32 v0, v6;
	_ =	sdelay $0x4  }
0x22a: {  	[tilespmem:v5+s10+$0x0] =	vst.idx.msk $0xffff, v4  }
0x22b: {  	v5 =	vadd.s32 v1, v6;
	v4 =	vld [tilespmem:s2+$0xFFFFFF90];
	_ =	sdelay $0x4  }
0x22c: {  	[tilespmem:v5+s10+$0x0] =	vst.idx.msk $0xffff, v4  }
0x22d: {  	v5 =	vadd.s32 v2, v6;
	v4 =	vld [tilespmem:s2+$0xFFFFFFA0];
	_ =	sdelay $0x4  }
0x22e: {  	[tilespmem:v5+s10+$0x0] =	vst.idx.msk $0xffff, v4  }
0x22f: {  	v5 =	vadd.s32 v3, v6;
	v4 =	vld [tilespmem:s2+$0xFFFFFFB0];
	_ =	sdelay $0x2  }
0x230: {  	s20 =	sadd.s32 $0x1, s18  }
0x231: {  	v55 =	vmov s20  }
0x232: {  	[tilespmem:v5+s10+$0x0] =	vst.idx.msk $0xffff, v4;
	v4 =	vand.u32 $0x7D, v55  }
0x233: {  	v5 =	vld [tilespmem:s2+$0xFFFFFFC0];
	v6 =	vadd.s32 v0, v4;
	_ =	sdelay $0x4  }
0x234: {  	[tilespmem:v6+s10+$0x0] =	vst.idx.msk $0xffff, v5  }
0x235: {  	v56 =	vadd.s32 v1, v4;
	v5 =	vld [tilespmem:s2+$0xFFFFFFD0];
	_ =	sdelay $0x4  }
0x236: {  	[tilespmem:v56+s10+$0x0] =	vst.idx.msk $0xffff, v5  }
0x237: {  	v57 =	vadd.s32 v2, v4;
	v5 =	vld [tilespmem:s2+$0xFFFFFFE0];
	_ =	sdelay $0x4  }
0x238: {  	[tilespmem:v57+s10+$0x0] =	vst.idx.msk $0xffff, v5  }
0x239: {  	v4 =	vadd.s32 v3, v4;
	v5 =	vld [tilespmem:s2+$0xFFFFFFF0];
	_ =	sdelay $0x2  }
0x23a: {  	s21 =	sadd.s32 $0x2, s18  }
0x23b: {  	v58 =	vmov s21  }
0x23c: {  	[tilespmem:v4+s10+$0x0] =	vst.idx.msk $0xffff, v5;
	v4 =	vand.u32 $0x7E, v58  }
0x23d: {  	v5 =	vld [tilespmem:s2+$0x0];
	v6 =	vadd.s32 v0, v4;
	_ =	sdelay $0x4  }
0x23e: {  	[tilespmem:v6+s10+$0x0] =	vst.idx.msk $0xffff, v5  }
0x23f: {  	v59 =	vadd.s32 v1, v4;
	v5 =	vld [tilespmem:s2+$0x10];
	_ =	sdelay $0x4  }
0x240: {  	[tilespmem:v59+s10+$0x0] =	vst.idx.msk $0xffff, v5  }
0x241: {  	v60 =	vadd.s32 v2, v4;
	v5 =	vld [tilespmem:s2+$0x20];
	_ =	sdelay $0x4  }
0x242: {  	[tilespmem:v60+s10+$0x0] =	vst.idx.msk $0xffff, v5  }
0x243: {  	v4 =	vadd.s32 v3, v4;
	v5 =	vld [tilespmem:s2+$0x30];
	_ =	sdelay $0x2  }
0x244: {  	s31 =	sadd.s32 $0x3, s18  }
0x245: {  	v61 =	vmov s31  }
0x246: {  	[tilespmem:v4+s10+$0x0] =	vst.idx.msk $0xffff, v5;
	v4 =	vand.u32 $0x7F, v61  }
0x247: {  	v5 =	vld [tilespmem:s2+$0x40];
	v6 =	vadd.s32 v0, v4;
	_ =	sdelay $0x4  }
0x248: {  	[tilespmem:v6+s10+$0x0] =	vst.idx.msk $0xffff, v5  }
0x249: {  	v62 =	vadd.s32 v1, v4;
	v5 =	vld [tilespmem:s2+$0x50];
	_ =	sdelay $0x4  }
0x24a: {  	[tilespmem:v62+s10+$0x0] =	vst.idx.msk $0xffff, v5  }
0x24b: {  	v63 =	vadd.s32 v2, v4;
	v5 =	vld [tilespmem:s2+$0x60];
	_ =	sdelay $0x4  }
0x24c: {  	[tilespmem:v63+s10+$0x0] =	vst.idx.msk $0xffff, v5  }
0x24d: {  	v4 =	vadd.s32 v3, v4;
	v5 =	vld [tilespmem:s2+$0x70];
	_ =	sdelay $0x4  }
0x24e: {  	s18 =	sadd.s32 $0x100, s15;
	s16 =	simm.s32 $0xC600;
	[tilespmem:v4+s10+$0x0] =	vst.idx.msk $0xffff, v5  }
0x24f: {  	[hbm4b:s18+s3] =	stream.linear.scatter [tilespmem:s16], [sflag:$0xB], $0x80, $0x38;
	[tilespmem:$0x10A00] =	vst v63  }
0x250: {  	s19 =	simm.s32 $0xC688;
	s20 =	sadd.s32 $0x10, s18  }
0x251: {  	[hbm4b:s20+s3] =	stream.linear.scatter [tilespmem:s19], [sflag:$0xB], $0x80, $0x38;
	[tilespmem:$0x10A00] =	vst v63  }
0x252: {  	s21 =	simm.s32 $0xC710;
	s31 =	sadd.s32 $0x20, s18;
	s2 =	simm.s32 $0xC9B8  }
0x253: {  	[hbm4b:s31+s3] =	stream.linear.scatter [tilespmem:s21], [sflag:$0xB], $0x80, $0x38;
	[tilespmem:$0x10A00] =	vst v63  }
0x254: {  	s16 =	simm.s32 $0x440;
	s19 =	simm.s32 $0xC798;
	s20 =	sadd.s32 $0x30, s18  }
0x255: {  	[hbm4b:s20+s3] =	stream.linear.scatter [tilespmem:s19], [sflag:$0xB], $0x80, $0x38;
	[tilespmem:$0x10A00] =	vst v63  }
0x256: {  	s21 =	simm.s32 $0xC820;
	s31 =	sadd.s32 $0x40, s18;
	s19 =	simm.s32 $0xC8A8  }
0x257: {  	[hbm4b:s31+s3] =	stream.linear.scatter [tilespmem:s21], [sflag:$0xB], $0x80, $0x38;
	[tilespmem:$0x10A00] =	vst v63  }
0x258: {  	s20 =	sadd.s32 $0x50, s18;
	s21 =	simm.s32 $0xC930;
	s31 =	sadd.s32 $0x60, s18  }
0x259: {  	[hbm4b:s20+s3] =	stream.linear.scatter [tilespmem:s19], [sflag:$0xB], $0x80, $0x38;
	[tilespmem:$0x10A00] =	vst v63  }
0x25a: {  	s19 =	simm.s32 $0x2200;
	s20 =	sadd.s32 $0x70, s18;
	s18 =	sadd.s32 $0x400, s18  }
0x25b: {  	[hbm4b:s31+s3] =	stream.linear.scatter [tilespmem:s21], [sflag:$0xB], $0x80, $0x38;
	[tilespmem:$0x10A00] =	vst v63  }
.LBB2_21:
0x25c: {  	[hbm4b:s20+s3] =	stream.linear.scatter [tilespmem:s2], [sflag:$0xB], $0x80, $0x38;
	[tilespmem:$0x10A00] =	vst v63  }
0x25d: {  	s2 =	smov.u32 s16;
	s16 =	smov.u32 s19  }
0x25e: {  	s21 =	sadd.s32 $0x1100, s19;
	s16 =	sshra.s32 s16, $0x2;
	s20 =	sadd.s32 $0xC600, s2  }
0x25f: {  	[hbm4b:s18+s3] =	stream.linear.scatter [tilespmem:s20], [sflag:$0xB], $0x80, $0x38;
	[tilespmem:$0x10A00] =	vst v63  }
0x260: {  	p2 =	sne.s32 s19, $0x7700;
	s19 =	sadd.s32 $0xC688, s2;
	s20 =	sadd.s32 $0x10, s18  }
0x261: {  	[hbm4b:s20+s3] =	stream.linear.scatter [tilespmem:s19], [sflag:$0xB], $0x80, $0x38;
	[tilespmem:$0x10A00] =	vst v63  }
0x262: {  	s19 =	sadd.s32 $0xC710, s2;
	s20 =	sadd.s32 $0x20, s18  }
0x263: {  	[hbm4b:s20+s3] =	stream.linear.scatter [tilespmem:s19], [sflag:$0xB], $0x80, $0x38;
	[tilespmem:$0x10A00] =	vst v63  }
0x264: {  	s19 =	sadd.s32 $0xC798, s2;
	s20 =	sadd.s32 $0x30, s18  }
0x265: {  	[hbm4b:s20+s3] =	stream.linear.scatter [tilespmem:s19], [sflag:$0xB], $0x80, $0x38;
	[tilespmem:$0x10A00] =	vst v63  }
0x266: {  	s19 =	sadd.s32 $0xC820, s2;
	s20 =	sadd.s32 $0x40, s18  }
0x267: {  	[hbm4b:s20+s3] =	stream.linear.scatter [tilespmem:s19], [sflag:$0xB], $0x80, $0x38;
	[tilespmem:$0x10A00] =	vst v63  }
.Ltmp13:
0x268: {  	s19 =	sadd.s32 $0xC8A8, s2;
	s20 =	sadd.s32 $0x50, s18;
	(pc) =	sbr.rel @p2 .LBB2_21-.Ltmp13, $4  }
0x269: {  	[hbm4b:s20+s3] =	stream.linear.scatter [tilespmem:s19], [sflag:$0xB], $0x80, $0x38;
	[tilespmem:$0x10A00] =	vst v63  }
0x26a: {  	s19 =	sadd.s32 $0xC930, s2;
	s20 =	sadd.s32 $0x60, s18;
	s2 =	sadd.s32 $0xC9B8, s2  }
0x26b: {  	[hbm4b:s20+s3] =	stream.linear.scatter [tilespmem:s19], [sflag:$0xB], $0x80, $0x38;
	[tilespmem:$0x10A00] =	vst v63  }
0x26c: {  	s20 =	sadd.s32 $0x70, s18;
	s18 =	sadd.s32 $0x400, s18;
	s19 =	smov.u32 s21  }
0x26d: {  	[hbm4b:s20+s3] =	stream.linear.scatter [tilespmem:s2], [sflag:$0xB], $0x80, $0x38;
	[tilespmem:$0x10A00] =	vst v63  }
0x26e: {  	s21 =	sadd.s32 $0xC600, s16  }
0x26f: {  	[hbm4b:s18+s3] =	stream.linear.scatter [tilespmem:s21], [sflag:$0xB], $0x80, $0x38;
	[tilespmem:$0x10A00] =	vst v63  }
0x270: {  	s31 =	sadd.s32 $0xC688, s16;
	s19 =	sadd.s32 $0x10, s18  }
0x271: {  	[hbm4b:s19+s3] =	stream.linear.scatter [tilespmem:s31], [sflag:$0xB], $0x80, $0x38;
	[tilespmem:$0x10A00] =	vst v63  }
0x272: {  	s20 =	sadd.s32 $0x20, s18;
	s19 =	sadd.s32 $0xC710, s16  }
0x273: {  	[hbm4b:s20+s3] =	stream.linear.scatter [tilespmem:s19], [sflag:$0xB], $0x80, $0x38;
	[tilespmem:$0x10A00] =	vst v63  }
0x274: {  	s21 =	sadd.s32 $0xC798, s16;
	s31 =	sadd.s32 $0x30, s18  }
0x275: {  	[hbm4b:s31+s3] =	stream.linear.scatter [tilespmem:s21], [sflag:$0xB], $0x80, $0x38;
	[tilespmem:$0x10A00] =	vst v63  }
0x276: {  	s19 =	sadd.s32 $0xC820, s16;
	s20 =	sadd.s32 $0x40, s18  }
0x277: {  	[hbm4b:s20+s3] =	stream.linear.scatter [tilespmem:s19], [sflag:$0xB], $0x80, $0x38;
	[tilespmem:$0x10A00] =	vst v63  }
0x278: {  	s21 =	sadd.s32 $0xC8A8, s16;
	s31 =	sadd.s32 $0x50, s18  }
0x279: {  	[hbm4b:s31+s3] =	stream.linear.scatter [tilespmem:s21], [sflag:$0xB], $0x80, $0x38;
	[tilespmem:$0x10A00] =	vst v63  }
.Ltmp14:
0x27a: {  	_ = 	snop;
	(pc) =	sbr.rel @p1 .LBB2_24-.Ltmp14, $4  }
0x27b: {  	s19 =	sadd.s32 $0xC930, s16;
	s20 =	sadd.s32 $0x60, s18  }
0x27c: {  	[hbm4b:s20+s3] =	stream.linear.scatter [tilespmem:s19], [sflag:$0xB], $0x80, $0x38;
	[tilespmem:$0x10A00] =	vst v63  }
0x27d: {  	s21 =	sadd.s32 $0xC9B8, s16;
	s31 =	sadd.s32 $0x70, s18  }
0x27e: {  	[hbm4b:s31+s3] =	stream.linear.scatter [tilespmem:s21], [sflag:$0xB], $0x80, $0x38;
	[tilespmem:$0x10A00] =	vst v63  }
.Ltmp15:
0x27f: {  	(pc) =	sbr.rel .LBB2_25-.Ltmp15, $4  }
0x280: {  	_ = 	snop  }
0x281: {  	_ =	swait.ge [sflag:s11], $0x2000  }
0x282: {  	[sflag:s11] =	ssyncset.done $0x0  }
0x283: {  	[sflag:s11] =	ssyncadd.s32 $0xFFFFE000  }
.LBB2_24:
0x284: {  	s2 =	sadd.s32 $0x6, s14  }
0x285: {  	s16 =	sand.u32 $0x6, s2;
	s2 =	sshrl.u32 s2, $0x3  }
0x286: {  	s2 =	sadd.s32 s4, s2;
	s18 =	sshll.u32 s16, $0x4  }
0x287: {  	s2 =	sshll.u32 s2, $0x7;
	s18 =	sadd.s32 s5, s18  }
0x288: {  	s20 =	simm.s32 $0x100;
	s21 =	sshll.u32 s16, $0xA;
	s2 =	sadd.s32 s2, s18  }
0x289: {  	[tilespmem:s20], [sflag:$0x3] =	stream.linear.gather [hbm4b:s2+s3], $0x80, $0x38;
	[tilespmem:$0x10A00] =	vst v63  }
.Ltmp16:
0x28a: {  	s31 =	simm.s32 $0x4200;
	s2 =	sadd.s32 s8, s21;
	(pc) =	sbr.rel @p0 .LBB2_26-.Ltmp16, $4  }
0x28b: {  	[tilespmem:s31], [sflag:$0x3] =	stream.linear.gather [hbm4b:s2+s3], $0x2000, $0x38;
	[tilespmem:$0x10A00] =	vst v63  }
0x28c: {  	_ =	swait.ge [sflag:s11], $0x2000  }
0x28d: {  	[sflag:s11] =	ssyncset.done $0x0  }
0x28e: {  	[sflag:s11] =	ssyncadd.s32 $0xFFFFE000  }
.LBB2_25:
0x28f: {  	_ =	swait.ge [sflag:s12], $0x2000  }
0x290: {  	[sflag:s12] =	ssyncset.done $0x0  }
0x291: {  	[sflag:s12] =	ssyncadd.s32 $0xFFFFE000  }
.LBB2_26:
0x292: {  	s2 =	simm.s32 $0x0  }
0x293: {  	v4 =	vmov s2  }
0x294: {  	s16 =	simm.s32 $0x6280;
	v4 =	vand.u32 $0x7C, v4  }
0x295: {  	v5 =	vld [tilespmem:s16+$0xFFFFFF80];
	v6 =	vadd.s32 v0, v4;
	_ =	sdelay $0x4  }
0x296: {  	[tilespmem:v6+s13+$0x0] =	vst.idx.msk $0xffff, v5  }
0x297: {  	v6 =	vadd.s32 v1, v4;
	v5 =	vld [tilespmem:s16+$0xFFFFFF90];
	_ =	sdelay $0x4  }
0x298: {  	[tilespmem:v6+s13+$0x0] =	vst.idx.msk $0xffff, v5  }
0x299: {  	v6 =	vadd.s32 v2, v4;
	v5 =	vld [tilespmem:s16+$0xFFFFFFA0];
	_ =	sdelay $0x4  }
0x29a: {  	[tilespmem:v6+s13+$0x0] =	vst.idx.msk $0xffff, v5  }
0x29b: {  	v4 =	vadd.s32 v3, v4;
	v5 =	vld [tilespmem:s16+$0xFFFFFFB0];
	_ =	sdelay $0x2  }
0x29c: {  	s20 =	simm.s32 $0x1  }
0x29d: {  	v6 =	vmov s20  }
0x29e: {  	[tilespmem:v4+s13+$0x0] =	vst.idx.msk $0xffff, v5;
	v4 =	vand.u32 $0x7D, v6  }
0x29f: {  	v5 =	vld [tilespmem:s16+$0xFFFFFFC0];
	v6 =	vadd.s32 v0, v4;
	_ =	sdelay $0x4  }
0x2a0: {  	[tilespmem:v6+s13+$0x0] =	vst.idx.msk $0xffff, v5  }
0x2a1: {  	v6 =	vadd.s32 v1, v4;
	v5 =	vld [tilespmem:s16+$0xFFFFFFD0];
	_ =	sdelay $0x4  }
0x2a2: {  	[tilespmem:v6+s13+$0x0] =	vst.idx.msk $0xffff, v5  }
0x2a3: {  	v6 =	vadd.s32 v2, v4;
	v5 =	vld [tilespmem:s16+$0xFFFFFFE0];
	_ =	sdelay $0x4  }
0x2a4: {  	[tilespmem:v6+s13+$0x0] =	vst.idx.msk $0xffff, v5  }
0x2a5: {  	v4 =	vadd.s32 v3, v4;
	v5 =	vld [tilespmem:s16+$0xFFFFFFF0];
	_ =	sdelay $0x2  }
0x2a6: {  	s21 =	simm.s32 $0x2  }
0x2a7: {  	v6 =	vmov s21  }
0x2a8: {  	[tilespmem:v4+s13+$0x0] =	vst.idx.msk $0xffff, v5;
	v4 =	vand.u32 $0x7E, v6  }
0x2a9: {  	v5 =	vld [tilespmem:s16+$0x0];
	v6 =	vadd.s32 v0, v4;
	_ =	sdelay $0x4  }
0x2aa: {  	[tilespmem:v6+s13+$0x0] =	vst.idx.msk $0xffff, v5  }
0x2ab: {  	v6 =	vadd.s32 v1, v4;
	v5 =	vld [tilespmem:s16+$0x10];
	_ =	sdelay $0x4  }
0x2ac: {  	[tilespmem:v6+s13+$0x0] =	vst.idx.msk $0xffff, v5  }
0x2ad: {  	v6 =	vadd.s32 v2, v4;
	v5 =	vld [tilespmem:s16+$0x20];
	_ =	sdelay $0x4  }
0x2ae: {  	[tilespmem:v6+s13+$0x0] =	vst.idx.msk $0xffff, v5  }
0x2af: {  	v4 =	vadd.s32 v3, v4;
	v5 =	vld [tilespmem:s16+$0x30];
	_ =	sdelay $0x2  }
0x2b0: {  	s31 =	simm.s32 $0x3  }
0x2b1: {  	v6 =	vmov s31  }
0x2b2: {  	[tilespmem:v4+s13+$0x0] =	vst.idx.msk $0xffff, v5;
	v5 =	vand.u32 $0x7F, v6  }
0x2b3: {  	v4 =	vld [tilespmem:s16+$0x40];
	v6 =	vadd.s32 v0, v5;
	_ =	sdelay $0x4  }
0x2b4: {  	[tilespmem:v6+s13+$0x0] =	vst.idx.msk $0xffff, v4  }
0x2b5: {  	v6 =	vadd.s32 v1, v5;
	v4 =	vld [tilespmem:s16+$0x50];
	_ =	sdelay $0x4  }
0x2b6: {  	[tilespmem:v6+s13+$0x0] =	vst.idx.msk $0xffff, v4  }
0x2b7: {  	v6 =	vadd.s32 v2, v5;
	v4 =	vld [tilespmem:s16+$0x60];
	_ =	sdelay $0x4  }
0x2b8: {  	[tilespmem:v6+s13+$0x0] =	vst.idx.msk $0xffff, v4  }
0x2b9: {  	v5 =	vadd.s32 v3, v5;
	v4 =	vld [tilespmem:s16+$0x70];
	_ =	sdelay $0x2  }
0x2ba: {  	s18 =	simm.s32 $0x4  }
0x2bb: {  	s19 =	simm.s32 $0x8;
	v6 =	vmov s18  }
.LBB2_27:
0x2bc: {  	p0 =	slt.u32 s19, $0x7C;
	v6 =	vand.u32 $0x7C, v6;
	[tilespmem:v5+s13+$0x0] =	vst.idx.msk $0xffff, v4;
	s16 =	sadd.s32 $0x100, s16  }
0x2bd: {  	v4 =	vld [tilespmem:s16+$0xFFFFFF80];
	v5 =	vadd.s32 v0, v6;
	_ =	sdelay $0x4  }
0x2be: {  	[tilespmem:v5+s13+$0x0] =	vst.idx.msk $0xffff, v4  }
0x2bf: {  	v5 =	vadd.s32 v1, v6;
	v4 =	vld [tilespmem:s16+$0xFFFFFF90];
	_ =	sdelay $0x4  }
0x2c0: {  	[tilespmem:v5+s13+$0x0] =	vst.idx.msk $0xffff, v4  }
0x2c1: {  	v5 =	vadd.s32 v2, v6;
	v4 =	vld [tilespmem:s16+$0xFFFFFFA0];
	_ =	sdelay $0x4  }
0x2c2: {  	[tilespmem:v5+s13+$0x0] =	vst.idx.msk $0xffff, v4  }
0x2c3: {  	v5 =	vadd.s32 v3, v6;
	v4 =	vld [tilespmem:s16+$0xFFFFFFB0];
	_ =	sdelay $0x2  }
0x2c4: {  	s2 =	sadd.s32 $0x1, s18  }
0x2c5: {  	v6 =	vmov s2  }
0x2c6: {  	[tilespmem:v5+s13+$0x0] =	vst.idx.msk $0xffff, v4;
	v4 =	vand.u32 $0x7D, v6  }
0x2c7: {  	v5 =	vld [tilespmem:s16+$0xFFFFFFC0];
	v6 =	vadd.s32 v0, v4;
	_ =	sdelay $0x4  }
0x2c8: {  	[tilespmem:v6+s13+$0x0] =	vst.idx.msk $0xffff, v5  }
0x2c9: {  	v6 =	vadd.s32 v1, v4;
	v5 =	vld [tilespmem:s16+$0xFFFFFFD0];
	_ =	sdelay $0x4  }
0x2ca: {  	[tilespmem:v6+s13+$0x0] =	vst.idx.msk $0xffff, v5  }
0x2cb: {  	v6 =	vadd.s32 v2, v4;
	v5 =	vld [tilespmem:s16+$0xFFFFFFE0];
	_ =	sdelay $0x4  }
0x2cc: {  	[tilespmem:v6+s13+$0x0] =	vst.idx.msk $0xffff, v5  }
0x2cd: {  	v4 =	vadd.s32 v3, v4;
	v5 =	vld [tilespmem:s16+$0xFFFFFFF0];
	_ =	sdelay $0x2  }
0x2ce: {  	s2 =	sadd.s32 $0x2, s18  }
0x2cf: {  	v6 =	vmov s2  }
0x2d0: {  	[tilespmem:v4+s13+$0x0] =	vst.idx.msk $0xffff, v5;
	v4 =	vand.u32 $0x7E, v6  }
0x2d1: {  	v5 =	vld [tilespmem:s16+$0x0];
	v6 =	vadd.s32 v0, v4;
	_ =	sdelay $0x4  }
0x2d2: {  	[tilespmem:v6+s13+$0x0] =	vst.idx.msk $0xffff, v5  }
0x2d3: {  	v6 =	vadd.s32 v1, v4;
	v5 =	vld [tilespmem:s16+$0x10];
	_ =	sdelay $0x4  }
0x2d4: {  	[tilespmem:v6+s13+$0x0] =	vst.idx.msk $0xffff, v5  }
0x2d5: {  	v6 =	vadd.s32 v2, v4;
	v5 =	vld [tilespmem:s16+$0x20];
	_ =	sdelay $0x4  }
0x2d6: {  	[tilespmem:v6+s13+$0x0] =	vst.idx.msk $0xffff, v5  }
0x2d7: {  	v4 =	vadd.s32 v3, v4;
	v5 =	vld [tilespmem:s16+$0x30];
	_ =	sdelay $0x2  }
0x2d8: {  	s2 =	sadd.s32 $0x3, s18;
	s18 =	smov.u32 s19  }
0x2d9: {  	v6 =	vmov s2  }
0x2da: {  	[tilespmem:v4+s13+$0x0] =	vst.idx.msk $0xffff, v5;
	v5 =	vand.u32 $0x7F, v6  }
0x2db: {  	v4 =	vld [tilespmem:s16+$0x40];
	v6 =	vadd.s32 v0, v5;
	_ =	sdelay $0x4  }
0x2dc: {  	[tilespmem:v6+s13+$0x0] =	vst.idx.msk $0xffff, v4  }
0x2dd: {  	v6 =	vadd.s32 v1, v5;
	v4 =	vld [tilespmem:s16+$0x50];
	_ =	sdelay $0x4  }
0x2de: {  	[tilespmem:v6+s13+$0x0] =	vst.idx.msk $0xffff, v4  }
0x2df: {  	v6 =	vadd.s32 v2, v5;
	v4 =	vld [tilespmem:s16+$0x60];
	_ =	sdelay $0x4  }
0x2e0: {  	[tilespmem:v6+s13+$0x0] =	vst.idx.msk $0xffff, v4  }
.Ltmp17:
0x2e1: {  	v5 =	vadd.s32 v3, v5;
	v4 =	vld [tilespmem:s16+$0x70];
	(pc) =	sbr.rel @p0 .LBB2_27-.Ltmp17, $2  }
0x2e2: {  	_ =	sdelay $0x2  }
0x2e3: {  	s19 =	sadd.s32 $0x4, s19;
	v6 =	vmov s18  }
0x2e4: {  	_ =	sdelay $0x3  }
0x2e5: {  	v6 =	vand.u32 $0x7C, v6;
	[tilespmem:v5+s13+$0x0] =	vst.idx.msk $0xffff, v4;
	s2 =	sadd.s32 $0x100, s16  }
0x2e6: {  	v4 =	vld [tilespmem:s2+$0xFFFFFF80];
	v5 =	vadd.s32 v0, v6;
	_ =	sdelay $0x4  }
0x2e7: {  	[tilespmem:v5+s13+$0x0] =	vst.idx.msk $0xffff, v4  }
0x2e8: {  	v5 =	vadd.s32 v1, v6;
	v4 =	vld [tilespmem:s2+$0xFFFFFF90];
	_ =	sdelay $0x4  }
0x2e9: {  	[tilespmem:v5+s13+$0x0] =	vst.idx.msk $0xffff, v4  }
0x2ea: {  	v5 =	vadd.s32 v2, v6;
	v4 =	vld [tilespmem:s2+$0xFFFFFFA0];
	_ =	sdelay $0x4  }
0x2eb: {  	[tilespmem:v5+s13+$0x0] =	vst.idx.msk $0xffff, v4  }
0x2ec: {  	v5 =	vadd.s32 v3, v6;
	v4 =	vld [tilespmem:s2+$0xFFFFFFB0];
	_ =	sdelay $0x2  }
0x2ed: {  	s20 =	sadd.s32 $0x1, s18  }
0x2ee: {  	v55 =	vmov s20  }
0x2ef: {  	[tilespmem:v5+s13+$0x0] =	vst.idx.msk $0xffff, v4;
	v4 =	vand.u32 $0x7D, v55  }
0x2f0: {  	v5 =	vld [tilespmem:s2+$0xFFFFFFC0];
	v6 =	vadd.s32 v0, v4;
	_ =	sdelay $0x4  }
0x2f1: {  	[tilespmem:v6+s13+$0x0] =	vst.idx.msk $0xffff, v5  }
0x2f2: {  	v56 =	vadd.s32 v1, v4;
	v5 =	vld [tilespmem:s2+$0xFFFFFFD0];
	_ =	sdelay $0x4  }
0x2f3: {  	[tilespmem:v56+s13+$0x0] =	vst.idx.msk $0xffff, v5  }
0x2f4: {  	v57 =	vadd.s32 v2, v4;
	v5 =	vld [tilespmem:s2+$0xFFFFFFE0];
	_ =	sdelay $0x4  }
0x2f5: {  	[tilespmem:v57+s13+$0x0] =	vst.idx.msk $0xffff, v5  }
0x2f6: {  	v4 =	vadd.s32 v3, v4;
	v5 =	vld [tilespmem:s2+$0xFFFFFFF0];
	_ =	sdelay $0x2  }
0x2f7: {  	s21 =	sadd.s32 $0x2, s18  }
0x2f8: {  	v58 =	vmov s21  }
0x2f9: {  	[tilespmem:v4+s13+$0x0] =	vst.idx.msk $0xffff, v5;
	v4 =	vand.u32 $0x7E, v58  }
0x2fa: {  	v5 =	vld [tilespmem:s2+$0x0];
	v6 =	vadd.s32 v0, v4;
	_ =	sdelay $0x4  }
0x2fb: {  	[tilespmem:v6+s13+$0x0] =	vst.idx.msk $0xffff, v5  }
0x2fc: {  	v59 =	vadd.s32 v1, v4;
	v5 =	vld [tilespmem:s2+$0x10];
	_ =	sdelay $0x4  }
0x2fd: {  	[tilespmem:v59+s13+$0x0] =	vst.idx.msk $0xffff, v5  }
0x2fe: {  	v60 =	vadd.s32 v2, v4;
	v5 =	vld [tilespmem:s2+$0x20];
	_ =	sdelay $0x4  }
0x2ff: {  	[tilespmem:v60+s13+$0x0] =	vst.idx.msk $0xffff, v5  }
0x300: {  	v4 =	vadd.s32 v3, v4;
	v5 =	vld [tilespmem:s2+$0x30];
	_ =	sdelay $0x2  }
0x301: {  	s31 =	sadd.s32 $0x3, s18  }
0x302: {  	v61 =	vmov s31  }
0x303: {  	[tilespmem:v4+s13+$0x0] =	vst.idx.msk $0xffff, v5;
	v4 =	vand.u32 $0x7F, v61  }
0x304: {  	v5 =	vld [tilespmem:s2+$0x40];
	v6 =	vadd.s32 v0, v4;
	_ =	sdelay $0x4  }
0x305: {  	[tilespmem:v6+s13+$0x0] =	vst.idx.msk $0xffff, v5  }
0x306: {  	v62 =	vadd.s32 v1, v4;
	v5 =	vld [tilespmem:s2+$0x50];
	_ =	sdelay $0x4  }
0x307: {  	[tilespmem:v62+s13+$0x0] =	vst.idx.msk $0xffff, v5  }
0x308: {  	v63 =	vadd.s32 v2, v4;
	v5 =	vld [tilespmem:s2+$0x60];
	_ =	sdelay $0x4  }
0x309: {  	[tilespmem:v63+s13+$0x0] =	vst.idx.msk $0xffff, v5  }
0x30a: {  	v4 =	vadd.s32 v3, v4;
	v5 =	vld [tilespmem:s2+$0x70];
	_ =	sdelay $0x4  }
0x30b: {  	s16 =	sadd.s32 $0x180, s15;
	s15 =	simm.s32 $0xE800;
	[tilespmem:v4+s13+$0x0] =	vst.idx.msk $0xffff, v5  }
0x30c: {  	[hbm4b:s16+s3] =	stream.linear.scatter [tilespmem:s15], [sflag:$0xC], $0x80, $0x38;
	[tilespmem:$0x10A00] =	vst v63  }
0x30d: {  	s18 =	simm.s32 $0xE888;
	s15 =	sadd.s32 $0x10, s16  }
0x30e: {  	[hbm4b:s15+s3] =	stream.linear.scatter [tilespmem:s18], [sflag:$0xC], $0x80, $0x38;
	[tilespmem:$0x10A00] =	vst v63  }
0x30f: {  	s19 =	simm.s32 $0xE910;
	s20 =	sadd.s32 $0x20, s16;
	s21 =	simm.s32 $0xE998  }
0x310: {  	[hbm4b:s20+s3] =	stream.linear.scatter [tilespmem:s19], [sflag:$0xC], $0x80, $0x38;
	[tilespmem:$0x10A00] =	vst v63  }
0x311: {  	s31 =	sadd.s32 $0x30, s16;
	s2 =	simm.s32 $0xEBB8;
	s15 =	simm.s32 $0xEA20  }
0x312: {  	[hbm4b:s31+s3] =	stream.linear.scatter [tilespmem:s21], [sflag:$0xC], $0x80, $0x38;
	[tilespmem:$0x10A00] =	vst v63  }
0x313: {  	s18 =	sadd.s32 $0x40, s16;
	s19 =	simm.s32 $0xEAA8;
	s20 =	sadd.s32 $0x50, s16  }
0x314: {  	[hbm4b:s18+s3] =	stream.linear.scatter [tilespmem:s15], [sflag:$0xC], $0x80, $0x38;
	[tilespmem:$0x10A00] =	vst v63  }
0x315: {  	s21 =	simm.s32 $0xEB30;
	s31 =	sadd.s32 $0x60, s16;
	s15 =	simm.s32 $0x440  }
0x316: {  	[hbm4b:s20+s3] =	stream.linear.scatter [tilespmem:s19], [sflag:$0xC], $0x80, $0x38;
	[tilespmem:$0x10A00] =	vst v63  }
0x317: {  	s18 =	simm.s32 $0x2200;
	s19 =	sadd.s32 $0x70, s16;
	s16 =	sadd.s32 $0x400, s16  }
0x318: {  	[hbm4b:s31+s3] =	stream.linear.scatter [tilespmem:s21], [sflag:$0xC], $0x80, $0x38;
	[tilespmem:$0x10A00] =	vst v63  }
.LBB2_29:
0x319: {  	[hbm4b:s19+s3] =	stream.linear.scatter [tilespmem:s2], [sflag:$0xC], $0x80, $0x38;
	[tilespmem:$0x10A00] =	vst v63  }
0x31a: {  	s2 =	smov.u32 s15;
	s15 =	smov.u32 s18  }
0x31b: {  	s20 =	sadd.s32 $0x1100, s18;
	s15 =	sshra.s32 s15, $0x2;
	s19 =	sadd.s32 $0xE800, s2  }
0x31c: {  	[hbm4b:s16+s3] =	stream.linear.scatter [tilespmem:s19], [sflag:$0xC], $0x80, $0x38;
	[tilespmem:$0x10A00] =	vst v63  }
0x31d: {  	p0 =	sne.s32 s18, $0x7700;
	s18 =	sadd.s32 $0xE888, s2;
	s19 =	sadd.s32 $0x10, s16  }
0x31e: {  	[hbm4b:s19+s3] =	stream.linear.scatter [tilespmem:s18], [sflag:$0xC], $0x80, $0x38;
	[tilespmem:$0x10A00] =	vst v63  }
0x31f: {  	s18 =	sadd.s32 $0xE910, s2;
	s19 =	sadd.s32 $0x20, s16  }
0x320: {  	[hbm4b:s19+s3] =	stream.linear.scatter [tilespmem:s18], [sflag:$0xC], $0x80, $0x38;
	[tilespmem:$0x10A00] =	vst v63  }
0x321: {  	s18 =	sadd.s32 $0xE998, s2;
	s19 =	sadd.s32 $0x30, s16  }
0x322: {  	[hbm4b:s19+s3] =	stream.linear.scatter [tilespmem:s18], [sflag:$0xC], $0x80, $0x38;
	[tilespmem:$0x10A00] =	vst v63  }
0x323: {  	s18 =	sadd.s32 $0xEA20, s2;
	s19 =	sadd.s32 $0x40, s16  }
0x324: {  	[hbm4b:s19+s3] =	stream.linear.scatter [tilespmem:s18], [sflag:$0xC], $0x80, $0x38;
	[tilespmem:$0x10A00] =	vst v63  }
.Ltmp18:
0x325: {  	s18 =	sadd.s32 $0xEAA8, s2;
	s19 =	sadd.s32 $0x50, s16;
	(pc) =	sbr.rel @p0 .LBB2_29-.Ltmp18, $4  }
0x326: {  	[hbm4b:s19+s3] =	stream.linear.scatter [tilespmem:s18], [sflag:$0xC], $0x80, $0x38;
	[tilespmem:$0x10A00] =	vst v63  }
0x327: {  	s18 =	sadd.s32 $0xEB30, s2;
	s19 =	sadd.s32 $0x60, s16;
	s2 =	sadd.s32 $0xEBB8, s2  }
0x328: {  	[hbm4b:s19+s3] =	stream.linear.scatter [tilespmem:s18], [sflag:$0xC], $0x80, $0x38;
	[tilespmem:$0x10A00] =	vst v63  }
0x329: {  	s19 =	sadd.s32 $0x70, s16;
	s16 =	sadd.s32 $0x400, s16;
	s18 =	smov.u32 s20  }
0x32a: {  	[hbm4b:s19+s3] =	stream.linear.scatter [tilespmem:s2], [sflag:$0xC], $0x80, $0x38;
	[tilespmem:$0x10A00] =	vst v63  }
0x32b: {  	s21 =	sadd.s32 $0xE800, s15  }
0x32c: {  	[hbm4b:s16+s3] =	stream.linear.scatter [tilespmem:s21], [sflag:$0xC], $0x80, $0x38;
	[tilespmem:$0x10A00] =	vst v63  }
0x32d: {  	s31 =	sadd.s32 $0xE888, s15;
	s18 =	sadd.s32 $0x10, s16  }
0x32e: {  	[hbm4b:s18+s3] =	stream.linear.scatter [tilespmem:s31], [sflag:$0xC], $0x80, $0x38;
	[tilespmem:$0x10A00] =	vst v63  }
0x32f: {  	s19 =	sadd.s32 $0xE910, s15;
	s20 =	sadd.s32 $0x20, s16  }
0x330: {  	[hbm4b:s20+s3] =	stream.linear.scatter [tilespmem:s19], [sflag:$0xC], $0x80, $0x38;
	[tilespmem:$0x10A00] =	vst v63  }
0x331: {  	s21 =	sadd.s32 $0xE998, s15;
	s31 =	sadd.s32 $0x30, s16  }
0x332: {  	[hbm4b:s31+s3] =	stream.linear.scatter [tilespmem:s21], [sflag:$0xC], $0x80, $0x38;
	[tilespmem:$0x10A00] =	vst v63  }
0x333: {  	s19 =	sadd.s32 $0xEA20, s15;
	s20 =	sadd.s32 $0x40, s16  }
0x334: {  	[hbm4b:s20+s3] =	stream.linear.scatter [tilespmem:s19], [sflag:$0xC], $0x80, $0x38;
	[tilespmem:$0x10A00] =	vst v63  }
0x335: {  	p0 =	seq.s32 s7, $0x3F;
	s21 =	sadd.s32 $0xEAA8, s15;
	s31 =	sadd.s32 $0x50, s16  }
0x336: {  	[hbm4b:s31+s3] =	stream.linear.scatter [tilespmem:s21], [sflag:$0xC], $0x80, $0x38;
	[tilespmem:$0x10A00] =	vst v63  }
.Ltmp19:
0x337: {  	_ = 	snop;
	(pc) =	sbr.rel @p0 .LBB2_32-.Ltmp19, $4  }
0x338: {  	s19 =	sadd.s32 $0xEB30, s15;
	s20 =	sadd.s32 $0x60, s16  }
0x339: {  	[hbm4b:s20+s3] =	stream.linear.scatter [tilespmem:s19], [sflag:$0xC], $0x80, $0x38;
	[tilespmem:$0x10A00] =	vst v63  }
0x33a: {  	s21 =	sadd.s32 $0xEBB8, s15;
	s31 =	sadd.s32 $0x70, s16  }
0x33b: {  	[hbm4b:s31+s3] =	stream.linear.scatter [tilespmem:s21], [sflag:$0xC], $0x80, $0x38;
	[tilespmem:$0x10A00] =	vst v63  }
0x33c: {  	s2 =	sadd.s32 $0x7, s14  }
0x33d: {  	s14 =	sand.u32 $0x7, s2;
	s2 =	sshrl.u32 s2, $0x3  }
0x33e: {  	s2 =	sadd.s32 s4, s2;
	s15 =	sshll.u32 s14, $0x4  }
0x33f: {  	s2 =	sshll.u32 s2, $0x7;
	s15 =	sadd.s32 s5, s15  }
0x340: {  	s18 =	sshll.u32 s14, $0xA;
	s2 =	sadd.s32 s2, s15;
	s15 =	simm.s32 $0x180  }
0x341: {  	[tilespmem:s15], [sflag:$0x4] =	stream.linear.gather [hbm4b:s2+s3], $0x80, $0x38;
	[tilespmem:$0x10A00] =	vst v63  }
0x342: {  	s16 =	simm.s32 $0x6200;
	s2 =	sadd.s32 s8, s18  }
0x343: {  	[tilespmem:s16], [sflag:$0x4] =	stream.linear.gather [hbm4b:s2+s3], $0x2000, $0x38;
	[tilespmem:$0x10A00] =	vst v63  }
0x344: {  	_ =	swait.ge [sflag:s23], $0x80  }
0x345: {  	[sflag:s23] =	ssyncset.done $0x0  }
0x346: {  	[sflag:s23] =	ssyncadd.s32 $0xFFFFFF80  }
0x347: {  	_ =	swait.ge [sflag:s23], $0x2000  }
0x348: {  	[sflag:s23] =	ssyncset.done $0x0  }
0x349: {  	s19 =	simm.s32 $0x200;
	[sflag:s23] =	ssyncadd.s32 $0xFFFFE000  }
0x34a: {  	[tilespmem:s19], [sflag:$0x5] =	stream.indirect.gather.add.f32 [hbm:s6], $0x40, s3, s17, $0xb8;
	[tilespmem:$0x10A00] =	vst v63  }
0x34b: {  	_ =	swait.ge [sflag:s24], $0x80  }
0x34c: {  	[sflag:s24] =	ssyncset.done $0x0  }
0x34d: {  	[sflag:s24] =	ssyncadd.s32 $0xFFFFFF80  }
0x34e: {  	_ =	swait.ge [sflag:s24], $0x2000  }
0x34f: {  	[sflag:s24] =	ssyncset.done $0x0  }
0x350: {  	s20 =	simm.s32 $0x2200;
	[sflag:s24] =	ssyncadd.s32 $0xFFFFE000  }
0x351: {  	[tilespmem:s20], [sflag:$0x6] =	stream.indirect.gather.add.f32 [hbm:s6], $0x40, s17, s17, $0xb8;
	[tilespmem:$0x10A00] =	vst v63  }
0x352: {  	_ =	swait.ge [sflag:s25], $0x80  }
0x353: {  	[sflag:s25] =	ssyncset.done $0x0  }
0x354: {  	[sflag:s25] =	ssyncadd.s32 $0xFFFFFF80  }
0x355: {  	_ =	swait.ge [sflag:s25], $0x2000  }
0x356: {  	[sflag:s25] =	ssyncset.done $0x0  }
0x357: {  	s21 =	simm.s32 $0x100;
	s31 =	simm.s32 $0x4200;
	[sflag:s25] =	ssyncadd.s32 $0xFFFFE000  }
0x358: {  	[tilespmem:s31], [sflag:$0x7] =	stream.indirect.gather.add.f32 [hbm:s6], $0x40, s21, s17, $0xb8;
	[tilespmem:$0x10A00] =	vst v63  }
0x359: {  	_ =	swait.ge [sflag:s26], $0x80  }
0x35a: {  	[sflag:s26] =	ssyncset.done $0x0  }
.Ltmp20:
0x35b: {  	[sflag:s26] =	ssyncadd.s32 $0xFFFFFF80;
	(pc) =	sbr.rel .LBB2_2-.Ltmp20, $4  }
0x35c: {  	_ =	swait.ge [sflag:s26], $0x2000  }
0x35d: {  	[sflag:s26] =	ssyncset.done $0x0  }
0x35e: {  	s7 =	sadd.s32 $0x1, s7;
	[sflag:s26] =	ssyncadd.s32 $0xFFFFE000  }
0x35f: {  	[tilespmem:s16], [sflag:$0x8] =	stream.indirect.gather.add.f32 [hbm:s6], $0x40, s15, s17, $0xb8;
	[tilespmem:$0x10A00] =	vst v63  }
.LBB2_33:
0x360: {  	_ =	sfence.sel $0x180000  }
0x361: {  	[bflag:$0x0] =	sbarrier.arrive $0xFFFF  }
0x362: {  	_ =	strace $0x90000047  }
0x363: {  	s0 =	stileid.u32;
	[bflag:$0x2] =	sbarrier.arrive $0xFFFF  }
0x364: {  	p0 =	sne.s32 s0, $0x0;
	s0 =	rddreg [dreg:$0x2]  }
0x365: {  	s0 =	sadd.s32 @!p0 $0x100000, s0  }
0x366: {  	[sflag:s0] =	ssyncadd.tile.s32 @!p0 $0x1;
	_ =	shalt  }
.Lfunc_end2:
_tile_overlayer_lowered:
.L_overlay_start_2:
0x367: {  	(tag) =	ssettag $0x2  }
0x368: {  	s0 =	rddreg [dreg:$0x0];
	s2 =	stileid.u32  }
0x369: {  	s1 =	rddreg [dreg:$0x1];
	p0 =	sne.s32 s2, $0x0  }
0x36a: {  	s3 =	rddreg [dreg:$0x2];
	[bflag:$0x3] =	sbarrier.arrive $0xFFFF;
	s2 =	simm.s32 @!p0 $0x1C0D  }
0x36b: {  	[timem:s3], [sflag:s2] =	dma.local @!p0 [hbm:s0], s1  }
0x36c: {  	s0 =	simm.s32 @!p0 $0xD  }
0x36d: {  	_ =	swait.ge @!p0 [sflag:s0], s1  }
0x36e: {  	s1 =	ssub.s32 @!p0 $0x0, s1;
	[sflag:s0] =	ssyncset.done @!p0 $0x0  }
0x36f: {  	[sflag:s0] =	ssyncadd.s32 @!p0 s1  }
0x370: {  	[bflag:$0x3] =	sbarrier.arrive $0xFFFF  }
0x371: {  	_ =	shalt  }

</sc_bundles>
